<compile_context>
chip_gen: v7x
topology: tpu7x:2x2x1
jax: 0.10.2.dev20260603
libtpu: 0.0.44.dev20260713+nightly
codegen_flags: <defaults>
</compile_context>

<pallas_src>
import functools

import jax
import jax.numpy as jnp
from jax import lax
from jax.experimental import pallas as pl
from jax.experimental.pallas import tpu as pltpu
from jax.experimental.pallas import tpu_sc as plsc

L = 16
NC = 2
NS = 16
NW = NC * NS


def _pack_body(src_ref, dst_ref):
    dst_ref[...] = jnp.pad(
        src_ref[...].T, ((0, 0), (0, 128 - src_ref.shape[0])))


def _pack128(x_t, block_cols):
    d, v = x_t.shape
    return pl.pallas_call(
        _pack_body,
        grid=(pl.cdiv(v, block_cols),),
        in_specs=[pl.BlockSpec((d, block_cols), lambda i: (0, i))],
        out_specs=pl.BlockSpec((block_cols, 128), lambda i: (i, 0)),
        out_shape=jax.ShapeDtypeStruct((v, 128), x_t.dtype),
    )(x_t)


def _sc_logits(emb, tyn, b, nneg, chunk):
    kv = emb // L
    ku = kv + 1
    pb = b // NW
    iters = pb // chunk
    grp = chunk // L
    nvec = chunk * nneg // L
    nrows = chunk * nneg // 128
    slab = pb * nneg // 128

    mesh = plsc.VectorSubcoreMesh(core_axis_name="c", subcore_axis_name="s")

    @functools.partial(
        pl.kernel,
        mesh=mesh,
        compiler_params=pltpu.CompilerParams(use_tc_tiling_on_sc=False,
                                             needs_layout_passes=False),
        out_type=[
            jax.ShapeDtypeStruct((b, L), jnp.float32),
            jax.ShapeDtypeStruct((b, L), jnp.float32),
            jax.ShapeDtypeStruct((b, L), jnp.float32),
        ],
        scratch_types=[
            pltpu.VMEM((chunk,), jnp.int32),
            pltpu.VMEM((chunk,), jnp.int32),
            pltpu.VMEM((slab, 128), jnp.int32),
            pltpu.VMEM((chunk * 4,), jnp.int32),
            pltpu.VMEM((chunk * 5,), jnp.int32),
            pltpu.VMEM((chunk * nneg * 5,), jnp.int32),
            pltpu.VMEM((chunk * 4, L), jnp.float32),
            pltpu.VMEM((chunk * 5, L), jnp.float32),
            pltpu.VMEM((chunk * nneg * 5, L), jnp.float32),
            pltpu.VMEM((emb, L), jnp.float32),
            pltpu.VMEM((emb + L,), jnp.float32),
            pltpu.VMEM((chunk, L), jnp.float32),
            pltpu.VMEM((chunk, L), jnp.float32),
            pltpu.VMEM((chunk, L), jnp.float32),
            pltpu.SemaphoreType.DMA,
        ],
    )
    def sc_kernel(tgt_hbm, ctx_hbm, neg_hbm, wt_hbm, vtab_hbm, utab_hbm,
                  pos_hbm, negs_hbm, tp_hbm,
                  ti_v, ci_v, ni_v, vi_v, ui_v, gi_v, v_v, u_v, n_v,
                  wt_v, vcat_v, pos_o, negs_o, tp_o, sem):
        wid = lax.axis_index("s") * NC + lax.axis_index("c")
        base = wid * pb
        pltpu.sync_copy(wt_hbm, wt_v)
        pltpu.sync_copy(neg_hbm.at[pl.ds(wid * slab, slab)], ni_v)
        lanes = lax.iota(jnp.int32, L)

        def body_b(bi, carry):
            tp = jnp.zeros((L,), jnp.float32)
            for c in range(kv):
                vv = v_v[kv * bi + c, :]
                for lane in range(L):
                    tp = tp + vv[lane] * wt_v[c * L + lane, :]
            az = jnp.exp(-jnp.abs(tp))
            inv = 1.0 / (1.0 + az)
            sig = jnp.where(tp >= 0.0, inv, az * inv)
            tp_o[bi, :] = tp
            for c in range(kv):
                vcat_v[pl.ds(c * L, L)] = v_v[kv * bi + c, :]
            vcat_v[pl.ds(emb, L)] = sig
            accp = jnp.zeros((L,), jnp.float32)
            accn = jnp.zeros((L,), jnp.float32)
            for c in range(ku):
                vc = vcat_v[pl.ds(c * L, L)]
                up = u_v[ku * bi + c, :] * vc
                srow = jnp.zeros((L,), jnp.float32)
                for ni in range(nneg):
                    srow = srow + n_v[(bi * nneg + ni) * ku + c, :]
                accp = accp + up
                accn = accn + srow * vc
            pos_o[bi, :] = accp
            negs_o[bi, :] = accn
            return carry

        def neg_idx_body(j, carry):
            vec = ni_v[carry + (j // 8), pl.ds((j % 8) * L, L)]
            blk = vec * 8
            q0 = (j * L + lanes) * ku
            for k in range(ku):
                plsc.store_scatter(gi_v, [q0 + k], blk + k)
            return carry

        def chunk_body(it, carry):
            cb = base + it * chunk
            pltpu.sync_copy(tgt_hbm.at[pl.ds(cb, chunk)], ti_v)
            pltpu.sync_copy(ctx_hbm.at[pl.ds(cb, chunk)], ci_v)
            for g in range(grp):
                tvec = ti_v[pl.ds(g * L, L)] * 8
                cvec = ci_v[pl.ds(g * L, L)] * 8
                for k in range(kv):
                    plsc.store_scatter(
                        vi_v, [(g * L + lanes) * kv + k], tvec + k)
                for k in range(ku):
                    plsc.store_scatter(
                        ui_v, [(g * L + lanes) * ku + k], cvec + k)
            lax.fori_loop(0, nvec, neg_idx_body, it * nrows)
            half = chunk * 5 // 2
            cps = [pltpu.async_copy(vtab_hbm.at[vi_v], v_v, sem)]
            for g in range(2):
                cps.append(pltpu.async_copy(
                    utab_hbm.at[ui_v.at[pl.ds(g * half, half)]],
                    u_v.at[pl.ds(g * half, half)], sem))
            for j in range(chunk * nneg * 5 // 128):
                cps.append(pltpu.async_copy(
                    utab_hbm.at[gi_v.at[pl.ds(j * 128, 128)]],
                    n_v.at[pl.ds(j * 128, 128)], sem))
            for cp in cps:
                cp.wait()
            lax.fori_loop(0, chunk, body_b, 0)
            pltpu.sync_copy(pos_o, pos_hbm.at[pl.ds(cb, chunk)])
            pltpu.sync_copy(negs_o, negs_hbm.at[pl.ds(cb, chunk)])
            pltpu.sync_copy(tp_o, tp_hbm.at[pl.ds(cb, chunk)])
            return carry

        lax.fori_loop(0, iters, chunk_body, 0)

    return sc_kernel


def _tc_loss_body(b, tyn, tp_ref, ty_ref, m_ref, pos_ref, ns_ref,
                  loss_ref, tl_ref):
    tp = tp_ref[...]
    ty = ty_ref[...]
    m = m_ref[...]
    bce = jnp.maximum(tp, 0.0) - tp * ty + jnp.log1p(jnp.exp(-jnp.abs(tp)))
    tl_ref[...] = (jnp.sum(m * bce) / (b * tyn))[None, None]

    def log_sig(x):
        return jnp.minimum(x, 0.0) - jnp.log1p(jnp.exp(-jnp.abs(x)))

    lane = jax.lax.broadcasted_iota(jnp.int32, (128, 8), 0)
    grp = jax.lax.broadcasted_iota(jnp.int32, (128, 8), 1)
    sel = (lane // L == grp).astype(jnp.float32)
    p = jax.lax.dot_general(pos_ref[...], sel, (((1,), (0,)), ((), ())),
                            preferred_element_type=jnp.float32)
    ns = jax.lax.dot_general(ns_ref[...], sel, (((1,), (0,)), ((), ())),
                             preferred_element_type=jnp.float32)
    loss_ref[...] = (-jnp.sum(log_sig(p) + log_sig(-ns)) / b)[None, None]


def kernel(target_input, type_input, context, types, neg, type_mask,
           input_emb, output_emb, type_pred_w):
    b = target_input.shape[0]
    nneg = neg.shape[1]
    vocab, emb = input_emb.shape
    tyn = type_pred_w.shape[0]
    chunk = 32

    tgt = target_input.astype(jnp.int32)
    ctx = context.astype(jnp.int32)
    neg2d = neg.astype(jnp.int32).reshape(b * nneg // 128, 128)
    wt = jnp.zeros((emb, L), jnp.float32).at[:, :tyn].set(type_pred_w.T)

    vtab = _pack128(input_emb.T, 16384).reshape(vocab * 8, L)
    utab = _pack128(output_emb.T, 16384).reshape(vocab * 8, L)

    sc = _sc_logits(emb, tyn, b, nneg, chunk)
    pos, negs, tp16 = sc(tgt, ctx, neg2d, wt, vtab, utab)

    rows = b * L // 128
    ty16 = jnp.pad(types, ((0, 0), (0, L - tyn)))
    m16 = jnp.pad(type_mask, ((0, 0), (0, L - tyn)))
    loss, tloss = pl.pallas_call(
        functools.partial(_tc_loss_body, b, tyn),
        out_shape=[jax.ShapeDtypeStruct((1, 1), jnp.float32),
                   jax.ShapeDtypeStruct((1, 1), jnp.float32)],
    )(tp16.reshape(rows, 128), ty16.reshape(rows, 128),
      m16.reshape(rows, 128), pos.reshape(rows, 128),
      negs.reshape(rows, 128))
    return (loss[0, 0], tloss[0, 0])

# --- scband reference (transcript-rebuilt; emitter-appended) ---
"""Pipeline reference for scband-skip-gram-neg-28836410425921 (READ-ONLY COPY).

The authoritative reference and input builder live on the scoring server;
editing this copy changes nothing except your own understanding.
"""

import jax, jax.numpy as jnp
import numpy as np

VOCAB = 1000000
EMB = 64
TYPE_NUM = 13
B = 16384
NNEG = 20

def setup_inputs(seed: int = 0) -> dict:
    key = jax.random.key(seed)
    k1, k2, k3, k4, k5, k6, k7, k8 = jax.random.split(key, 8)
    target_input = jax.random.randint(k1, (B,), 0, VOCAB, dtype=jnp.int64 if jax.config.jax_enable_x64 else jnp.int32)
    type_input = jax.random.randint(k2, (B,), 0, TYPE_NUM, dtype=jnp.int32)
    context = jax.random.randint(k3, (B,), 0, VOCAB, dtype=jnp.int32)
    types = jax.random.uniform(k4, (B, TYPE_NUM), dtype=jnp.float32)
    neg = jax.random.randint(k5, (B, NNEG), 0, VOCAB, dtype=jnp.int32)
    type_mask = jnp.ones((B, TYPE_NUM), dtype=jnp.float32)
    initrange = (2.0 / (VOCAB + EMB)) ** 0.5
    input_emb = jax.random.uniform(k6, (VOCAB, EMB), dtype=jnp.float32, minval=-initrange, maxval=initrange)
    # original inits output_emb to zeros; use small random so grads/values are nontrivial but faithful structurally
    output_emb = jnp.zeros((VOCAB, EMB + TYPE_NUM), dtype=jnp.float32)
    type_pred_w = jax.random.normal(k8, (TYPE_NUM, EMB), dtype=jnp.float32) * 0.05
    return {"target_input": target_input, "type_input": type_input, "context": context,
            "types": types, "neg": neg, "type_mask": type_mask,
            "input_emb": input_emb, "output_emb": output_emb, "type_pred_w": type_pred_w}

def _bce_with_logits(logits, targets, weight):
    # matches F.binary_cross_entropy_with_logits with weight, mean reduction
    loss = jnp.maximum(logits, 0.0) - logits * targets + jnp.log1p(jnp.exp(-jnp.abs(logits)))
    return jnp.mean(weight * loss)

def reference(target_input, type_input, context, types, neg, type_mask, input_emb, output_emb, type_pred_w):
    v = jnp.take(input_emb, target_input, axis=0)            # [B, EMB] gather
    u = jnp.take(output_emb, context, axis=0)                # [B, EMB+TYPE_NUM] gather
    type_pred = v @ type_pred_w.T                            # [B, TYPE_NUM]
    type_loss = _bce_with_logits(type_pred, types, type_mask)
    v_cat = jnp.concatenate([v, jax.nn.sigmoid(type_pred)], axis=1)  # [B, EMB+TYPE_NUM]
    positive_val = jax.nn.log_sigmoid(jnp.sum(u * v_cat, axis=1))    # [B]
    u_hat = jnp.take(output_emb, neg, axis=0)                # [B, NNEG, EMB+TYPE_NUM] gather
    neg_vals = jnp.einsum('bnd,bd->bn', u_hat, v_cat)        # bmm
    neg_val = jax.nn.log_sigmoid(-jnp.sum(neg_vals, axis=1)) # [B]
    loss = positive_val + neg_val
    return (-jnp.mean(loss), type_loss)

if __name__ == "__main__":
    import jax
    _d = setup_inputs()
    print(jax.jit(kernel)(*tuple(_d.values())))

</pallas_src>

<mosaic_0001>
#map = affine_map<(d0, d1) -> (0)>
#map1 = affine_map<(d0, d1) -> (0, 0)>
module attributes {stable_mosaic.version = 14 : i64} {
  func.func @sc_kernel(%arg0: i32, %arg1: i32, %arg2: memref<16384xi32, #tpu.memory_space<hbm>>, %arg3: memref<16384xi32, #tpu.memory_space<hbm>>, %arg4: memref<2560x128xi32, #tpu.memory_space<hbm>>, %arg5: memref<64x16xf32, #tpu.memory_space<hbm>>, %arg6: memref<8000000x16xf32, #tpu.memory_space<hbm>>, %arg7: memref<8000000x16xf32, #tpu.memory_space<hbm>>, %arg8: memref<16384x16xf32, #tpu.memory_space<hbm>>, %arg9: memref<16384x16xf32, #tpu.memory_space<hbm>>, %arg10: memref<16384x16xf32, #tpu.memory_space<hbm>>, %arg11: memref<32xi32, #tpu.memory_space<vmem>>, %arg12: memref<32xi32, #tpu.memory_space<vmem>>, %arg13: memref<80x128xi32, #tpu.memory_space<vmem>>, %arg14: memref<128xi32, #tpu.memory_space<vmem>>, %arg15: memref<160xi32, #tpu.memory_space<vmem>>, %arg16: memref<3200xi32, #tpu.memory_space<vmem>>, %arg17: memref<128x16xf32, #tpu.memory_space<vmem>>, %arg18: memref<160x16xf32, #tpu.memory_space<vmem>>, %arg19: memref<3200x16xf32, #tpu.memory_space<vmem>>, %arg20: memref<64x16xf32, #tpu.memory_space<vmem>>, %arg21: memref<80xf32, #tpu.memory_space<vmem>>, %arg22: memref<32x16xf32, #tpu.memory_space<vmem>>, %arg23: memref<32x16xf32, #tpu.memory_space<vmem>>, %arg24: memref<32x16xf32, #tpu.memory_space<vmem>>, %arg25: memref<!tpu.dma_semaphore, #tpu.memory_space<semaphore_mem>>) attributes {dimension_semantics = [#tpu.dimension_semantics<core_parallel>, #tpu.dimension_semantics<subcore_parallel>], iteration_bounds = array<i64: 2, 16>, scalar_prefetch = 0 : i64, scratch_operands = 15 : i64, tpu.core_type = #tpu.core_type<sc_vector_subcore>, window_params = [{transform_indices = #map}, {transform_indices = #map}, {transform_indices = #map1}, {transform_indices = #map1}, {transform_indices = #map1}, {transform_indices = #map1}, {transform_indices = #map1}, {transform_indices = #map1}, {transform_indices = #map1}]} {
    %mul3A = arith.constant 2 : i32
    %mul3A_0 = arith.muli %arg1, %mul3A : i32
    %add3A = arith.addi %mul3A_0, %arg0 : i32
    %mul3A_1 = arith.constant 512 : i32
    %mul3A_2 = arith.muli %add3A, %mul3A_1 : i32
    "tpu.region"() ({
      %run_scoped3A = tpu.sem_alloc : memref<!tpu.dma_semaphore, #tpu.memory_space<semaphore_mem>>
      tpu.enqueue_dma source(%arg5 : memref<64x16xf32, #tpu.memory_space<hbm>>) target(%arg20 : memref<64x16xf32, #tpu.memory_space<vmem>>) target_semaphore(%run_scoped3A : memref<!tpu.dma_semaphore, #tpu.memory_space<semaphore_mem>>)
      tpu.wait_dma2 semaphore(%run_scoped3A : memref<!tpu.dma_semaphore, #tpu.memory_space<semaphore_mem>>) src(%arg5 : memref<64x16xf32, #tpu.memory_space<hbm>>) dst(%arg20 : memref<64x16xf32, #tpu.memory_space<vmem>>)
      tpu.yield
    }) : () -> ()
    %mul3A_3 = arith.constant 80 : i32
    %mul3A_4 = arith.muli %add3A, %mul3A_3 : i32
    "tpu.region"() ({
      %run_scoped3A = tpu.sem_alloc : memref<!tpu.dma_semaphore, #tpu.memory_space<semaphore_mem>>
      %dma_start3A = arith.constant 0 : i32
      %dma_start3A_10 = tpu.memref_slice %arg4[%mul3A_4, %dma_start3A] : memref<2560x128xi32, #tpu.memory_space<hbm>> -> memref<80x128xi32, #tpu.memory_space<hbm>>
      %dma_start3A_11 = arith.constant 0 : i32
      %dma_start3A_12 = tpu.memref_slice %arg4[%mul3A_4, %dma_start3A_11] : memref<2560x128xi32, #tpu.memory_space<hbm>> -> memref<80x128xi32, #tpu.memory_space<hbm>>
      tpu.enqueue_dma source(%dma_start3A_12 : memref<80x128xi32, #tpu.memory_space<hbm>>) target(%arg13 : memref<80x128xi32, #tpu.memory_space<vmem>>) target_semaphore(%run_scoped3A : memref<!tpu.dma_semaphore, #tpu.memory_space<semaphore_mem>>)
      %dma_wait3A = arith.constant 0 : i32
      %dma_wait3A_13 = tpu.memref_slice %arg4[%mul3A_4, %dma_wait3A] : memref<2560x128xi32, #tpu.memory_space<hbm>> -> memref<80x128xi32, #tpu.memory_space<hbm>>
      %dma_wait3A_14 = arith.constant 0 : i32
      %dma_wait3A_15 = tpu.memref_slice %arg4[%mul3A_4, %dma_wait3A_14] : memref<2560x128xi32, #tpu.memory_space<hbm>> -> memref<80x128xi32, #tpu.memory_space<hbm>>
      tpu.wait_dma2 semaphore(%run_scoped3A : memref<!tpu.dma_semaphore, #tpu.memory_space<semaphore_mem>>) src(%dma_wait3A_15 : memref<80x128xi32, #tpu.memory_space<hbm>>) dst(%arg13 : memref<80x128xi32, #tpu.memory_space<vmem>>)
      tpu.yield
    }) : () -> ()
    %iota3A = tpu.iota {dimensions = array<i32: 0>} : vector<16xi32>
    %scan3A = arith.constant 0 : i32
    %scan3A_5 = arith.constant 0 : i32
    %scan3A_6 = arith.constant 16 : i32
    %scan3A_7 = arith.addi %scan3A_5, %scan3A_6 : i32
    %scan3A_8 = arith.constant 1 : i32
    scf.for %scan3A_10 = %scan3A_5 to %scan3A_7 step %scan3A_8  : i32 {
      %mul3A_11 = arith.constant 32 : i32
      %mul3A_12 = arith.muli %scan3A_10, %mul3A_11 : i32
      %add3A_13 = arith.addi %mul3A_2, %mul3A_12 : i32
      "tpu.region"() ({
        %run_scoped3A = tpu.sem_alloc : memref<!tpu.dma_semaphore, #tpu.memory_space<semaphore_mem>>
        %dma_start3A_698 = tpu.memref_slice %arg2[%add3A_13] : memref<16384xi32, #tpu.memory_space<hbm>> -> memref<32xi32, #tpu.memory_space<hbm>>
        %dma_start3A_699 = tpu.memref_slice %arg2[%add3A_13] : memref<16384xi32, #tpu.memory_space<hbm>> -> memref<32xi32, #tpu.memory_space<hbm>>
        tpu.enqueue_dma source(%dma_start3A_699 : memref<32xi32, #tpu.memory_space<hbm>>) target(%arg11 : memref<32xi32, #tpu.memory_space<vmem>>) target_semaphore(%run_scoped3A : memref<!tpu.dma_semaphore, #tpu.memory_space<semaphore_mem>>)
        %dma_wait3A_700 = tpu.memref_slice %arg2[%add3A_13] : memref<16384xi32, #tpu.memory_space<hbm>> -> memref<32xi32, #tpu.memory_space<hbm>>
        %dma_wait3A_701 = tpu.memref_slice %arg2[%add3A_13] : memref<16384xi32, #tpu.memory_space<hbm>> -> memref<32xi32, #tpu.memory_space<hbm>>
        tpu.wait_dma2 semaphore(%run_scoped3A : memref<!tpu.dma_semaphore, #tpu.memory_space<semaphore_mem>>) src(%dma_wait3A_701 : memref<32xi32, #tpu.memory_space<hbm>>) dst(%arg11 : memref<32xi32, #tpu.memory_space<vmem>>)
        tpu.yield
      }) : () -> ()
      "tpu.region"() ({
        %run_scoped3A = tpu.sem_alloc : memref<!tpu.dma_semaphore, #tpu.memory_space<semaphore_mem>>
        %dma_start3A_698 = tpu.memref_slice %arg3[%add3A_13] : memref<16384xi32, #tpu.memory_space<hbm>> -> memref<32xi32, #tpu.memory_space<hbm>>
        %dma_start3A_699 = tpu.memref_slice %arg3[%add3A_13] : memref<16384xi32, #tpu.memory_space<hbm>> -> memref<32xi32, #tpu.memory_space<hbm>>
        tpu.enqueue_dma source(%dma_start3A_699 : memref<32xi32, #tpu.memory_space<hbm>>) target(%arg12 : memref<32xi32, #tpu.memory_space<vmem>>) target_semaphore(%run_scoped3A : memref<!tpu.dma_semaphore, #tpu.memory_space<semaphore_mem>>)
        %dma_wait3A_700 = tpu.memref_slice %arg3[%add3A_13] : memref<16384xi32, #tpu.memory_space<hbm>> -> memref<32xi32, #tpu.memory_space<hbm>>
        %dma_wait3A_701 = tpu.memref_slice %arg3[%add3A_13] : memref<16384xi32, #tpu.memory_space<hbm>> -> memref<32xi32, #tpu.memory_space<hbm>>
        tpu.wait_dma2 semaphore(%run_scoped3A : memref<!tpu.dma_semaphore, #tpu.memory_space<semaphore_mem>>) src(%dma_wait3A_701 : memref<32xi32, #tpu.memory_space<hbm>>) dst(%arg12 : memref<32xi32, #tpu.memory_space<vmem>>)
        tpu.yield
      }) : () -> ()
      %get3A = arith.constant 0 : index
      %get3A_14 = tpu.vector_load %arg11[%get3A] {strides = array<i32>} : memref<32xi32, #tpu.memory_space<vmem>>, vector<16xi32>,
      %mul3A_15 = arith.constant 8 : i32
      %mul3A_16 = vector.broadcast %mul3A_15 : i32 to vector<16xi32>
      %mul3A_17 = arith.muli %get3A_14, %mul3A_16 : vector<16xi32>
      %get3A_18 = arith.constant 0 : index
      %get3A_19 = tpu.vector_load %arg12[%get3A_18] {strides = array<i32>} : memref<32xi32, #tpu.memory_space<vmem>>, vector<16xi32>,
      %mul3A_20 = arith.constant 8 : i32
      %mul3A_21 = vector.broadcast %mul3A_20 : i32 to vector<16xi32>
      %mul3A_22 = arith.muli %get3A_19, %mul3A_21 : vector<16xi32>
      %add3A_23 = arith.constant 0 : i32
      %add3A_24 = vector.broadcast %add3A_23 : i32 to vector<16xi32>
      %add3A_25 = arith.addi %add3A_24, %iota3A : vector<16xi32>
      %mul3A_26 = arith.constant 4 : i32
      %mul3A_27 = vector.broadcast %mul3A_26 : i32 to vector<16xi32>
      %mul3A_28 = arith.muli %add3A_25, %mul3A_27 : vector<16xi32>
      %add3A_29 = arith.constant 0 : i32
      %add3A_30 = vector.broadcast %add3A_29 : i32 to vector<16xi32>
      %add3A_31 = arith.addi %mul3A_28, %add3A_30 : vector<16xi32>
      %add3A_32 = arith.constant 0 : i32
      %add3A_33 = vector.broadcast %add3A_32 : i32 to vector<16xi32>
      %add3A_34 = arith.addi %mul3A_17, %add3A_33 : vector<16xi32>
      tpu.vector_store_idx %arg14[%add3A_31], %add3A_34 : memref<128xi32, #tpu.memory_space<vmem>>[vector<16xi32>], vector<16xi32>,
      %add3A_35 = arith.constant 0 : i32
      %add3A_36 = vector.broadcast %add3A_35 : i32 to vector<16xi32>
      %add3A_37 = arith.addi %add3A_36, %iota3A : vector<16xi32>
      %mul3A_38 = arith.constant 4 : i32
      %mul3A_39 = vector.broadcast %mul3A_38 : i32 to vector<16xi32>
      %mul3A_40 = arith.muli %add3A_37, %mul3A_39 : vector<16xi32>
      %add3A_41 = arith.constant 1 : i32
      %add3A_42 = vector.broadcast %add3A_41 : i32 to vector<16xi32>
      %add3A_43 = arith.addi %mul3A_40, %add3A_42 : vector<16xi32>
      %add3A_44 = arith.constant 1 : i32
      %add3A_45 = vector.broadcast %add3A_44 : i32 to vector<16xi32>
      %add3A_46 = arith.addi %mul3A_17, %add3A_45 : vector<16xi32>
      tpu.vector_store_idx %arg14[%add3A_43], %add3A_46 : memref<128xi32, #tpu.memory_space<vmem>>[vector<16xi32>], vector<16xi32>,
      %add3A_47 = arith.constant 0 : i32
      %add3A_48 = vector.broadcast %add3A_47 : i32 to vector<16xi32>
      %add3A_49 = arith.addi %add3A_48, %iota3A : vector<16xi32>
      %mul3A_50 = arith.constant 4 : i32
      %mul3A_51 = vector.broadcast %mul3A_50 : i32 to vector<16xi32>
      %mul3A_52 = arith.muli %add3A_49, %mul3A_51 : vector<16xi32>
      %add3A_53 = arith.constant 2 : i32
      %add3A_54 = vector.broadcast %add3A_53 : i32 to vector<16xi32>
      %add3A_55 = arith.addi %mul3A_52, %add3A_54 : vector<16xi32>
      %add3A_56 = arith.constant 2 : i32
      %add3A_57 = vector.broadcast %add3A_56 : i32 to vector<16xi32>
      %add3A_58 = arith.addi %mul3A_17, %add3A_57 : vector<16xi32>
      tpu.vector_store_idx %arg14[%add3A_55], %add3A_58 : memref<128xi32, #tpu.memory_space<vmem>>[vector<16xi32>], vector<16xi32>,
      %add3A_59 = arith.constant 0 : i32
      %add3A_60 = vector.broadcast %add3A_59 : i32 to vector<16xi32>
      %add3A_61 = arith.addi %add3A_60, %iota3A : vector<16xi32>
      %mul3A_62 = arith.constant 4 : i32
      %mul3A_63 = vector.broadcast %mul3A_62 : i32 to vector<16xi32>
      %mul3A_64 = arith.muli %add3A_61, %mul3A_63 : vector<16xi32>
      %add3A_65 = arith.constant 3 : i32
      %add3A_66 = vector.broadcast %add3A_65 : i32 to vector<16xi32>
      %add3A_67 = arith.addi %mul3A_64, %add3A_66 : vector<16xi32>
      %add3A_68 = arith.constant 3 : i32
      %add3A_69 = vector.broadcast %add3A_68 : i32 to vector<16xi32>
      %add3A_70 = arith.addi %mul3A_17, %add3A_69 : vector<16xi32>
      tpu.vector_store_idx %arg14[%add3A_67], %add3A_70 : memref<128xi32, #tpu.memory_space<vmem>>[vector<16xi32>], vector<16xi32>,
      %add3A_71 = arith.constant 0 : i32
      %add3A_72 = vector.broadcast %add3A_71 : i32 to vector<16xi32>
      %add3A_73 = arith.addi %add3A_72, %iota3A : vector<16xi32>
      %mul3A_74 = arith.constant 5 : i32
      %mul3A_75 = vector.broadcast %mul3A_74 : i32 to vector<16xi32>
      %mul3A_76 = arith.muli %add3A_73, %mul3A_75 : vector<16xi32>
      %add3A_77 = arith.constant 0 : i32
      %add3A_78 = vector.broadcast %add3A_77 : i32 to vector<16xi32>
      %add3A_79 = arith.addi %mul3A_76, %add3A_78 : vector<16xi32>
      %add3A_80 = arith.constant 0 : i32
      %add3A_81 = vector.broadcast %add3A_80 : i32 to vector<16xi32>
      %add3A_82 = arith.addi %mul3A_22, %add3A_81 : vector<16xi32>
      tpu.vector_store_idx %arg15[%add3A_79], %add3A_82 : memref<160xi32, #tpu.memory_space<vmem>>[vector<16xi32>], vector<16xi32>,
      %add3A_83 = arith.constant 0 : i32
      %add3A_84 = vector.broadcast %add3A_83 : i32 to vector<16xi32>
      %add3A_85 = arith.addi %add3A_84, %iota3A : vector<16xi32>
      %mul3A_86 = arith.constant 5 : i32
      %mul3A_87 = vector.broadcast %mul3A_86 : i32 to vector<16xi32>
      %mul3A_88 = arith.muli %add3A_85, %mul3A_87 : vector<16xi32>
      %add3A_89 = arith.constant 1 : i32
      %add3A_90 = vector.broadcast %add3A_89 : i32 to vector<16xi32>
      %add3A_91 = arith.addi %mul3A_88, %add3A_90 : vector<16xi32>
      %add3A_92 = arith.constant 1 : i32
      %add3A_93 = vector.broadcast %add3A_92 : i32 to vector<16xi32>
      %add3A_94 = arith.addi %mul3A_22, %add3A_93 : vector<16xi32>
      tpu.vector_store_idx %arg15[%add3A_91], %add3A_94 : memref<160xi32, #tpu.memory_space<vmem>>[vector<16xi32>], vector<16xi32>,
      %add3A_95 = arith.constant 0 : i32
      %add3A_96 = vector.broadcast %add3A_95 : i32 to vector<16xi32>
      %add3A_97 = arith.addi %add3A_96, %iota3A : vector<16xi32>
      %mul3A_98 = arith.constant 5 : i32
      %mul3A_99 = vector.broadcast %mul3A_98 : i32 to vector<16xi32>
      %mul3A_100 = arith.muli %add3A_97, %mul3A_99 : vector<16xi32>
      %add3A_101 = arith.constant 2 : i32
      %add3A_102 = vector.broadcast %add3A_101 : i32 to vector<16xi32>
      %add3A_103 = arith.addi %mul3A_100, %add3A_102 : vector<16xi32>
      %add3A_104 = arith.constant 2 : i32
      %add3A_105 = vector.broadcast %add3A_104 : i32 to vector<16xi32>
      %add3A_106 = arith.addi %mul3A_22, %add3A_105 : vector<16xi32>
      tpu.vector_store_idx %arg15[%add3A_103], %add3A_106 : memref<160xi32, #tpu.memory_space<vmem>>[vector<16xi32>], vector<16xi32>,
      %add3A_107 = arith.constant 0 : i32
      %add3A_108 = vector.broadcast %add3A_107 : i32 to vector<16xi32>
      %add3A_109 = arith.addi %add3A_108, %iota3A : vector<16xi32>
      %mul3A_110 = arith.constant 5 : i32
      %mul3A_111 = vector.broadcast %mul3A_110 : i32 to vector<16xi32>
      %mul3A_112 = arith.muli %add3A_109, %mul3A_111 : vector<16xi32>
      %add3A_113 = arith.constant 3 : i32
      %add3A_114 = vector.broadcast %add3A_113 : i32 to vector<16xi32>
      %add3A_115 = arith.addi %mul3A_112, %add3A_114 : vector<16xi32>
      %add3A_116 = arith.constant 3 : i32
      %add3A_117 = vector.broadcast %add3A_116 : i32 to vector<16xi32>
      %add3A_118 = arith.addi %mul3A_22, %add3A_117 : vector<16xi32>
      tpu.vector_store_idx %arg15[%add3A_115], %add3A_118 : memref<160xi32, #tpu.memory_space<vmem>>[vector<16xi32>], vector<16xi32>,
      %add3A_119 = arith.constant 0 : i32
      %add3A_120 = vector.broadcast %add3A_119 : i32 to vector<16xi32>
      %add3A_121 = arith.addi %add3A_120, %iota3A : vector<16xi32>
      %mul3A_122 = arith.constant 5 : i32
      %mul3A_123 = vector.broadcast %mul3A_122 : i32 to vector<16xi32>
      %mul3A_124 = arith.muli %add3A_121, %mul3A_123 : vector<16xi32>
      %add3A_125 = arith.constant 4 : i32
      %add3A_126 = vector.broadcast %add3A_125 : i32 to vector<16xi32>
      %add3A_127 = arith.addi %mul3A_124, %add3A_126 : vector<16xi32>
      %add3A_128 = arith.constant 4 : i32
      %add3A_129 = vector.broadcast %add3A_128 : i32 to vector<16xi32>
      %add3A_130 = arith.addi %mul3A_22, %add3A_129 : vector<16xi32>
      tpu.vector_store_idx %arg15[%add3A_127], %add3A_130 : memref<160xi32, #tpu.memory_space<vmem>>[vector<16xi32>], vector<16xi32>,
      %get3A_131 = arith.constant 16 : index
      %get3A_132 = tpu.vector_load %arg11[%get3A_131] {strides = array<i32>} : memref<32xi32, #tpu.memory_space<vmem>>, vector<16xi32>,
      %mul3A_133 = arith.constant 8 : i32
      %mul3A_134 = vector.broadcast %mul3A_133 : i32 to vector<16xi32>
      %mul3A_135 = arith.muli %get3A_132, %mul3A_134 : vector<16xi32>
      %get3A_136 = arith.constant 16 : index
      %get3A_137 = tpu.vector_load %arg12[%get3A_136] {strides = array<i32>} : memref<32xi32, #tpu.memory_space<vmem>>, vector<16xi32>,
      %mul3A_138 = arith.constant 8 : i32
      %mul3A_139 = vector.broadcast %mul3A_138 : i32 to vector<16xi32>
      %mul3A_140 = arith.muli %get3A_137, %mul3A_139 : vector<16xi32>
      %add3A_141 = arith.constant 16 : i32
      %add3A_142 = vector.broadcast %add3A_141 : i32 to vector<16xi32>
      %add3A_143 = arith.addi %add3A_142, %iota3A : vector<16xi32>
      %mul3A_144 = arith.constant 4 : i32
      %mul3A_145 = vector.broadcast %mul3A_144 : i32 to vector<16xi32>
      %mul3A_146 = arith.muli %add3A_143, %mul3A_145 : vector<16xi32>
      %add3A_147 = arith.constant 0 : i32
      %add3A_148 = vector.broadcast %add3A_147 : i32 to vector<16xi32>
      %add3A_149 = arith.addi %mul3A_146, %add3A_148 : vector<16xi32>
      %add3A_150 = arith.constant 0 : i32
      %add3A_151 = vector.broadcast %add3A_150 : i32 to vector<16xi32>
      %add3A_152 = arith.addi %mul3A_135, %add3A_151 : vector<16xi32>
      tpu.vector_store_idx %arg14[%add3A_149], %add3A_152 : memref<128xi32, #tpu.memory_space<vmem>>[vector<16xi32>], vector<16xi32>,
      %add3A_153 = arith.constant 16 : i32
      %add3A_154 = vector.broadcast %add3A_153 : i32 to vector<16xi32>
      %add3A_155 = arith.addi %add3A_154, %iota3A : vector<16xi32>
      %mul3A_156 = arith.constant 4 : i32
      %mul3A_157 = vector.broadcast %mul3A_156 : i32 to vector<16xi32>
      %mul3A_158 = arith.muli %add3A_155, %mul3A_157 : vector<16xi32>
      %add3A_159 = arith.constant 1 : i32
      %add3A_160 = vector.broadcast %add3A_159 : i32 to vector<16xi32>
      %add3A_161 = arith.addi %mul3A_158, %add3A_160 : vector<16xi32>
      %add3A_162 = arith.constant 1 : i32
      %add3A_163 = vector.broadcast %add3A_162 : i32 to vector<16xi32>
      %add3A_164 = arith.addi %mul3A_135, %add3A_163 : vector<16xi32>
      tpu.vector_store_idx %arg14[%add3A_161], %add3A_164 : memref<128xi32, #tpu.memory_space<vmem>>[vector<16xi32>], vector<16xi32>,
      %add3A_165 = arith.constant 16 : i32
      %add3A_166 = vector.broadcast %add3A_165 : i32 to vector<16xi32>
      %add3A_167 = arith.addi %add3A_166, %iota3A : vector<16xi32>
      %mul3A_168 = arith.constant 4 : i32
      %mul3A_169 = vector.broadcast %mul3A_168 : i32 to vector<16xi32>
      %mul3A_170 = arith.muli %add3A_167, %mul3A_169 : vector<16xi32>
      %add3A_171 = arith.constant 2 : i32
      %add3A_172 = vector.broadcast %add3A_171 : i32 to vector<16xi32>
      %add3A_173 = arith.addi %mul3A_170, %add3A_172 : vector<16xi32>
      %add3A_174 = arith.constant 2 : i32
      %add3A_175 = vector.broadcast %add3A_174 : i32 to vector<16xi32>
      %add3A_176 = arith.addi %mul3A_135, %add3A_175 : vector<16xi32>
      tpu.vector_store_idx %arg14[%add3A_173], %add3A_176 : memref<128xi32, #tpu.memory_space<vmem>>[vector<16xi32>], vector<16xi32>,
      %add3A_177 = arith.constant 16 : i32
      %add3A_178 = vector.broadcast %add3A_177 : i32 to vector<16xi32>
      %add3A_179 = arith.addi %add3A_178, %iota3A : vector<16xi32>
      %mul3A_180 = arith.constant 4 : i32
      %mul3A_181 = vector.broadcast %mul3A_180 : i32 to vector<16xi32>
      %mul3A_182 = arith.muli %add3A_179, %mul3A_181 : vector<16xi32>
      %add3A_183 = arith.constant 3 : i32
      %add3A_184 = vector.broadcast %add3A_183 : i32 to vector<16xi32>
      %add3A_185 = arith.addi %mul3A_182, %add3A_184 : vector<16xi32>
      %add3A_186 = arith.constant 3 : i32
      %add3A_187 = vector.broadcast %add3A_186 : i32 to vector<16xi32>
      %add3A_188 = arith.addi %mul3A_135, %add3A_187 : vector<16xi32>
      tpu.vector_store_idx %arg14[%add3A_185], %add3A_188 : memref<128xi32, #tpu.memory_space<vmem>>[vector<16xi32>], vector<16xi32>,
      %add3A_189 = arith.constant 16 : i32
      %add3A_190 = vector.broadcast %add3A_189 : i32 to vector<16xi32>
      %add3A_191 = arith.addi %add3A_190, %iota3A : vector<16xi32>
      %mul3A_192 = arith.constant 5 : i32
      %mul3A_193 = vector.broadcast %mul3A_192 : i32 to vector<16xi32>
      %mul3A_194 = arith.muli %add3A_191, %mul3A_193 : vector<16xi32>
      %add3A_195 = arith.constant 0 : i32
      %add3A_196 = vector.broadcast %add3A_195 : i32 to vector<16xi32>
      %add3A_197 = arith.addi %mul3A_194, %add3A_196 : vector<16xi32>
      %add3A_198 = arith.constant 0 : i32
      %add3A_199 = vector.broadcast %add3A_198 : i32 to vector<16xi32>
      %add3A_200 = arith.addi %mul3A_140, %add3A_199 : vector<16xi32>
      tpu.vector_store_idx %arg15[%add3A_197], %add3A_200 : memref<160xi32, #tpu.memory_space<vmem>>[vector<16xi32>], vector<16xi32>,
      %add3A_201 = arith.constant 16 : i32
      %add3A_202 = vector.broadcast %add3A_201 : i32 to vector<16xi32>
      %add3A_203 = arith.addi %add3A_202, %iota3A : vector<16xi32>
      %mul3A_204 = arith.constant 5 : i32
      %mul3A_205 = vector.broadcast %mul3A_204 : i32 to vector<16xi32>
      %mul3A_206 = arith.muli %add3A_203, %mul3A_205 : vector<16xi32>
      %add3A_207 = arith.constant 1 : i32
      %add3A_208 = vector.broadcast %add3A_207 : i32 to vector<16xi32>
      %add3A_209 = arith.addi %mul3A_206, %add3A_208 : vector<16xi32>
      %add3A_210 = arith.constant 1 : i32
      %add3A_211 = vector.broadcast %add3A_210 : i32 to vector<16xi32>
      %add3A_212 = arith.addi %mul3A_140, %add3A_211 : vector<16xi32>
      tpu.vector_store_idx %arg15[%add3A_209], %add3A_212 : memref<160xi32, #tpu.memory_space<vmem>>[vector<16xi32>], vector<16xi32>,
      %add3A_213 = arith.constant 16 : i32
      %add3A_214 = vector.broadcast %add3A_213 : i32 to vector<16xi32>
      %add3A_215 = arith.addi %add3A_214, %iota3A : vector<16xi32>
      %mul3A_216 = arith.constant 5 : i32
      %mul3A_217 = vector.broadcast %mul3A_216 : i32 to vector<16xi32>
      %mul3A_218 = arith.muli %add3A_215, %mul3A_217 : vector<16xi32>
      %add3A_219 = arith.constant 2 : i32
      %add3A_220 = vector.broadcast %add3A_219 : i32 to vector<16xi32>
      %add3A_221 = arith.addi %mul3A_218, %add3A_220 : vector<16xi32>
      %add3A_222 = arith.constant 2 : i32
      %add3A_223 = vector.broadcast %add3A_222 : i32 to vector<16xi32>
      %add3A_224 = arith.addi %mul3A_140, %add3A_223 : vector<16xi32>
      tpu.vector_store_idx %arg15[%add3A_221], %add3A_224 : memref<160xi32, #tpu.memory_space<vmem>>[vector<16xi32>], vector<16xi32>,
      %add3A_225 = arith.constant 16 : i32
      %add3A_226 = vector.broadcast %add3A_225 : i32 to vector<16xi32>
      %add3A_227 = arith.addi %add3A_226, %iota3A : vector<16xi32>
      %mul3A_228 = arith.constant 5 : i32
      %mul3A_229 = vector.broadcast %mul3A_228 : i32 to vector<16xi32>
      %mul3A_230 = arith.muli %add3A_227, %mul3A_229 : vector<16xi32>
      %add3A_231 = arith.constant 3 : i32
      %add3A_232 = vector.broadcast %add3A_231 : i32 to vector<16xi32>
      %add3A_233 = arith.addi %mul3A_230, %add3A_232 : vector<16xi32>
      %add3A_234 = arith.constant 3 : i32
      %add3A_235 = vector.broadcast %add3A_234 : i32 to vector<16xi32>
      %add3A_236 = arith.addi %mul3A_140, %add3A_235 : vector<16xi32>
      tpu.vector_store_idx %arg15[%add3A_233], %add3A_236 : memref<160xi32, #tpu.memory_space<vmem>>[vector<16xi32>], vector<16xi32>,
      %add3A_237 = arith.constant 16 : i32
      %add3A_238 = vector.broadcast %add3A_237 : i32 to vector<16xi32>
      %add3A_239 = arith.addi %add3A_238, %iota3A : vector<16xi32>
      %mul3A_240 = arith.constant 5 : i32
      %mul3A_241 = vector.broadcast %mul3A_240 : i32 to vector<16xi32>
      %mul3A_242 = arith.muli %add3A_239, %mul3A_241 : vector<16xi32>
      %add3A_243 = arith.constant 4 : i32
      %add3A_244 = vector.broadcast %add3A_243 : i32 to vector<16xi32>
      %add3A_245 = arith.addi %mul3A_242, %add3A_244 : vector<16xi32>
      %add3A_246 = arith.constant 4 : i32
      %add3A_247 = vector.broadcast %add3A_246 : i32 to vector<16xi32>
      %add3A_248 = arith.addi %mul3A_140, %add3A_247 : vector<16xi32>
      tpu.vector_store_idx %arg15[%add3A_245], %add3A_248 : memref<160xi32, #tpu.memory_space<vmem>>[vector<16xi32>], vector<16xi32>,
      %mul3A_249 = arith.constant 5 : i32
      %mul3A_250 = arith.muli %scan3A_10, %mul3A_249 : i32
      %scan3A_251 = arith.constant 0 : i32
      %scan3A_252 = arith.constant 40 : i32
      %scan3A_253 = arith.addi %scan3A_251, %scan3A_252 : i32
      %scan3A_254 = arith.constant 1 : i32
      scf.for %scan3A_698 = %scan3A_251 to %scan3A_253 step %scan3A_254  : i32 {
        %jit3A = arith.constant 8 : i32
        %div3A = arith.divsi %scan3A_698, %jit3A : i32
        %sign3A = arith.constant 0 : i32
        %sign3A_699 = arith.cmpi sgt, %scan3A_698, %sign3A : i32
        %sign3A_700 = arith.extui %sign3A_699 : i1 to i32
        %sign3A_701 = arith.constant 0 : i32
        %sign3A_702 = arith.cmpi slt, %scan3A_698, %sign3A_701 : i32
        %sign3A_703 = arith.extui %sign3A_702 : i1 to i32
        %sign3A_704 = arith.subi %sign3A_700, %sign3A_703 : i32
        %sign3A_705 = arith.constant 0 : i32
        %sign3A_706 = arith.cmpi sgt, %jit3A, %sign3A_705 : i32
        %sign3A_707 = arith.extui %sign3A_706 : i1 to i32
        %sign3A_708 = arith.constant 0 : i32
        %sign3A_709 = arith.cmpi slt, %jit3A, %sign3A_708 : i32
        %sign3A_710 = arith.extui %sign3A_709 : i1 to i32
        %sign3A_711 = arith.subi %sign3A_707, %sign3A_710 : i32
        %ne3A = arith.cmpi ne, %sign3A_704, %sign3A_711 : i32
        %rem3A = arith.remsi %scan3A_698, %jit3A : i32
        %ne3A_712 = arith.constant 0 : i32
        %ne3A_713 = arith.cmpi ne, %rem3A, %ne3A_712 : i32
        %and3A = arith.andi %ne3A, %ne3A_713 : i1
        %sub3A = arith.constant 1 : i32
        %sub3A_714 = arith.subi %div3A, %sub3A : i32
        %select_n3A = arith.select %and3A, %sub3A_714, %div3A : i32
        %add3A_715 = arith.addi %mul3A_250, %select_n3A : i32
        %jit3A_716 = arith.constant 8 : i32
        %eq3A = arith.constant 0 : i32
        %eq3A_717 = arith.cmpi eq, %jit3A_716, %eq3A : i32
        %jit3A_718 = arith.constant 1 : i32
        %select_n3A_719 = arith.select %eq3A_717, %jit3A_718, %jit3A_716 : i32
        %rem3A_720 = arith.remsi %scan3A_698, %select_n3A_719 : i32
        %ne3A_721 = arith.constant 0 : i32
        %ne3A_722 = arith.cmpi ne, %rem3A_720, %ne3A_721 : i32
        %lt3A = arith.constant 0 : i32
        %lt3A_723 = arith.cmpi slt, %rem3A_720, %lt3A : i32
        %lt3A_724 = arith.constant 0 : i32
        %lt3A_725 = arith.cmpi slt, %select_n3A_719, %lt3A_724 : i32
        %ne3A_726 = arith.xori %lt3A_723, %lt3A_725 : i1
        %and3A_727 = arith.andi %ne3A_726, %ne3A_722 : i1
        %add3A_728 = arith.addi %rem3A_720, %select_n3A_719 : i32
        %select_n3A_729 = arith.select %and3A_727, %add3A_728, %rem3A_720 : i32
        %mul3A_730 = arith.constant 16 : i32
        %mul3A_731 = arith.muli %select_n3A_729, %mul3A_730 : i32
        %get3A_732 = arith.index_cast %add3A_715 : i32 to index
        %get3A_733 = arith.index_cast %mul3A_731 : i32 to index
        %get3A_734 = tpu.vector_load %arg13[%get3A_732, %get3A_733] {strides = array<i32>} : memref<80x128xi32, #tpu.memory_space<vmem>>, vector<16xi32>,
        %mul3A_735 = arith.constant 8 : i32
        %mul3A_736 = vector.broadcast %mul3A_735 : i32 to vector<16xi32>
        %mul3A_737 = arith.muli %get3A_734, %mul3A_736 : vector<16xi32>
        %mul3A_738 = arith.constant 16 : i32
        %mul3A_739 = arith.muli %scan3A_698, %mul3A_738 : i32
        %add3A_740 = vector.broadcast %mul3A_739 : i32 to vector<16xi32>
        %add3A_741 = arith.addi %add3A_740, %iota3A : vector<16xi32>
        %mul3A_742 = arith.constant 5 : i32
        %mul3A_743 = vector.broadcast %mul3A_742 : i32 to vector<16xi32>
        %mul3A_744 = arith.muli %add3A_741, %mul3A_743 : vector<16xi32>
        %add3A_745 = arith.constant 0 : i32
        %add3A_746 = vector.broadcast %add3A_745 : i32 to vector<16xi32>
        %add3A_747 = arith.addi %mul3A_744, %add3A_746 : vector<16xi32>
        %add3A_748 = arith.constant 0 : i32
        %add3A_749 = vector.broadcast %add3A_748 : i32 to vector<16xi32>
        %add3A_750 = arith.addi %mul3A_737, %add3A_749 : vector<16xi32>
        tpu.vector_store_idx %arg16[%add3A_747], %add3A_750 : memref<3200xi32, #tpu.memory_space<vmem>>[vector<16xi32>], vector<16xi32>,
        %add3A_751 = arith.constant 1 : i32
        %add3A_752 = vector.broadcast %add3A_751 : i32 to vector<16xi32>
        %add3A_753 = arith.addi %mul3A_744, %add3A_752 : vector<16xi32>
        %add3A_754 = arith.constant 1 : i32
        %add3A_755 = vector.broadcast %add3A_754 : i32 to vector<16xi32>
        %add3A_756 = arith.addi %mul3A_737, %add3A_755 : vector<16xi32>
        tpu.vector_store_idx %arg16[%add3A_753], %add3A_756 : memref<3200xi32, #tpu.memory_space<vmem>>[vector<16xi32>], vector<16xi32>,
        %add3A_757 = arith.constant 2 : i32
        %add3A_758 = vector.broadcast %add3A_757 : i32 to vector<16xi32>
        %add3A_759 = arith.addi %mul3A_744, %add3A_758 : vector<16xi32>
        %add3A_760 = arith.constant 2 : i32
        %add3A_761 = vector.broadcast %add3A_760 : i32 to vector<16xi32>
        %add3A_762 = arith.addi %mul3A_737, %add3A_761 : vector<16xi32>
        tpu.vector_store_idx %arg16[%add3A_759], %add3A_762 : memref<3200xi32, #tpu.memory_space<vmem>>[vector<16xi32>], vector<16xi32>,
        %add3A_763 = arith.constant 3 : i32
        %add3A_764 = vector.broadcast %add3A_763 : i32 to vector<16xi32>
        %add3A_765 = arith.addi %mul3A_744, %add3A_764 : vector<16xi32>
        %add3A_766 = arith.constant 3 : i32
        %add3A_767 = vector.broadcast %add3A_766 : i32 to vector<16xi32>
        %add3A_768 = arith.addi %mul3A_737, %add3A_767 : vector<16xi32>
        tpu.vector_store_idx %arg16[%add3A_765], %add3A_768 : memref<3200xi32, #tpu.memory_space<vmem>>[vector<16xi32>], vector<16xi32>,
        %add3A_769 = arith.constant 4 : i32
        %add3A_770 = vector.broadcast %add3A_769 : i32 to vector<16xi32>
        %add3A_771 = arith.addi %mul3A_744, %add3A_770 : vector<16xi32>
        %add3A_772 = arith.constant 4 : i32
        %add3A_773 = vector.broadcast %add3A_772 : i32 to vector<16xi32>
        %add3A_774 = arith.addi %mul3A_737, %add3A_773 : vector<16xi32>
        tpu.vector_store_idx %arg16[%add3A_771], %add3A_774 : memref<3200xi32, #tpu.memory_space<vmem>>[vector<16xi32>], vector<16xi32>,
      }
      %scan3A_255 = arith.constant 40 : i32
      %dma_start3A = arith.constant 0 : i32
      %dma_start3A_256 = arith.constant 0 : i32
      %dma_start3A_257 = tpu.memref_slice %arg6[%dma_start3A, %dma_start3A_256] : memref<8000000x16xf32, #tpu.memory_space<hbm>> -> memref<8000000x16xf32, #tpu.memory_space<hbm>>
      tpu.enqueue_indirect_dma source(%dma_start3A_257 : memref<8000000x16xf32, #tpu.memory_space<hbm>>) target(%arg17 : memref<128x16xf32, #tpu.memory_space<vmem>>) offsets(%arg14 : memref<128xi32, #tpu.memory_space<vmem>>) semaphore(%arg25 : memref<!tpu.dma_semaphore, #tpu.memory_space<semaphore_mem>>)
      %dma_start3A_258 = arith.constant 0 : i32
      %dma_start3A_259 = arith.constant 0 : i32
      %dma_start3A_260 = tpu.memref_slice %arg18[%dma_start3A_258, %dma_start3A_259] : memref<160x16xf32, #tpu.memory_space<vmem>> -> memref<80x16xf32, #tpu.memory_space<vmem>>
      %dma_start3A_261 = arith.constant 0 : i32
      %dma_start3A_262 = tpu.memref_slice %arg15[%dma_start3A_261] : memref<160xi32, #tpu.memory_space<vmem>> -> memref<80xi32, #tpu.memory_space<vmem>>
      %dma_start3A_263 = arith.constant 0 : i32
      %dma_start3A_264 = arith.constant 0 : i32
      %dma_start3A_265 = tpu.memref_slice %arg7[%dma_start3A_263, %dma_start3A_264] : memref<8000000x16xf32, #tpu.memory_space<hbm>> -> memref<8000000x16xf32, #tpu.memory_space<hbm>>
      tpu.enqueue_indirect_dma source(%dma_start3A_265 : memref<8000000x16xf32, #tpu.memory_space<hbm>>) target(%dma_start3A_260 : memref<80x16xf32, #tpu.memory_space<vmem>>) offsets(%dma_start3A_262 : memref<80xi32, #tpu.memory_space<vmem>>) semaphore(%arg25 : memref<!tpu.dma_semaphore, #tpu.memory_space<semaphore_mem>>)
      %dma_start3A_266 = arith.constant 80 : i32
      %dma_start3A_267 = arith.constant 0 : i32
      %dma_start3A_268 = tpu.memref_slice %arg18[%dma_start3A_266, %dma_start3A_267] : memref<160x16xf32, #tpu.memory_space<vmem>> -> memref<80x16xf32, #tpu.memory_space<vmem>>
      %dma_start3A_269 = arith.constant 80 : i32
      %dma_start3A_270 = tpu.memref_slice %arg15[%dma_start3A_269] : memref<160xi32, #tpu.memory_space<vmem>> -> memref<80xi32, #tpu.memory_space<vmem>>
      %dma_start3A_271 = arith.constant 0 : i32
      %dma_start3A_272 = arith.constant 0 : i32
      %dma_start3A_273 = tpu.memref_slice %arg7[%dma_start3A_271, %dma_start3A_272] : memref<8000000x16xf32, #tpu.memory_space<hbm>> -> memref<8000000x16xf32, #tpu.memory_space<hbm>>
      tpu.enqueue_indirect_dma source(%dma_start3A_273 : memref<8000000x16xf32, #tpu.memory_space<hbm>>) target(%dma_start3A_268 : memref<80x16xf32, #tpu.memory_space<vmem>>) offsets(%dma_start3A_270 : memref<80xi32, #tpu.memory_space<vmem>>) semaphore(%arg25 : memref<!tpu.dma_semaphore, #tpu.memory_space<semaphore_mem>>)
      %dma_start3A_274 = arith.constant 0 : i32
      %dma_start3A_275 = arith.constant 0 : i32
      %dma_start3A_276 = tpu.memref_slice %arg19[%dma_start3A_274, %dma_start3A_275] : memref<3200x16xf32, #tpu.memory_space<vmem>> -> memref<128x16xf32, #tpu.memory_space<vmem>>
      %dma_start3A_277 = arith.constant 0 : i32
      %dma_start3A_278 = tpu.memref_slice %arg16[%dma_start3A_277] : memref<3200xi32, #tpu.memory_space<vmem>> -> memref<128xi32, #tpu.memory_space<vmem>>
      %dma_start3A_279 = arith.constant 0 : i32
      %dma_start3A_280 = arith.constant 0 : i32
      %dma_start3A_281 = tpu.memref_slice %arg7[%dma_start3A_279, %dma_start3A_280] : memref<8000000x16xf32, #tpu.memory_space<hbm>> -> memref<8000000x16xf32, #tpu.memory_space<hbm>>
      tpu.enqueue_indirect_dma source(%dma_start3A_281 : memref<8000000x16xf32, #tpu.memory_space<hbm>>) target(%dma_start3A_276 : memref<128x16xf32, #tpu.memory_space<vmem>>) offsets(%dma_start3A_278 : memref<128xi32, #tpu.memory_space<vmem>>) semaphore(%arg25 : memref<!tpu.dma_semaphore, #tpu.memory_space<semaphore_mem>>)
      %dma_start3A_282 = arith.constant 128 : i32
      %dma_start3A_283 = arith.constant 0 : i32
      %dma_start3A_284 = tpu.memref_slice %arg19[%dma_start3A_282, %dma_start3A_283] : memref<3200x16xf32, #tpu.memory_space<vmem>> -> memref<128x16xf32, #tpu.memory_space<vmem>>
      %dma_start3A_285 = arith.constant 128 : i32
      %dma_start3A_286 = tpu.memref_slice %arg16[%dma_start3A_285] : memref<3200xi32, #tpu.memory_space<vmem>> -> memref<128xi32, #tpu.memory_space<vmem>>
      %dma_start3A_287 = arith.constant 0 : i32
      %dma_start3A_288 = arith.constant 0 : i32
      %dma_start3A_289 = tpu.memref_slice %arg7[%dma_start3A_287, %dma_start3A_288] : memref<8000000x16xf32, #tpu.memory_space<hbm>> -> memref<8000000x16xf32, #tpu.memory_space<hbm>>
      tpu.enqueue_indirect_dma source(%dma_start3A_289 : memref<8000000x16xf32, #tpu.memory_space<hbm>>) target(%dma_start3A_284 : memref<128x16xf32, #tpu.memory_space<vmem>>) offsets(%dma_start3A_286 : memref<128xi32, #tpu.memory_space<vmem>>) semaphore(%arg25 : memref<!tpu.dma_semaphore, #tpu.memory_space<semaphore_mem>>)
      %dma_start3A_290 = arith.constant 256 : i32
      %dma_start3A_291 = arith.constant 0 : i32
      %dma_start3A_292 = tpu.memref_slice %arg19[%dma_start3A_290, %dma_start3A_291] : memref<3200x16xf32, #tpu.memory_space<vmem>> -> memref<128x16xf32, #tpu.memory_space<vmem>>
      %dma_start3A_293 = arith.constant 256 : i32
      %dma_start3A_294 = tpu.memref_slice %arg16[%dma_start3A_293] : memref<3200xi32, #tpu.memory_space<vmem>> -> memref<128xi32, #tpu.memory_space<vmem>>
      %dma_start3A_295 = arith.constant 0 : i32
      %dma_start3A_296 = arith.constant 0 : i32
      %dma_start3A_297 = tpu.memref_slice %arg7[%dma_start3A_295, %dma_start3A_296] : memref<8000000x16xf32, #tpu.memory_space<hbm>> -> memref<8000000x16xf32, #tpu.memory_space<hbm>>
      tpu.enqueue_indirect_dma source(%dma_start3A_297 : memref<8000000x16xf32, #tpu.memory_space<hbm>>) target(%dma_start3A_292 : memref<128x16xf32, #tpu.memory_space<vmem>>) offsets(%dma_start3A_294 : memref<128xi32, #tpu.memory_space<vmem>>) semaphore(%arg25 : memref<!tpu.dma_semaphore, #tpu.memory_space<semaphore_mem>>)
      %dma_start3A_298 = arith.constant 384 : i32
      %dma_start3A_299 = arith.constant 0 : i32
      %dma_start3A_300 = tpu.memref_slice %arg19[%dma_start3A_298, %dma_start3A_299] : memref<3200x16xf32, #tpu.memory_space<vmem>> -> memref<128x16xf32, #tpu.memory_space<vmem>>
      %dma_start3A_301 = arith.constant 384 : i32
      %dma_start3A_302 = tpu.memref_slice %arg16[%dma_start3A_301] : memref<3200xi32, #tpu.memory_space<vmem>> -> memref<128xi32, #tpu.memory_space<vmem>>
      %dma_start3A_303 = arith.constant 0 : i32
      %dma_start3A_304 = arith.constant 0 : i32
      %dma_start3A_305 = tpu.memref_slice %arg7[%dma_start3A_303, %dma_start3A_304] : memref<8000000x16xf32, #tpu.memory_space<hbm>> -> memref<8000000x16xf32, #tpu.memory_space<hbm>>
      tpu.enqueue_indirect_dma source(%dma_start3A_305 : memref<8000000x16xf32, #tpu.memory_space<hbm>>) target(%dma_start3A_300 : memref<128x16xf32, #tpu.memory_space<vmem>>) offsets(%dma_start3A_302 : memref<128xi32, #tpu.memory_space<vmem>>) semaphore(%arg25 : memref<!tpu.dma_semaphore, #tpu.memory_space<semaphore_mem>>)
      %dma_start3A_306 = arith.constant 512 : i32
      %dma_start3A_307 = arith.constant 0 : i32
      %dma_start3A_308 = tpu.memref_slice %arg19[%dma_start3A_306, %dma_start3A_307] : memref<3200x16xf32, #tpu.memory_space<vmem>> -> memref<128x16xf32, #tpu.memory_space<vmem>>
      %dma_start3A_309 = arith.constant 512 : i32
      %dma_start3A_310 = tpu.memref_slice %arg16[%dma_start3A_309] : memref<3200xi32, #tpu.memory_space<vmem>> -> memref<128xi32, #tpu.memory_space<vmem>>
      %dma_start3A_311 = arith.constant 0 : i32
      %dma_start3A_312 = arith.constant 0 : i32
      %dma_start3A_313 = tpu.memref_slice %arg7[%dma_start3A_311, %dma_start3A_312] : memref<8000000x16xf32, #tpu.memory_space<hbm>> -> memref<8000000x16xf32, #tpu.memory_space<hbm>>
      tpu.enqueue_indirect_dma source(%dma_start3A_313 : memref<8000000x16xf32, #tpu.memory_space<hbm>>) target(%dma_start3A_308 : memref<128x16xf32, #tpu.memory_space<vmem>>) offsets(%dma_start3A_310 : memref<128xi32, #tpu.memory_space<vmem>>) semaphore(%arg25 : memref<!tpu.dma_semaphore, #tpu.memory_space<semaphore_mem>>)
      %dma_start3A_314 = arith.constant 640 : i32
      %dma_start3A_315 = arith.constant 0 : i32
      %dma_start3A_316 = tpu.memref_slice %arg19[%dma_start3A_314, %dma_start3A_315] : memref<3200x16xf32, #tpu.memory_space<vmem>> -> memref<128x16xf32, #tpu.memory_space<vmem>>
      %dma_start3A_317 = arith.constant 640 : i32
      %dma_start3A_318 = tpu.memref_slice %arg16[%dma_start3A_317] : memref<3200xi32, #tpu.memory_space<vmem>> -> memref<128xi32, #tpu.memory_space<vmem>>
      %dma_start3A_319 = arith.constant 0 : i32
      %dma_start3A_320 = arith.constant 0 : i32
      %dma_start3A_321 = tpu.memref_slice %arg7[%dma_start3A_319, %dma_start3A_320] : memref<8000000x16xf32, #tpu.memory_space<hbm>> -> memref<8000000x16xf32, #tpu.memory_space<hbm>>
      tpu.enqueue_indirect_dma source(%dma_start3A_321 : memref<8000000x16xf32, #tpu.memory_space<hbm>>) target(%dma_start3A_316 : memref<128x16xf32, #tpu.memory_space<vmem>>) offsets(%dma_start3A_318 : memref<128xi32, #tpu.memory_space<vmem>>) semaphore(%arg25 : memref<!tpu.dma_semaphore, #tpu.memory_space<semaphore_mem>>)
      %dma_start3A_322 = arith.constant 768 : i32
      %dma_start3A_323 = arith.constant 0 : i32
      %dma_start3A_324 = tpu.memref_slice %arg19[%dma_start3A_322, %dma_start3A_323] : memref<3200x16xf32, #tpu.memory_space<vmem>> -> memref<128x16xf32, #tpu.memory_space<vmem>>
      %dma_start3A_325 = arith.constant 768 : i32
      %dma_start3A_326 = tpu.memref_slice %arg16[%dma_start3A_325] : memref<3200xi32, #tpu.memory_space<vmem>> -> memref<128xi32, #tpu.memory_space<vmem>>
      %dma_start3A_327 = arith.constant 0 : i32
      %dma_start3A_328 = arith.constant 0 : i32
      %dma_start3A_329 = tpu.memref_slice %arg7[%dma_start3A_327, %dma_start3A_328] : memref<8000000x16xf32, #tpu.memory_space<hbm>> -> memref<8000000x16xf32, #tpu.memory_space<hbm>>
      tpu.enqueue_indirect_dma source(%dma_start3A_329 : memref<8000000x16xf32, #tpu.memory_space<hbm>>) target(%dma_start3A_324 : memref<128x16xf32, #tpu.memory_space<vmem>>) offsets(%dma_start3A_326 : memref<128xi32, #tpu.memory_space<vmem>>) semaphore(%arg25 : memref<!tpu.dma_semaphore, #tpu.memory_space<semaphore_mem>>)
      %dma_start3A_330 = arith.constant 896 : i32
      %dma_start3A_331 = arith.constant 0 : i32
      %dma_start3A_332 = tpu.memref_slice %arg19[%dma_start3A_330, %dma_start3A_331] : memref<3200x16xf32, #tpu.memory_space<vmem>> -> memref<128x16xf32, #tpu.memory_space<vmem>>
      %dma_start3A_333 = arith.constant 896 : i32
      %dma_start3A_334 = tpu.memref_slice %arg16[%dma_start3A_333] : memref<3200xi32, #tpu.memory_space<vmem>> -> memref<128xi32, #tpu.memory_space<vmem>>
      %dma_start3A_335 = arith.constant 0 : i32
      %dma_start3A_336 = arith.constant 0 : i32
      %dma_start3A_337 = tpu.memref_slice %arg7[%dma_start3A_335, %dma_start3A_336] : memref<8000000x16xf32, #tpu.memory_space<hbm>> -> memref<8000000x16xf32, #tpu.memory_space<hbm>>
      tpu.enqueue_indirect_dma source(%dma_start3A_337 : memref<8000000x16xf32, #tpu.memory_space<hbm>>) target(%dma_start3A_332 : memref<128x16xf32, #tpu.memory_space<vmem>>) offsets(%dma_start3A_334 : memref<128xi32, #tpu.memory_space<vmem>>) semaphore(%arg25 : memref<!tpu.dma_semaphore, #tpu.memory_space<semaphore_mem>>)
      %dma_start3A_338 = arith.constant 1024 : i32
      %dma_start3A_339 = arith.constant 0 : i32
      %dma_start3A_340 = tpu.memref_slice %arg19[%dma_start3A_338, %dma_start3A_339] : memref<3200x16xf32, #tpu.memory_space<vmem>> -> memref<128x16xf32, #tpu.memory_space<vmem>>
      %dma_start3A_341 = arith.constant 1024 : i32
      %dma_start3A_342 = tpu.memref_slice %arg16[%dma_start3A_341] : memref<3200xi32, #tpu.memory_space<vmem>> -> memref<128xi32, #tpu.memory_space<vmem>>
      %dma_start3A_343 = arith.constant 0 : i32
      %dma_start3A_344 = arith.constant 0 : i32
      %dma_start3A_345 = tpu.memref_slice %arg7[%dma_start3A_343, %dma_start3A_344] : memref<8000000x16xf32, #tpu.memory_space<hbm>> -> memref<8000000x16xf32, #tpu.memory_space<hbm>>
      tpu.enqueue_indirect_dma source(%dma_start3A_345 : memref<8000000x16xf32, #tpu.memory_space<hbm>>) target(%dma_start3A_340 : memref<128x16xf32, #tpu.memory_space<vmem>>) offsets(%dma_start3A_342 : memref<128xi32, #tpu.memory_space<vmem>>) semaphore(%arg25 : memref<!tpu.dma_semaphore, #tpu.memory_space<semaphore_mem>>)
      %dma_start3A_346 = arith.constant 1152 : i32
      %dma_start3A_347 = arith.constant 0 : i32
      %dma_start3A_348 = tpu.memref_slice %arg19[%dma_start3A_346, %dma_start3A_347] : memref<3200x16xf32, #tpu.memory_space<vmem>> -> memref<128x16xf32, #tpu.memory_space<vmem>>
      %dma_start3A_349 = arith.constant 1152 : i32
      %dma_start3A_350 = tpu.memref_slice %arg16[%dma_start3A_349] : memref<3200xi32, #tpu.memory_space<vmem>> -> memref<128xi32, #tpu.memory_space<vmem>>
      %dma_start3A_351 = arith.constant 0 : i32
      %dma_start3A_352 = arith.constant 0 : i32
      %dma_start3A_353 = tpu.memref_slice %arg7[%dma_start3A_351, %dma_start3A_352] : memref<8000000x16xf32, #tpu.memory_space<hbm>> -> memref<8000000x16xf32, #tpu.memory_space<hbm>>
      tpu.enqueue_indirect_dma source(%dma_start3A_353 : memref<8000000x16xf32, #tpu.memory_space<hbm>>) target(%dma_start3A_348 : memref<128x16xf32, #tpu.memory_space<vmem>>) offsets(%dma_start3A_350 : memref<128xi32, #tpu.memory_space<vmem>>) semaphore(%arg25 : memref<!tpu.dma_semaphore, #tpu.memory_space<semaphore_mem>>)
      %dma_start3A_354 = arith.constant 1280 : i32
      %dma_start3A_355 = arith.constant 0 : i32
      %dma_start3A_356 = tpu.memref_slice %arg19[%dma_start3A_354, %dma_start3A_355] : memref<3200x16xf32, #tpu.memory_space<vmem>> -> memref<128x16xf32, #tpu.memory_space<vmem>>
      %dma_start3A_357 = arith.constant 1280 : i32
      %dma_start3A_358 = tpu.memref_slice %arg16[%dma_start3A_357] : memref<3200xi32, #tpu.memory_space<vmem>> -> memref<128xi32, #tpu.memory_space<vmem>>
      %dma_start3A_359 = arith.constant 0 : i32
      %dma_start3A_360 = arith.constant 0 : i32
      %dma_start3A_361 = tpu.memref_slice %arg7[%dma_start3A_359, %dma_start3A_360] : memref<8000000x16xf32, #tpu.memory_space<hbm>> -> memref<8000000x16xf32, #tpu.memory_space<hbm>>
      tpu.enqueue_indirect_dma source(%dma_start3A_361 : memref<8000000x16xf32, #tpu.memory_space<hbm>>) target(%dma_start3A_356 : memref<128x16xf32, #tpu.memory_space<vmem>>) offsets(%dma_start3A_358 : memref<128xi32, #tpu.memory_space<vmem>>) semaphore(%arg25 : memref<!tpu.dma_semaphore, #tpu.memory_space<semaphore_mem>>)
      %dma_start3A_362 = arith.constant 1408 : i32
      %dma_start3A_363 = arith.constant 0 : i32
      %dma_start3A_364 = tpu.memref_slice %arg19[%dma_start3A_362, %dma_start3A_363] : memref<3200x16xf32, #tpu.memory_space<vmem>> -> memref<128x16xf32, #tpu.memory_space<vmem>>
      %dma_start3A_365 = arith.constant 1408 : i32
      %dma_start3A_366 = tpu.memref_slice %arg16[%dma_start3A_365] : memref<3200xi32, #tpu.memory_space<vmem>> -> memref<128xi32, #tpu.memory_space<vmem>>
      %dma_start3A_367 = arith.constant 0 : i32
      %dma_start3A_368 = arith.constant 0 : i32
      %dma_start3A_369 = tpu.memref_slice %arg7[%dma_start3A_367, %dma_start3A_368] : memref<8000000x16xf32, #tpu.memory_space<hbm>> -> memref<8000000x16xf32, #tpu.memory_space<hbm>>
      tpu.enqueue_indirect_dma source(%dma_start3A_369 : memref<8000000x16xf32, #tpu.memory_space<hbm>>) target(%dma_start3A_364 : memref<128x16xf32, #tpu.memory_space<vmem>>) offsets(%dma_start3A_366 : memref<128xi32, #tpu.memory_space<vmem>>) semaphore(%arg25 : memref<!tpu.dma_semaphore, #tpu.memory_space<semaphore_mem>>)
      %dma_start3A_370 = arith.constant 1536 : i32
      %dma_start3A_371 = arith.constant 0 : i32
      %dma_start3A_372 = tpu.memref_slice %arg19[%dma_start3A_370, %dma_start3A_371] : memref<3200x16xf32, #tpu.memory_space<vmem>> -> memref<128x16xf32, #tpu.memory_space<vmem>>
      %dma_start3A_373 = arith.constant 1536 : i32
      %dma_start3A_374 = tpu.memref_slice %arg16[%dma_start3A_373] : memref<3200xi32, #tpu.memory_space<vmem>> -> memref<128xi32, #tpu.memory_space<vmem>>
      %dma_start3A_375 = arith.constant 0 : i32
      %dma_start3A_376 = arith.constant 0 : i32
      %dma_start3A_377 = tpu.memref_slice %arg7[%dma_start3A_375, %dma_start3A_376] : memref<8000000x16xf32, #tpu.memory_space<hbm>> -> memref<8000000x16xf32, #tpu.memory_space<hbm>>
      tpu.enqueue_indirect_dma source(%dma_start3A_377 : memref<8000000x16xf32, #tpu.memory_space<hbm>>) target(%dma_start3A_372 : memref<128x16xf32, #tpu.memory_space<vmem>>) offsets(%dma_start3A_374 : memref<128xi32, #tpu.memory_space<vmem>>) semaphore(%arg25 : memref<!tpu.dma_semaphore, #tpu.memory_space<semaphore_mem>>)
      %dma_start3A_378 = arith.constant 1664 : i32
      %dma_start3A_379 = arith.constant 0 : i32
      %dma_start3A_380 = tpu.memref_slice %arg19[%dma_start3A_378, %dma_start3A_379] : memref<3200x16xf32, #tpu.memory_space<vmem>> -> memref<128x16xf32, #tpu.memory_space<vmem>>
      %dma_start3A_381 = arith.constant 1664 : i32
      %dma_start3A_382 = tpu.memref_slice %arg16[%dma_start3A_381] : memref<3200xi32, #tpu.memory_space<vmem>> -> memref<128xi32, #tpu.memory_space<vmem>>
      %dma_start3A_383 = arith.constant 0 : i32
      %dma_start3A_384 = arith.constant 0 : i32
      %dma_start3A_385 = tpu.memref_slice %arg7[%dma_start3A_383, %dma_start3A_384] : memref<8000000x16xf32, #tpu.memory_space<hbm>> -> memref<8000000x16xf32, #tpu.memory_space<hbm>>
      tpu.enqueue_indirect_dma source(%dma_start3A_385 : memref<8000000x16xf32, #tpu.memory_space<hbm>>) target(%dma_start3A_380 : memref<128x16xf32, #tpu.memory_space<vmem>>) offsets(%dma_start3A_382 : memref<128xi32, #tpu.memory_space<vmem>>) semaphore(%arg25 : memref<!tpu.dma_semaphore, #tpu.memory_space<semaphore_mem>>)
      %dma_start3A_386 = arith.constant 1792 : i32
      %dma_start3A_387 = arith.constant 0 : i32
      %dma_start3A_388 = tpu.memref_slice %arg19[%dma_start3A_386, %dma_start3A_387] : memref<3200x16xf32, #tpu.memory_space<vmem>> -> memref<128x16xf32, #tpu.memory_space<vmem>>
      %dma_start3A_389 = arith.constant 1792 : i32
      %dma_start3A_390 = tpu.memref_slice %arg16[%dma_start3A_389] : memref<3200xi32, #tpu.memory_space<vmem>> -> memref<128xi32, #tpu.memory_space<vmem>>
      %dma_start3A_391 = arith.constant 0 : i32
      %dma_start3A_392 = arith.constant 0 : i32
      %dma_start3A_393 = tpu.memref_slice %arg7[%dma_start3A_391, %dma_start3A_392] : memref<8000000x16xf32, #tpu.memory_space<hbm>> -> memref<8000000x16xf32, #tpu.memory_space<hbm>>
      tpu.enqueue_indirect_dma source(%dma_start3A_393 : memref<8000000x16xf32, #tpu.memory_space<hbm>>) target(%dma_start3A_388 : memref<128x16xf32, #tpu.memory_space<vmem>>) offsets(%dma_start3A_390 : memref<128xi32, #tpu.memory_space<vmem>>) semaphore(%arg25 : memref<!tpu.dma_semaphore, #tpu.memory_space<semaphore_mem>>)
      %dma_start3A_394 = arith.constant 1920 : i32
      %dma_start3A_395 = arith.constant 0 : i32
      %dma_start3A_396 = tpu.memref_slice %arg19[%dma_start3A_394, %dma_start3A_395] : memref<3200x16xf32, #tpu.memory_space<vmem>> -> memref<128x16xf32, #tpu.memory_space<vmem>>
      %dma_start3A_397 = arith.constant 1920 : i32
      %dma_start3A_398 = tpu.memref_slice %arg16[%dma_start3A_397] : memref<3200xi32, #tpu.memory_space<vmem>> -> memref<128xi32, #tpu.memory_space<vmem>>
      %dma_start3A_399 = arith.constant 0 : i32
      %dma_start3A_400 = arith.constant 0 : i32
      %dma_start3A_401 = tpu.memref_slice %arg7[%dma_start3A_399, %dma_start3A_400] : memref<8000000x16xf32, #tpu.memory_space<hbm>> -> memref<8000000x16xf32, #tpu.memory_space<hbm>>
      tpu.enqueue_indirect_dma source(%dma_start3A_401 : memref<8000000x16xf32, #tpu.memory_space<hbm>>) target(%dma_start3A_396 : memref<128x16xf32, #tpu.memory_space<vmem>>) offsets(%dma_start3A_398 : memref<128xi32, #tpu.memory_space<vmem>>) semaphore(%arg25 : memref<!tpu.dma_semaphore, #tpu.memory_space<semaphore_mem>>)
      %dma_start3A_402 = arith.constant 2048 : i32
      %dma_start3A_403 = arith.constant 0 : i32
      %dma_start3A_404 = tpu.memref_slice %arg19[%dma_start3A_402, %dma_start3A_403] : memref<3200x16xf32, #tpu.memory_space<vmem>> -> memref<128x16xf32, #tpu.memory_space<vmem>>
      %dma_start3A_405 = arith.constant 2048 : i32
      %dma_start3A_406 = tpu.memref_slice %arg16[%dma_start3A_405] : memref<3200xi32, #tpu.memory_space<vmem>> -> memref<128xi32, #tpu.memory_space<vmem>>
      %dma_start3A_407 = arith.constant 0 : i32
      %dma_start3A_408 = arith.constant 0 : i32
      %dma_start3A_409 = tpu.memref_slice %arg7[%dma_start3A_407, %dma_start3A_408] : memref<8000000x16xf32, #tpu.memory_space<hbm>> -> memref<8000000x16xf32, #tpu.memory_space<hbm>>
      tpu.enqueue_indirect_dma source(%dma_start3A_409 : memref<8000000x16xf32, #tpu.memory_space<hbm>>) target(%dma_start3A_404 : memref<128x16xf32, #tpu.memory_space<vmem>>) offsets(%dma_start3A_406 : memref<128xi32, #tpu.memory_space<vmem>>) semaphore(%arg25 : memref<!tpu.dma_semaphore, #tpu.memory_space<semaphore_mem>>)
      %dma_start3A_410 = arith.constant 2176 : i32
      %dma_start3A_411 = arith.constant 0 : i32
      %dma_start3A_412 = tpu.memref_slice %arg19[%dma_start3A_410, %dma_start3A_411] : memref<3200x16xf32, #tpu.memory_space<vmem>> -> memref<128x16xf32, #tpu.memory_space<vmem>>
      %dma_start3A_413 = arith.constant 2176 : i32
      %dma_start3A_414 = tpu.memref_slice %arg16[%dma_start3A_413] : memref<3200xi32, #tpu.memory_space<vmem>> -> memref<128xi32, #tpu.memory_space<vmem>>
      %dma_start3A_415 = arith.constant 0 : i32
      %dma_start3A_416 = arith.constant 0 : i32
      %dma_start3A_417 = tpu.memref_slice %arg7[%dma_start3A_415, %dma_start3A_416] : memref<8000000x16xf32, #tpu.memory_space<hbm>> -> memref<8000000x16xf32, #tpu.memory_space<hbm>>
      tpu.enqueue_indirect_dma source(%dma_start3A_417 : memref<8000000x16xf32, #tpu.memory_space<hbm>>) target(%dma_start3A_412 : memref<128x16xf32, #tpu.memory_space<vmem>>) offsets(%dma_start3A_414 : memref<128xi32, #tpu.memory_space<vmem>>) semaphore(%arg25 : memref<!tpu.dma_semaphore, #tpu.memory_space<semaphore_mem>>)
      %dma_start3A_418 = arith.constant 2304 : i32
      %dma_start3A_419 = arith.constant 0 : i32
      %dma_start3A_420 = tpu.memref_slice %arg19[%dma_start3A_418, %dma_start3A_419] : memref<3200x16xf32, #tpu.memory_space<vmem>> -> memref<128x16xf32, #tpu.memory_space<vmem>>
      %dma_start3A_421 = arith.constant 2304 : i32
      %dma_start3A_422 = tpu.memref_slice %arg16[%dma_start3A_421] : memref<3200xi32, #tpu.memory_space<vmem>> -> memref<128xi32, #tpu.memory_space<vmem>>
      %dma_start3A_423 = arith.constant 0 : i32
      %dma_start3A_424 = arith.constant 0 : i32
      %dma_start3A_425 = tpu.memref_slice %arg7[%dma_start3A_423, %dma_start3A_424] : memref<8000000x16xf32, #tpu.memory_space<hbm>> -> memref<8000000x16xf32, #tpu.memory_space<hbm>>
      tpu.enqueue_indirect_dma source(%dma_start3A_425 : memref<8000000x16xf32, #tpu.memory_space<hbm>>) target(%dma_start3A_420 : memref<128x16xf32, #tpu.memory_space<vmem>>) offsets(%dma_start3A_422 : memref<128xi32, #tpu.memory_space<vmem>>) semaphore(%arg25 : memref<!tpu.dma_semaphore, #tpu.memory_space<semaphore_mem>>)
      %dma_start3A_426 = arith.constant 2432 : i32
      %dma_start3A_427 = arith.constant 0 : i32
      %dma_start3A_428 = tpu.memref_slice %arg19[%dma_start3A_426, %dma_start3A_427] : memref<3200x16xf32, #tpu.memory_space<vmem>> -> memref<128x16xf32, #tpu.memory_space<vmem>>
      %dma_start3A_429 = arith.constant 2432 : i32
      %dma_start3A_430 = tpu.memref_slice %arg16[%dma_start3A_429] : memref<3200xi32, #tpu.memory_space<vmem>> -> memref<128xi32, #tpu.memory_space<vmem>>
      %dma_start3A_431 = arith.constant 0 : i32
      %dma_start3A_432 = arith.constant 0 : i32
      %dma_start3A_433 = tpu.memref_slice %arg7[%dma_start3A_431, %dma_start3A_432] : memref<8000000x16xf32, #tpu.memory_space<hbm>> -> memref<8000000x16xf32, #tpu.memory_space<hbm>>
      tpu.enqueue_indirect_dma source(%dma_start3A_433 : memref<8000000x16xf32, #tpu.memory_space<hbm>>) target(%dma_start3A_428 : memref<128x16xf32, #tpu.memory_space<vmem>>) offsets(%dma_start3A_430 : memref<128xi32, #tpu.memory_space<vmem>>) semaphore(%arg25 : memref<!tpu.dma_semaphore, #tpu.memory_space<semaphore_mem>>)
      %dma_start3A_434 = arith.constant 2560 : i32
      %dma_start3A_435 = arith.constant 0 : i32
      %dma_start3A_436 = tpu.memref_slice %arg19[%dma_start3A_434, %dma_start3A_435] : memref<3200x16xf32, #tpu.memory_space<vmem>> -> memref<128x16xf32, #tpu.memory_space<vmem>>
      %dma_start3A_437 = arith.constant 2560 : i32
      %dma_start3A_438 = tpu.memref_slice %arg16[%dma_start3A_437] : memref<3200xi32, #tpu.memory_space<vmem>> -> memref<128xi32, #tpu.memory_space<vmem>>
      %dma_start3A_439 = arith.constant 0 : i32
      %dma_start3A_440 = arith.constant 0 : i32
      %dma_start3A_441 = tpu.memref_slice %arg7[%dma_start3A_439, %dma_start3A_440] : memref<8000000x16xf32, #tpu.memory_space<hbm>> -> memref<8000000x16xf32, #tpu.memory_space<hbm>>
      tpu.enqueue_indirect_dma source(%dma_start3A_441 : memref<8000000x16xf32, #tpu.memory_space<hbm>>) target(%dma_start3A_436 : memref<128x16xf32, #tpu.memory_space<vmem>>) offsets(%dma_start3A_438 : memref<128xi32, #tpu.memory_space<vmem>>) semaphore(%arg25 : memref<!tpu.dma_semaphore, #tpu.memory_space<semaphore_mem>>)
      %dma_start3A_442 = arith.constant 2688 : i32
      %dma_start3A_443 = arith.constant 0 : i32
      %dma_start3A_444 = tpu.memref_slice %arg19[%dma_start3A_442, %dma_start3A_443] : memref<3200x16xf32, #tpu.memory_space<vmem>> -> memref<128x16xf32, #tpu.memory_space<vmem>>
      %dma_start3A_445 = arith.constant 2688 : i32
      %dma_start3A_446 = tpu.memref_slice %arg16[%dma_start3A_445] : memref<3200xi32, #tpu.memory_space<vmem>> -> memref<128xi32, #tpu.memory_space<vmem>>
      %dma_start3A_447 = arith.constant 0 : i32
      %dma_start3A_448 = arith.constant 0 : i32
      %dma_start3A_449 = tpu.memref_slice %arg7[%dma_start3A_447, %dma_start3A_448] : memref<8000000x16xf32, #tpu.memory_space<hbm>> -> memref<8000000x16xf32, #tpu.memory_space<hbm>>
      tpu.enqueue_indirect_dma source(%dma_start3A_449 : memref<8000000x16xf32, #tpu.memory_space<hbm>>) target(%dma_start3A_444 : memref<128x16xf32, #tpu.memory_space<vmem>>) offsets(%dma_start3A_446 : memref<128xi32, #tpu.memory_space<vmem>>) semaphore(%arg25 : memref<!tpu.dma_semaphore, #tpu.memory_space<semaphore_mem>>)
      %dma_start3A_450 = arith.constant 2816 : i32
      %dma_start3A_451 = arith.constant 0 : i32
      %dma_start3A_452 = tpu.memref_slice %arg19[%dma_start3A_450, %dma_start3A_451] : memref<3200x16xf32, #tpu.memory_space<vmem>> -> memref<128x16xf32, #tpu.memory_space<vmem>>
      %dma_start3A_453 = arith.constant 2816 : i32
      %dma_start3A_454 = tpu.memref_slice %arg16[%dma_start3A_453] : memref<3200xi32, #tpu.memory_space<vmem>> -> memref<128xi32, #tpu.memory_space<vmem>>
      %dma_start3A_455 = arith.constant 0 : i32
      %dma_start3A_456 = arith.constant 0 : i32
      %dma_start3A_457 = tpu.memref_slice %arg7[%dma_start3A_455, %dma_start3A_456] : memref<8000000x16xf32, #tpu.memory_space<hbm>> -> memref<8000000x16xf32, #tpu.memory_space<hbm>>
      tpu.enqueue_indirect_dma source(%dma_start3A_457 : memref<8000000x16xf32, #tpu.memory_space<hbm>>) target(%dma_start3A_452 : memref<128x16xf32, #tpu.memory_space<vmem>>) offsets(%dma_start3A_454 : memref<128xi32, #tpu.memory_space<vmem>>) semaphore(%arg25 : memref<!tpu.dma_semaphore, #tpu.memory_space<semaphore_mem>>)
      %dma_start3A_458 = arith.constant 2944 : i32
      %dma_start3A_459 = arith.constant 0 : i32
      %dma_start3A_460 = tpu.memref_slice %arg19[%dma_start3A_458, %dma_start3A_459] : memref<3200x16xf32, #tpu.memory_space<vmem>> -> memref<128x16xf32, #tpu.memory_space<vmem>>
      %dma_start3A_461 = arith.constant 2944 : i32
      %dma_start3A_462 = tpu.memref_slice %arg16[%dma_start3A_461] : memref<3200xi32, #tpu.memory_space<vmem>> -> memref<128xi32, #tpu.memory_space<vmem>>
      %dma_start3A_463 = arith.constant 0 : i32
      %dma_start3A_464 = arith.constant 0 : i32
      %dma_start3A_465 = tpu.memref_slice %arg7[%dma_start3A_463, %dma_start3A_464] : memref<8000000x16xf32, #tpu.memory_space<hbm>> -> memref<8000000x16xf32, #tpu.memory_space<hbm>>
      tpu.enqueue_indirect_dma source(%dma_start3A_465 : memref<8000000x16xf32, #tpu.memory_space<hbm>>) target(%dma_start3A_460 : memref<128x16xf32, #tpu.memory_space<vmem>>) offsets(%dma_start3A_462 : memref<128xi32, #tpu.memory_space<vmem>>) semaphore(%arg25 : memref<!tpu.dma_semaphore, #tpu.memory_space<semaphore_mem>>)
      %dma_start3A_466 = arith.constant 3072 : i32
      %dma_start3A_467 = arith.constant 0 : i32
      %dma_start3A_468 = tpu.memref_slice %arg19[%dma_start3A_466, %dma_start3A_467] : memref<3200x16xf32, #tpu.memory_space<vmem>> -> memref<128x16xf32, #tpu.memory_space<vmem>>
      %dma_start3A_469 = arith.constant 3072 : i32
      %dma_start3A_470 = tpu.memref_slice %arg16[%dma_start3A_469] : memref<3200xi32, #tpu.memory_space<vmem>> -> memref<128xi32, #tpu.memory_space<vmem>>
      %dma_start3A_471 = arith.constant 0 : i32
      %dma_start3A_472 = arith.constant 0 : i32
      %dma_start3A_473 = tpu.memref_slice %arg7[%dma_start3A_471, %dma_start3A_472] : memref<8000000x16xf32, #tpu.memory_space<hbm>> -> memref<8000000x16xf32, #tpu.memory_space<hbm>>
      tpu.enqueue_indirect_dma source(%dma_start3A_473 : memref<8000000x16xf32, #tpu.memory_space<hbm>>) target(%dma_start3A_468 : memref<128x16xf32, #tpu.memory_space<vmem>>) offsets(%dma_start3A_470 : memref<128xi32, #tpu.memory_space<vmem>>) semaphore(%arg25 : memref<!tpu.dma_semaphore, #tpu.memory_space<semaphore_mem>>)
      %dma_wait3A = arith.constant 0 : i32
      %dma_wait3A_474 = arith.constant 0 : i32
      %dma_wait3A_475 = tpu.memref_slice %arg6[%dma_wait3A, %dma_wait3A_474] : memref<8000000x16xf32, #tpu.memory_space<hbm>> -> memref<8000000x16xf32, #tpu.memory_space<hbm>>
      tpu.wait_indirect_dma semaphore(%arg25 : memref<!tpu.dma_semaphore, #tpu.memory_space<semaphore_mem>>) src(%dma_wait3A_475 : memref<8000000x16xf32, #tpu.memory_space<hbm>>) dst(%arg17 : memref<128x16xf32, #tpu.memory_space<vmem>>)
      %dma_wait3A_476 = arith.constant 0 : i32
      %dma_wait3A_477 = arith.constant 0 : i32
      %dma_wait3A_478 = tpu.memref_slice %arg18[%dma_wait3A_476, %dma_wait3A_477] : memref<160x16xf32, #tpu.memory_space<vmem>> -> memref<80x16xf32, #tpu.memory_space<vmem>>
      %dma_wait3A_479 = arith.constant 0 : i32
      %dma_wait3A_480 = tpu.memref_slice %arg15[%dma_wait3A_479] : memref<160xi32, #tpu.memory_space<vmem>> -> memref<80xi32, #tpu.memory_space<vmem>>
      %dma_wait3A_481 = arith.constant 0 : i32
      %dma_wait3A_482 = arith.constant 0 : i32
      %dma_wait3A_483 = tpu.memref_slice %arg7[%dma_wait3A_481, %dma_wait3A_482] : memref<8000000x16xf32, #tpu.memory_space<hbm>> -> memref<8000000x16xf32, #tpu.memory_space<hbm>>
      tpu.wait_indirect_dma semaphore(%arg25 : memref<!tpu.dma_semaphore, #tpu.memory_space<semaphore_mem>>) src(%dma_wait3A_483 : memref<8000000x16xf32, #tpu.memory_space<hbm>>) dst(%dma_wait3A_478 : memref<80x16xf32, #tpu.memory_space<vmem>>)
      %dma_wait3A_484 = arith.constant 80 : i32
      %dma_wait3A_485 = arith.constant 0 : i32
      %dma_wait3A_486 = tpu.memref_slice %arg18[%dma_wait3A_484, %dma_wait3A_485] : memref<160x16xf32, #tpu.memory_space<vmem>> -> memref<80x16xf32, #tpu.memory_space<vmem>>
      %dma_wait3A_487 = arith.constant 80 : i32
      %dma_wait3A_488 = tpu.memref_slice %arg15[%dma_wait3A_487] : memref<160xi32, #tpu.memory_space<vmem>> -> memref<80xi32, #tpu.memory_space<vmem>>
      %dma_wait3A_489 = arith.constant 0 : i32
      %dma_wait3A_490 = arith.constant 0 : i32
      %dma_wait3A_491 = tpu.memref_slice %arg7[%dma_wait3A_489, %dma_wait3A_490] : memref<8000000x16xf32, #tpu.memory_space<hbm>> -> memref<8000000x16xf32, #tpu.memory_space<hbm>>
      tpu.wait_indirect_dma semaphore(%arg25 : memref<!tpu.dma_semaphore, #tpu.memory_space<semaphore_mem>>) src(%dma_wait3A_491 : memref<8000000x16xf32, #tpu.memory_space<hbm>>) dst(%dma_wait3A_486 : memref<80x16xf32, #tpu.memory_space<vmem>>)
      %dma_wait3A_492 = arith.constant 0 : i32
      %dma_wait3A_493 = arith.constant 0 : i32
      %dma_wait3A_494 = tpu.memref_slice %arg19[%dma_wait3A_492, %dma_wait3A_493] : memref<3200x16xf32, #tpu.memory_space<vmem>> -> memref<128x16xf32, #tpu.memory_space<vmem>>
      %dma_wait3A_495 = arith.constant 0 : i32
      %dma_wait3A_496 = tpu.memref_slice %arg16[%dma_wait3A_495] : memref<3200xi32, #tpu.memory_space<vmem>> -> memref<128xi32, #tpu.memory_space<vmem>>
      %dma_wait3A_497 = arith.constant 0 : i32
      %dma_wait3A_498 = arith.constant 0 : i32
      %dma_wait3A_499 = tpu.memref_slice %arg7[%dma_wait3A_497, %dma_wait3A_498] : memref<8000000x16xf32, #tpu.memory_space<hbm>> -> memref<8000000x16xf32, #tpu.memory_space<hbm>>
      tpu.wait_indirect_dma semaphore(%arg25 : memref<!tpu.dma_semaphore, #tpu.memory_space<semaphore_mem>>) src(%dma_wait3A_499 : memref<8000000x16xf32, #tpu.memory_space<hbm>>) dst(%dma_wait3A_494 : memref<128x16xf32, #tpu.memory_space<vmem>>)
      %dma_wait3A_500 = arith.constant 128 : i32
      %dma_wait3A_501 = arith.constant 0 : i32
      %dma_wait3A_502 = tpu.memref_slice %arg19[%dma_wait3A_500, %dma_wait3A_501] : memref<3200x16xf32, #tpu.memory_space<vmem>> -> memref<128x16xf32, #tpu.memory_space<vmem>>
      %dma_wait3A_503 = arith.constant 128 : i32
      %dma_wait3A_504 = tpu.memref_slice %arg16[%dma_wait3A_503] : memref<3200xi32, #tpu.memory_space<vmem>> -> memref<128xi32, #tpu.memory_space<vmem>>
      %dma_wait3A_505 = arith.constant 0 : i32
      %dma_wait3A_506 = arith.constant 0 : i32
      %dma_wait3A_507 = tpu.memref_slice %arg7[%dma_wait3A_505, %dma_wait3A_506] : memref<8000000x16xf32, #tpu.memory_space<hbm>> -> memref<8000000x16xf32, #tpu.memory_space<hbm>>
      tpu.wait_indirect_dma semaphore(%arg25 : memref<!tpu.dma_semaphore, #tpu.memory_space<semaphore_mem>>) src(%dma_wait3A_507 : memref<8000000x16xf32, #tpu.memory_space<hbm>>) dst(%dma_wait3A_502 : memref<128x16xf32, #tpu.memory_space<vmem>>)
      %dma_wait3A_508 = arith.constant 256 : i32
      %dma_wait3A_509 = arith.constant 0 : i32
      %dma_wait3A_510 = tpu.memref_slice %arg19[%dma_wait3A_508, %dma_wait3A_509] : memref<3200x16xf32, #tpu.memory_space<vmem>> -> memref<128x16xf32, #tpu.memory_space<vmem>>
      %dma_wait3A_511 = arith.constant 256 : i32
      %dma_wait3A_512 = tpu.memref_slice %arg16[%dma_wait3A_511] : memref<3200xi32, #tpu.memory_space<vmem>> -> memref<128xi32, #tpu.memory_space<vmem>>
      %dma_wait3A_513 = arith.constant 0 : i32
      %dma_wait3A_514 = arith.constant 0 : i32
      %dma_wait3A_515 = tpu.memref_slice %arg7[%dma_wait3A_513, %dma_wait3A_514] : memref<8000000x16xf32, #tpu.memory_space<hbm>> -> memref<8000000x16xf32, #tpu.memory_space<hbm>>
      tpu.wait_indirect_dma semaphore(%arg25 : memref<!tpu.dma_semaphore, #tpu.memory_space<semaphore_mem>>) src(%dma_wait3A_515 : memref<8000000x16xf32, #tpu.memory_space<hbm>>) dst(%dma_wait3A_510 : memref<128x16xf32, #tpu.memory_space<vmem>>)
      %dma_wait3A_516 = arith.constant 384 : i32
      %dma_wait3A_517 = arith.constant 0 : i32
      %dma_wait3A_518 = tpu.memref_slice %arg19[%dma_wait3A_516, %dma_wait3A_517] : memref<3200x16xf32, #tpu.memory_space<vmem>> -> memref<128x16xf32, #tpu.memory_space<vmem>>
      %dma_wait3A_519 = arith.constant 384 : i32
      %dma_wait3A_520 = tpu.memref_slice %arg16[%dma_wait3A_519] : memref<3200xi32, #tpu.memory_space<vmem>> -> memref<128xi32, #tpu.memory_space<vmem>>
      %dma_wait3A_521 = arith.constant 0 : i32
      %dma_wait3A_522 = arith.constant 0 : i32
      %dma_wait3A_523 = tpu.memref_slice %arg7[%dma_wait3A_521, %dma_wait3A_522] : memref<8000000x16xf32, #tpu.memory_space<hbm>> -> memref<8000000x16xf32, #tpu.memory_space<hbm>>
      tpu.wait_indirect_dma semaphore(%arg25 : memref<!tpu.dma_semaphore, #tpu.memory_space<semaphore_mem>>) src(%dma_wait3A_523 : memref<8000000x16xf32, #tpu.memory_space<hbm>>) dst(%dma_wait3A_518 : memref<128x16xf32, #tpu.memory_space<vmem>>)
      %dma_wait3A_524 = arith.constant 512 : i32
      %dma_wait3A_525 = arith.constant 0 : i32
      %dma_wait3A_526 = tpu.memref_slice %arg19[%dma_wait3A_524, %dma_wait3A_525] : memref<3200x16xf32, #tpu.memory_space<vmem>> -> memref<128x16xf32, #tpu.memory_space<vmem>>
      %dma_wait3A_527 = arith.constant 512 : i32
      %dma_wait3A_528 = tpu.memref_slice %arg16[%dma_wait3A_527] : memref<3200xi32, #tpu.memory_space<vmem>> -> memref<128xi32, #tpu.memory_space<vmem>>
      %dma_wait3A_529 = arith.constant 0 : i32
      %dma_wait3A_530 = arith.constant 0 : i32
      %dma_wait3A_531 = tpu.memref_slice %arg7[%dma_wait3A_529, %dma_wait3A_530] : memref<8000000x16xf32, #tpu.memory_space<hbm>> -> memref<8000000x16xf32, #tpu.memory_space<hbm>>
      tpu.wait_indirect_dma semaphore(%arg25 : memref<!tpu.dma_semaphore, #tpu.memory_space<semaphore_mem>>) src(%dma_wait3A_531 : memref<8000000x16xf32, #tpu.memory_space<hbm>>) dst(%dma_wait3A_526 : memref<128x16xf32, #tpu.memory_space<vmem>>)
      %dma_wait3A_532 = arith.constant 640 : i32
      %dma_wait3A_533 = arith.constant 0 : i32
      %dma_wait3A_534 = tpu.memref_slice %arg19[%dma_wait3A_532, %dma_wait3A_533] : memref<3200x16xf32, #tpu.memory_space<vmem>> -> memref<128x16xf32, #tpu.memory_space<vmem>>
      %dma_wait3A_535 = arith.constant 640 : i32
      %dma_wait3A_536 = tpu.memref_slice %arg16[%dma_wait3A_535] : memref<3200xi32, #tpu.memory_space<vmem>> -> memref<128xi32, #tpu.memory_space<vmem>>
      %dma_wait3A_537 = arith.constant 0 : i32
      %dma_wait3A_538 = arith.constant 0 : i32
      %dma_wait3A_539 = tpu.memref_slice %arg7[%dma_wait3A_537, %dma_wait3A_538] : memref<8000000x16xf32, #tpu.memory_space<hbm>> -> memref<8000000x16xf32, #tpu.memory_space<hbm>>
      tpu.wait_indirect_dma semaphore(%arg25 : memref<!tpu.dma_semaphore, #tpu.memory_space<semaphore_mem>>) src(%dma_wait3A_539 : memref<8000000x16xf32, #tpu.memory_space<hbm>>) dst(%dma_wait3A_534 : memref<128x16xf32, #tpu.memory_space<vmem>>)
      %dma_wait3A_540 = arith.constant 768 : i32
      %dma_wait3A_541 = arith.constant 0 : i32
      %dma_wait3A_542 = tpu.memref_slice %arg19[%dma_wait3A_540, %dma_wait3A_541] : memref<3200x16xf32, #tpu.memory_space<vmem>> -> memref<128x16xf32, #tpu.memory_space<vmem>>
      %dma_wait3A_543 = arith.constant 768 : i32
      %dma_wait3A_544 = tpu.memref_slice %arg16[%dma_wait3A_543] : memref<3200xi32, #tpu.memory_space<vmem>> -> memref<128xi32, #tpu.memory_space<vmem>>
      %dma_wait3A_545 = arith.constant 0 : i32
      %dma_wait3A_546 = arith.constant 0 : i32
      %dma_wait3A_547 = tpu.memref_slice %arg7[%dma_wait3A_545, %dma_wait3A_546] : memref<8000000x16xf32, #tpu.memory_space<hbm>> -> memref<8000000x16xf32, #tpu.memory_space<hbm>>
      tpu.wait_indirect_dma semaphore(%arg25 : memref<!tpu.dma_semaphore, #tpu.memory_space<semaphore_mem>>) src(%dma_wait3A_547 : memref<8000000x16xf32, #tpu.memory_space<hbm>>) dst(%dma_wait3A_542 : memref<128x16xf32, #tpu.memory_space<vmem>>)
      %dma_wait3A_548 = arith.constant 896 : i32
      %dma_wait3A_549 = arith.constant 0 : i32
      %dma_wait3A_550 = tpu.memref_slice %arg19[%dma_wait3A_548, %dma_wait3A_549] : memref<3200x16xf32, #tpu.memory_space<vmem>> -> memref<128x16xf32, #tpu.memory_space<vmem>>
      %dma_wait3A_551 = arith.constant 896 : i32
      %dma_wait3A_552 = tpu.memref_slice %arg16[%dma_wait3A_551] : memref<3200xi32, #tpu.memory_space<vmem>> -> memref<128xi32, #tpu.memory_space<vmem>>
      %dma_wait3A_553 = arith.constant 0 : i32
      %dma_wait3A_554 = arith.constant 0 : i32
      %dma_wait3A_555 = tpu.memref_slice %arg7[%dma_wait3A_553, %dma_wait3A_554] : memref<8000000x16xf32, #tpu.memory_space<hbm>> -> memref<8000000x16xf32, #tpu.memory_space<hbm>>
      tpu.wait_indirect_dma semaphore(%arg25 : memref<!tpu.dma_semaphore, #tpu.memory_space<semaphore_mem>>) src(%dma_wait3A_555 : memref<8000000x16xf32, #tpu.memory_space<hbm>>) dst(%dma_wait3A_550 : memref<128x16xf32, #tpu.memory_space<vmem>>)
      %dma_wait3A_556 = arith.constant 1024 : i32
      %dma_wait3A_557 = arith.constant 0 : i32
      %dma_wait3A_558 = tpu.memref_slice %arg19[%dma_wait3A_556, %dma_wait3A_557] : memref<3200x16xf32, #tpu.memory_space<vmem>> -> memref<128x16xf32, #tpu.memory_space<vmem>>
      %dma_wait3A_559 = arith.constant 1024 : i32
      %dma_wait3A_560 = tpu.memref_slice %arg16[%dma_wait3A_559] : memref<3200xi32, #tpu.memory_space<vmem>> -> memref<128xi32, #tpu.memory_space<vmem>>
      %dma_wait3A_561 = arith.constant 0 : i32
      %dma_wait3A_562 = arith.constant 0 : i32
      %dma_wait3A_563 = tpu.memref_slice %arg7[%dma_wait3A_561, %dma_wait3A_562] : memref<8000000x16xf32, #tpu.memory_space<hbm>> -> memref<8000000x16xf32, #tpu.memory_space<hbm>>
      tpu.wait_indirect_dma semaphore(%arg25 : memref<!tpu.dma_semaphore, #tpu.memory_space<semaphore_mem>>) src(%dma_wait3A_563 : memref<8000000x16xf32, #tpu.memory_space<hbm>>) dst(%dma_wait3A_558 : memref<128x16xf32, #tpu.memory_space<vmem>>)
      %dma_wait3A_564 = arith.constant 1152 : i32
      %dma_wait3A_565 = arith.constant 0 : i32
      %dma_wait3A_566 = tpu.memref_slice %arg19[%dma_wait3A_564, %dma_wait3A_565] : memref<3200x16xf32, #tpu.memory_space<vmem>> -> memref<128x16xf32, #tpu.memory_space<vmem>>
      %dma_wait3A_567 = arith.constant 1152 : i32
      %dma_wait3A_568 = tpu.memref_slice %arg16[%dma_wait3A_567] : memref<3200xi32, #tpu.memory_space<vmem>> -> memref<128xi32, #tpu.memory_space<vmem>>
      %dma_wait3A_569 = arith.constant 0 : i32
      %dma_wait3A_570 = arith.constant 0 : i32
      %dma_wait3A_571 = tpu.memref_slice %arg7[%dma_wait3A_569, %dma_wait3A_570] : memref<8000000x16xf32, #tpu.memory_space<hbm>> -> memref<8000000x16xf32, #tpu.memory_space<hbm>>
      tpu.wait_indirect_dma semaphore(%arg25 : memref<!tpu.dma_semaphore, #tpu.memory_space<semaphore_mem>>) src(%dma_wait3A_571 : memref<8000000x16xf32, #tpu.memory_space<hbm>>) dst(%dma_wait3A_566 : memref<128x16xf32, #tpu.memory_space<vmem>>)
      %dma_wait3A_572 = arith.constant 1280 : i32
      %dma_wait3A_573 = arith.constant 0 : i32
      %dma_wait3A_574 = tpu.memref_slice %arg19[%dma_wait3A_572, %dma_wait3A_573] : memref<3200x16xf32, #tpu.memory_space<vmem>> -> memref<128x16xf32, #tpu.memory_space<vmem>>
      %dma_wait3A_575 = arith.constant 1280 : i32
      %dma_wait3A_576 = tpu.memref_slice %arg16[%dma_wait3A_575] : memref<3200xi32, #tpu.memory_space<vmem>> -> memref<128xi32, #tpu.memory_space<vmem>>
      %dma_wait3A_577 = arith.constant 0 : i32
      %dma_wait3A_578 = arith.constant 0 : i32
      %dma_wait3A_579 = tpu.memref_slice %arg7[%dma_wait3A_577, %dma_wait3A_578] : memref<8000000x16xf32, #tpu.memory_space<hbm>> -> memref<8000000x16xf32, #tpu.memory_space<hbm>>
      tpu.wait_indirect_dma semaphore(%arg25 : memref<!tpu.dma_semaphore, #tpu.memory_space<semaphore_mem>>) src(%dma_wait3A_579 : memref<8000000x16xf32, #tpu.memory_space<hbm>>) dst(%dma_wait3A_574 : memref<128x16xf32, #tpu.memory_space<vmem>>)
      %dma_wait3A_580 = arith.constant 1408 : i32
      %dma_wait3A_581 = arith.constant 0 : i32
      %dma_wait3A_582 = tpu.memref_slice %arg19[%dma_wait3A_580, %dma_wait3A_581] : memref<3200x16xf32, #tpu.memory_space<vmem>> -> memref<128x16xf32, #tpu.memory_space<vmem>>
      %dma_wait3A_583 = arith.constant 1408 : i32
      %dma_wait3A_584 = tpu.memref_slice %arg16[%dma_wait3A_583] : memref<3200xi32, #tpu.memory_space<vmem>> -> memref<128xi32, #tpu.memory_space<vmem>>
      %dma_wait3A_585 = arith.constant 0 : i32
      %dma_wait3A_586 = arith.constant 0 : i32
      %dma_wait3A_587 = tpu.memref_slice %arg7[%dma_wait3A_585, %dma_wait3A_586] : memref<8000000x16xf32, #tpu.memory_space<hbm>> -> memref<8000000x16xf32, #tpu.memory_space<hbm>>
      tpu.wait_indirect_dma semaphore(%arg25 : memref<!tpu.dma_semaphore, #tpu.memory_space<semaphore_mem>>) src(%dma_wait3A_587 : memref<8000000x16xf32, #tpu.memory_space<hbm>>) dst(%dma_wait3A_582 : memref<128x16xf32, #tpu.memory_space<vmem>>)
      %dma_wait3A_588 = arith.constant 1536 : i32
      %dma_wait3A_589 = arith.constant 0 : i32
      %dma_wait3A_590 = tpu.memref_slice %arg19[%dma_wait3A_588, %dma_wait3A_589] : memref<3200x16xf32, #tpu.memory_space<vmem>> -> memref<128x16xf32, #tpu.memory_space<vmem>>
      %dma_wait3A_591 = arith.constant 1536 : i32
      %dma_wait3A_592 = tpu.memref_slice %arg16[%dma_wait3A_591] : memref<3200xi32, #tpu.memory_space<vmem>> -> memref<128xi32, #tpu.memory_space<vmem>>
      %dma_wait3A_593 = arith.constant 0 : i32
      %dma_wait3A_594 = arith.constant 0 : i32
      %dma_wait3A_595 = tpu.memref_slice %arg7[%dma_wait3A_593, %dma_wait3A_594] : memref<8000000x16xf32, #tpu.memory_space<hbm>> -> memref<8000000x16xf32, #tpu.memory_space<hbm>>
      tpu.wait_indirect_dma semaphore(%arg25 : memref<!tpu.dma_semaphore, #tpu.memory_space<semaphore_mem>>) src(%dma_wait3A_595 : memref<8000000x16xf32, #tpu.memory_space<hbm>>) dst(%dma_wait3A_590 : memref<128x16xf32, #tpu.memory_space<vmem>>)
      %dma_wait3A_596 = arith.constant 1664 : i32
      %dma_wait3A_597 = arith.constant 0 : i32
      %dma_wait3A_598 = tpu.memref_slice %arg19[%dma_wait3A_596, %dma_wait3A_597] : memref<3200x16xf32, #tpu.memory_space<vmem>> -> memref<128x16xf32, #tpu.memory_space<vmem>>
      %dma_wait3A_599 = arith.constant 1664 : i32
      %dma_wait3A_600 = tpu.memref_slice %arg16[%dma_wait3A_599] : memref<3200xi32, #tpu.memory_space<vmem>> -> memref<128xi32, #tpu.memory_space<vmem>>
      %dma_wait3A_601 = arith.constant 0 : i32
      %dma_wait3A_602 = arith.constant 0 : i32
      %dma_wait3A_603 = tpu.memref_slice %arg7[%dma_wait3A_601, %dma_wait3A_602] : memref<8000000x16xf32, #tpu.memory_space<hbm>> -> memref<8000000x16xf32, #tpu.memory_space<hbm>>
      tpu.wait_indirect_dma semaphore(%arg25 : memref<!tpu.dma_semaphore, #tpu.memory_space<semaphore_mem>>) src(%dma_wait3A_603 : memref<8000000x16xf32, #tpu.memory_space<hbm>>) dst(%dma_wait3A_598 : memref<128x16xf32, #tpu.memory_space<vmem>>)
      %dma_wait3A_604 = arith.constant 1792 : i32
      %dma_wait3A_605 = arith.constant 0 : i32
      %dma_wait3A_606 = tpu.memref_slice %arg19[%dma_wait3A_604, %dma_wait3A_605] : memref<3200x16xf32, #tpu.memory_space<vmem>> -> memref<128x16xf32, #tpu.memory_space<vmem>>
      %dma_wait3A_607 = arith.constant 1792 : i32
      %dma_wait3A_608 = tpu.memref_slice %arg16[%dma_wait3A_607] : memref<3200xi32, #tpu.memory_space<vmem>> -> memref<128xi32, #tpu.memory_space<vmem>>
      %dma_wait3A_609 = arith.constant 0 : i32
      %dma_wait3A_610 = arith.constant 0 : i32
      %dma_wait3A_611 = tpu.memref_slice %arg7[%dma_wait3A_609, %dma_wait3A_610] : memref<8000000x16xf32, #tpu.memory_space<hbm>> -> memref<8000000x16xf32, #tpu.memory_space<hbm>>
      tpu.wait_indirect_dma semaphore(%arg25 : memref<!tpu.dma_semaphore, #tpu.memory_space<semaphore_mem>>) src(%dma_wait3A_611 : memref<8000000x16xf32, #tpu.memory_space<hbm>>) dst(%dma_wait3A_606 : memref<128x16xf32, #tpu.memory_space<vmem>>)
      %dma_wait3A_612 = arith.constant 1920 : i32
      %dma_wait3A_613 = arith.constant 0 : i32
      %dma_wait3A_614 = tpu.memref_slice %arg19[%dma_wait3A_612, %dma_wait3A_613] : memref<3200x16xf32, #tpu.memory_space<vmem>> -> memref<128x16xf32, #tpu.memory_space<vmem>>
      %dma_wait3A_615 = arith.constant 1920 : i32
      %dma_wait3A_616 = tpu.memref_slice %arg16[%dma_wait3A_615] : memref<3200xi32, #tpu.memory_space<vmem>> -> memref<128xi32, #tpu.memory_space<vmem>>
      %dma_wait3A_617 = arith.constant 0 : i32
      %dma_wait3A_618 = arith.constant 0 : i32
      %dma_wait3A_619 = tpu.memref_slice %arg7[%dma_wait3A_617, %dma_wait3A_618] : memref<8000000x16xf32, #tpu.memory_space<hbm>> -> memref<8000000x16xf32, #tpu.memory_space<hbm>>
      tpu.wait_indirect_dma semaphore(%arg25 : memref<!tpu.dma_semaphore, #tpu.memory_space<semaphore_mem>>) src(%dma_wait3A_619 : memref<8000000x16xf32, #tpu.memory_space<hbm>>) dst(%dma_wait3A_614 : memref<128x16xf32, #tpu.memory_space<vmem>>)
      %dma_wait3A_620 = arith.constant 2048 : i32
      %dma_wait3A_621 = arith.constant 0 : i32
      %dma_wait3A_622 = tpu.memref_slice %arg19[%dma_wait3A_620, %dma_wait3A_621] : memref<3200x16xf32, #tpu.memory_space<vmem>> -> memref<128x16xf32, #tpu.memory_space<vmem>>
      %dma_wait3A_623 = arith.constant 2048 : i32
      %dma_wait3A_624 = tpu.memref_slice %arg16[%dma_wait3A_623] : memref<3200xi32, #tpu.memory_space<vmem>> -> memref<128xi32, #tpu.memory_space<vmem>>
      %dma_wait3A_625 = arith.constant 0 : i32
      %dma_wait3A_626 = arith.constant 0 : i32
      %dma_wait3A_627 = tpu.memref_slice %arg7[%dma_wait3A_625, %dma_wait3A_626] : memref<8000000x16xf32, #tpu.memory_space<hbm>> -> memref<8000000x16xf32, #tpu.memory_space<hbm>>
      tpu.wait_indirect_dma semaphore(%arg25 : memref<!tpu.dma_semaphore, #tpu.memory_space<semaphore_mem>>) src(%dma_wait3A_627 : memref<8000000x16xf32, #tpu.memory_space<hbm>>) dst(%dma_wait3A_622 : memref<128x16xf32, #tpu.memory_space<vmem>>)
      %dma_wait3A_628 = arith.constant 2176 : i32
      %dma_wait3A_629 = arith.constant 0 : i32
      %dma_wait3A_630 = tpu.memref_slice %arg19[%dma_wait3A_628, %dma_wait3A_629] : memref<3200x16xf32, #tpu.memory_space<vmem>> -> memref<128x16xf32, #tpu.memory_space<vmem>>
      %dma_wait3A_631 = arith.constant 2176 : i32
      %dma_wait3A_632 = tpu.memref_slice %arg16[%dma_wait3A_631] : memref<3200xi32, #tpu.memory_space<vmem>> -> memref<128xi32, #tpu.memory_space<vmem>>
      %dma_wait3A_633 = arith.constant 0 : i32
      %dma_wait3A_634 = arith.constant 0 : i32
      %dma_wait3A_635 = tpu.memref_slice %arg7[%dma_wait3A_633, %dma_wait3A_634] : memref<8000000x16xf32, #tpu.memory_space<hbm>> -> memref<8000000x16xf32, #tpu.memory_space<hbm>>
      tpu.wait_indirect_dma semaphore(%arg25 : memref<!tpu.dma_semaphore, #tpu.memory_space<semaphore_mem>>) src(%dma_wait3A_635 : memref<8000000x16xf32, #tpu.memory_space<hbm>>) dst(%dma_wait3A_630 : memref<128x16xf32, #tpu.memory_space<vmem>>)
      %dma_wait3A_636 = arith.constant 2304 : i32
      %dma_wait3A_637 = arith.constant 0 : i32
      %dma_wait3A_638 = tpu.memref_slice %arg19[%dma_wait3A_636, %dma_wait3A_637] : memref<3200x16xf32, #tpu.memory_space<vmem>> -> memref<128x16xf32, #tpu.memory_space<vmem>>
      %dma_wait3A_639 = arith.constant 2304 : i32
      %dma_wait3A_640 = tpu.memref_slice %arg16[%dma_wait3A_639] : memref<3200xi32, #tpu.memory_space<vmem>> -> memref<128xi32, #tpu.memory_space<vmem>>
      %dma_wait3A_641 = arith.constant 0 : i32
      %dma_wait3A_642 = arith.constant 0 : i32
      %dma_wait3A_643 = tpu.memref_slice %arg7[%dma_wait3A_641, %dma_wait3A_642] : memref<8000000x16xf32, #tpu.memory_space<hbm>> -> memref<8000000x16xf32, #tpu.memory_space<hbm>>
      tpu.wait_indirect_dma semaphore(%arg25 : memref<!tpu.dma_semaphore, #tpu.memory_space<semaphore_mem>>) src(%dma_wait3A_643 : memref<8000000x16xf32, #tpu.memory_space<hbm>>) dst(%dma_wait3A_638 : memref<128x16xf32, #tpu.memory_space<vmem>>)
      %dma_wait3A_644 = arith.constant 2432 : i32
      %dma_wait3A_645 = arith.constant 0 : i32
      %dma_wait3A_646 = tpu.memref_slice %arg19[%dma_wait3A_644, %dma_wait3A_645] : memref<3200x16xf32, #tpu.memory_space<vmem>> -> memref<128x16xf32, #tpu.memory_space<vmem>>
      %dma_wait3A_647 = arith.constant 2432 : i32
      %dma_wait3A_648 = tpu.memref_slice %arg16[%dma_wait3A_647] : memref<3200xi32, #tpu.memory_space<vmem>> -> memref<128xi32, #tpu.memory_space<vmem>>
      %dma_wait3A_649 = arith.constant 0 : i32
      %dma_wait3A_650 = arith.constant 0 : i32
      %dma_wait3A_651 = tpu.memref_slice %arg7[%dma_wait3A_649, %dma_wait3A_650] : memref<8000000x16xf32, #tpu.memory_space<hbm>> -> memref<8000000x16xf32, #tpu.memory_space<hbm>>
      tpu.wait_indirect_dma semaphore(%arg25 : memref<!tpu.dma_semaphore, #tpu.memory_space<semaphore_mem>>) src(%dma_wait3A_651 : memref<8000000x16xf32, #tpu.memory_space<hbm>>) dst(%dma_wait3A_646 : memref<128x16xf32, #tpu.memory_space<vmem>>)
      %dma_wait3A_652 = arith.constant 2560 : i32
      %dma_wait3A_653 = arith.constant 0 : i32
      %dma_wait3A_654 = tpu.memref_slice %arg19[%dma_wait3A_652, %dma_wait3A_653] : memref<3200x16xf32, #tpu.memory_space<vmem>> -> memref<128x16xf32, #tpu.memory_space<vmem>>
      %dma_wait3A_655 = arith.constant 2560 : i32
      %dma_wait3A_656 = tpu.memref_slice %arg16[%dma_wait3A_655] : memref<3200xi32, #tpu.memory_space<vmem>> -> memref<128xi32, #tpu.memory_space<vmem>>
      %dma_wait3A_657 = arith.constant 0 : i32
      %dma_wait3A_658 = arith.constant 0 : i32
      %dma_wait3A_659 = tpu.memref_slice %arg7[%dma_wait3A_657, %dma_wait3A_658] : memref<8000000x16xf32, #tpu.memory_space<hbm>> -> memref<8000000x16xf32, #tpu.memory_space<hbm>>
      tpu.wait_indirect_dma semaphore(%arg25 : memref<!tpu.dma_semaphore, #tpu.memory_space<semaphore_mem>>) src(%dma_wait3A_659 : memref<8000000x16xf32, #tpu.memory_space<hbm>>) dst(%dma_wait3A_654 : memref<128x16xf32, #tpu.memory_space<vmem>>)
      %dma_wait3A_660 = arith.constant 2688 : i32
      %dma_wait3A_661 = arith.constant 0 : i32
      %dma_wait3A_662 = tpu.memref_slice %arg19[%dma_wait3A_660, %dma_wait3A_661] : memref<3200x16xf32, #tpu.memory_space<vmem>> -> memref<128x16xf32, #tpu.memory_space<vmem>>
      %dma_wait3A_663 = arith.constant 2688 : i32
      %dma_wait3A_664 = tpu.memref_slice %arg16[%dma_wait3A_663] : memref<3200xi32, #tpu.memory_space<vmem>> -> memref<128xi32, #tpu.memory_space<vmem>>
      %dma_wait3A_665 = arith.constant 0 : i32
      %dma_wait3A_666 = arith.constant 0 : i32
      %dma_wait3A_667 = tpu.memref_slice %arg7[%dma_wait3A_665, %dma_wait3A_666] : memref<8000000x16xf32, #tpu.memory_space<hbm>> -> memref<8000000x16xf32, #tpu.memory_space<hbm>>
      tpu.wait_indirect_dma semaphore(%arg25 : memref<!tpu.dma_semaphore, #tpu.memory_space<semaphore_mem>>) src(%dma_wait3A_667 : memref<8000000x16xf32, #tpu.memory_space<hbm>>) dst(%dma_wait3A_662 : memref<128x16xf32, #tpu.memory_space<vmem>>)
      %dma_wait3A_668 = arith.constant 2816 : i32
      %dma_wait3A_669 = arith.constant 0 : i32
      %dma_wait3A_670 = tpu.memref_slice %arg19[%dma_wait3A_668, %dma_wait3A_669] : memref<3200x16xf32, #tpu.memory_space<vmem>> -> memref<128x16xf32, #tpu.memory_space<vmem>>
      %dma_wait3A_671 = arith.constant 2816 : i32
      %dma_wait3A_672 = tpu.memref_slice %arg16[%dma_wait3A_671] : memref<3200xi32, #tpu.memory_space<vmem>> -> memref<128xi32, #tpu.memory_space<vmem>>
      %dma_wait3A_673 = arith.constant 0 : i32
      %dma_wait3A_674 = arith.constant 0 : i32
      %dma_wait3A_675 = tpu.memref_slice %arg7[%dma_wait3A_673, %dma_wait3A_674] : memref<8000000x16xf32, #tpu.memory_space<hbm>> -> memref<8000000x16xf32, #tpu.memory_space<hbm>>
      tpu.wait_indirect_dma semaphore(%arg25 : memref<!tpu.dma_semaphore, #tpu.memory_space<semaphore_mem>>) src(%dma_wait3A_675 : memref<8000000x16xf32, #tpu.memory_space<hbm>>) dst(%dma_wait3A_670 : memref<128x16xf32, #tpu.memory_space<vmem>>)
      %dma_wait3A_676 = arith.constant 2944 : i32
      %dma_wait3A_677 = arith.constant 0 : i32
      %dma_wait3A_678 = tpu.memref_slice %arg19[%dma_wait3A_676, %dma_wait3A_677] : memref<3200x16xf32, #tpu.memory_space<vmem>> -> memref<128x16xf32, #tpu.memory_space<vmem>>
      %dma_wait3A_679 = arith.constant 2944 : i32
      %dma_wait3A_680 = tpu.memref_slice %arg16[%dma_wait3A_679] : memref<3200xi32, #tpu.memory_space<vmem>> -> memref<128xi32, #tpu.memory_space<vmem>>
      %dma_wait3A_681 = arith.constant 0 : i32
      %dma_wait3A_682 = arith.constant 0 : i32
      %dma_wait3A_683 = tpu.memref_slice %arg7[%dma_wait3A_681, %dma_wait3A_682] : memref<8000000x16xf32, #tpu.memory_space<hbm>> -> memref<8000000x16xf32, #tpu.memory_space<hbm>>
      tpu.wait_indirect_dma semaphore(%arg25 : memref<!tpu.dma_semaphore, #tpu.memory_space<semaphore_mem>>) src(%dma_wait3A_683 : memref<8000000x16xf32, #tpu.memory_space<hbm>>) dst(%dma_wait3A_678 : memref<128x16xf32, #tpu.memory_space<vmem>>)
      %dma_wait3A_684 = arith.constant 3072 : i32
      %dma_wait3A_685 = arith.constant 0 : i32
      %dma_wait3A_686 = tpu.memref_slice %arg19[%dma_wait3A_684, %dma_wait3A_685] : memref<3200x16xf32, #tpu.memory_space<vmem>> -> memref<128x16xf32, #tpu.memory_space<vmem>>
      %dma_wait3A_687 = arith.constant 3072 : i32
      %dma_wait3A_688 = tpu.memref_slice %arg16[%dma_wait3A_687] : memref<3200xi32, #tpu.memory_space<vmem>> -> memref<128xi32, #tpu.memory_space<vmem>>
      %dma_wait3A_689 = arith.constant 0 : i32
      %dma_wait3A_690 = arith.constant 0 : i32
      %dma_wait3A_691 = tpu.memref_slice %arg7[%dma_wait3A_689, %dma_wait3A_690] : memref<8000000x16xf32, #tpu.memory_space<hbm>> -> memref<8000000x16xf32, #tpu.memory_space<hbm>>
      tpu.wait_indirect_dma semaphore(%arg25 : memref<!tpu.dma_semaphore, #tpu.memory_space<semaphore_mem>>) src(%dma_wait3A_691 : memref<8000000x16xf32, #tpu.memory_space<hbm>>) dst(%dma_wait3A_686 : memref<128x16xf32, #tpu.memory_space<vmem>>)
      %scan3A_692 = arith.constant 0 : i32
      %scan3A_693 = arith.constant 0 : i32
      %scan3A_694 = arith.constant 32 : i32
      %scan3A_695 = arith.addi %scan3A_693, %scan3A_694 : i32
      %scan3A_696 = arith.constant 1 : i32
      scf.for %scan3A_698 = %scan3A_693 to %scan3A_695 step %scan3A_696  : i32 {
        %broadcast_in_dim3A = arith.constant 0.000000e+00 : f32
        %broadcast_in_dim3A_699 = vector.broadcast %broadcast_in_dim3A : f32 to vector<16xf32>
        %mul3A_700 = arith.constant 4 : i32
        %mul3A_701 = arith.muli %mul3A_700, %scan3A_698 : i32
        %add3A_702 = arith.constant 0 : i32
        %add3A_703 = arith.addi %mul3A_701, %add3A_702 : i32
        %get3A_704 = arith.index_cast %add3A_703 : i32 to index
        %get3A_705 = arith.constant 0 : index
        %get3A_706 = tpu.vector_load %arg17[%get3A_704, %get3A_705] {strides = array<i32>} : memref<128x16xf32, #tpu.memory_space<vmem>>, vector<16xf32>,
        %slice3A = vector.extract_strided_slice %get3A_706 {offsets = [0], sizes = [1], strides = [1]} : vector<16xf32> to vector<1xf32>
        %squeeze3A = vector.extract %slice3A[0] : f32 from vector<1xf32>
        %get3A_707 = arith.constant 0 : i32
        %get3A_708 = arith.index_cast %get3A_707 : i32 to index
        %get3A_709 = arith.constant 0 : index
        %get3A_710 = tpu.vector_load %arg20[%get3A_708, %get3A_709] {strides = array<i32>} : memref<64x16xf32, #tpu.memory_space<vmem>>, vector<16xf32>,
        %mul3A_711 = vector.broadcast %squeeze3A : f32 to vector<16xf32>
        %mul3A_712 = arith.mulf %mul3A_711, %get3A_710 : vector<16xf32>
        %add3A_713 = arith.addf %broadcast_in_dim3A_699, %mul3A_712 : vector<16xf32>
        %slice3A_714 = vector.extract_strided_slice %get3A_706 {offsets = [1], sizes = [1], strides = [1]} : vector<16xf32> to vector<1xf32>
        %squeeze3A_715 = vector.extract %slice3A_714[0] : f32 from vector<1xf32>
        %get3A_716 = arith.constant 1 : i32
        %get3A_717 = arith.index_cast %get3A_716 : i32 to index
        %get3A_718 = arith.constant 0 : index
        %get3A_719 = tpu.vector_load %arg20[%get3A_717, %get3A_718] {strides = array<i32>} : memref<64x16xf32, #tpu.memory_space<vmem>>, vector<16xf32>,
        %mul3A_720 = vector.broadcast %squeeze3A_715 : f32 to vector<16xf32>
        %mul3A_721 = arith.mulf %mul3A_720, %get3A_719 : vector<16xf32>
        %add3A_722 = arith.addf %add3A_713, %mul3A_721 : vector<16xf32>
        %slice3A_723 = vector.extract_strided_slice %get3A_706 {offsets = [2], sizes = [1], strides = [1]} : vector<16xf32> to vector<1xf32>
        %squeeze3A_724 = vector.extract %slice3A_723[0] : f32 from vector<1xf32>
        %get3A_725 = arith.constant 2 : i32
        %get3A_726 = arith.index_cast %get3A_725 : i32 to index
        %get3A_727 = arith.constant 0 : index
        %get3A_728 = tpu.vector_load %arg20[%get3A_726, %get3A_727] {strides = array<i32>} : memref<64x16xf32, #tpu.memory_space<vmem>>, vector<16xf32>,
        %mul3A_729 = vector.broadcast %squeeze3A_724 : f32 to vector<16xf32>
        %mul3A_730 = arith.mulf %mul3A_729, %get3A_728 : vector<16xf32>
        %add3A_731 = arith.addf %add3A_722, %mul3A_730 : vector<16xf32>
        %slice3A_732 = vector.extract_strided_slice %get3A_706 {offsets = [3], sizes = [1], strides = [1]} : vector<16xf32> to vector<1xf32>
        %squeeze3A_733 = vector.extract %slice3A_732[0] : f32 from vector<1xf32>
        %get3A_734 = arith.constant 3 : i32
        %get3A_735 = arith.index_cast %get3A_734 : i32 to index
        %get3A_736 = arith.constant 0 : index
        %get3A_737 = tpu.vector_load %arg20[%get3A_735, %get3A_736] {strides = array<i32>} : memref<64x16xf32, #tpu.memory_space<vmem>>, vector<16xf32>,
        %mul3A_738 = vector.broadcast %squeeze3A_733 : f32 to vector<16xf32>
        %mul3A_739 = arith.mulf %mul3A_738, %get3A_737 : vector<16xf32>
        %add3A_740 = arith.addf %add3A_731, %mul3A_739 : vector<16xf32>
        %slice3A_741 = vector.extract_strided_slice %get3A_706 {offsets = [4], sizes = [1], strides = [1]} : vector<16xf32> to vector<1xf32>
        %squeeze3A_742 = vector.extract %slice3A_741[0] : f32 from vector<1xf32>
        %get3A_743 = arith.constant 4 : i32
        %get3A_744 = arith.index_cast %get3A_743 : i32 to index
        %get3A_745 = arith.constant 0 : index
        %get3A_746 = tpu.vector_load %arg20[%get3A_744, %get3A_745] {strides = array<i32>} : memref<64x16xf32, #tpu.memory_space<vmem>>, vector<16xf32>,
        %mul3A_747 = vector.broadcast %squeeze3A_742 : f32 to vector<16xf32>
        %mul3A_748 = arith.mulf %mul3A_747, %get3A_746 : vector<16xf32>
        %add3A_749 = arith.addf %add3A_740, %mul3A_748 : vector<16xf32>
        %slice3A_750 = vector.extract_strided_slice %get3A_706 {offsets = [5], sizes = [1], strides = [1]} : vector<16xf32> to vector<1xf32>
        %squeeze3A_751 = vector.extract %slice3A_750[0] : f32 from vector<1xf32>
        %get3A_752 = arith.constant 5 : i32
        %get3A_753 = arith.index_cast %get3A_752 : i32 to index
        %get3A_754 = arith.constant 0 : index
        %get3A_755 = tpu.vector_load %arg20[%get3A_753, %get3A_754] {strides = array<i32>} : memref<64x16xf32, #tpu.memory_space<vmem>>, vector<16xf32>,
        %mul3A_756 = vector.broadcast %squeeze3A_751 : f32 to vector<16xf32>
        %mul3A_757 = arith.mulf %mul3A_756, %get3A_755 : vector<16xf32>
        %add3A_758 = arith.addf %add3A_749, %mul3A_757 : vector<16xf32>
        %slice3A_759 = vector.extract_strided_slice %get3A_706 {offsets = [6], sizes = [1], strides = [1]} : vector<16xf32> to vector<1xf32>
        %squeeze3A_760 = vector.extract %slice3A_759[0] : f32 from vector<1xf32>
        %get3A_761 = arith.constant 6 : i32
        %get3A_762 = arith.index_cast %get3A_761 : i32 to index
        %get3A_763 = arith.constant 0 : index
        %get3A_764 = tpu.vector_load %arg20[%get3A_762, %get3A_763] {strides = array<i32>} : memref<64x16xf32, #tpu.memory_space<vmem>>, vector<16xf32>,
        %mul3A_765 = vector.broadcast %squeeze3A_760 : f32 to vector<16xf32>
        %mul3A_766 = arith.mulf %mul3A_765, %get3A_764 : vector<16xf32>
        %add3A_767 = arith.addf %add3A_758, %mul3A_766 : vector<16xf32>
        %slice3A_768 = vector.extract_strided_slice %get3A_706 {offsets = [7], sizes = [1], strides = [1]} : vector<16xf32> to vector<1xf32>
        %squeeze3A_769 = vector.extract %slice3A_768[0] : f32 from vector<1xf32>
        %get3A_770 = arith.constant 7 : i32
        %get3A_771 = arith.index_cast %get3A_770 : i32 to index
        %get3A_772 = arith.constant 0 : index
        %get3A_773 = tpu.vector_load %arg20[%get3A_771, %get3A_772] {strides = array<i32>} : memref<64x16xf32, #tpu.memory_space<vmem>>, vector<16xf32>,
        %mul3A_774 = vector.broadcast %squeeze3A_769 : f32 to vector<16xf32>
        %mul3A_775 = arith.mulf %mul3A_774, %get3A_773 : vector<16xf32>
        %add3A_776 = arith.addf %add3A_767, %mul3A_775 : vector<16xf32>
        %slice3A_777 = vector.extract_strided_slice %get3A_706 {offsets = [8], sizes = [1], strides = [1]} : vector<16xf32> to vector<1xf32>
        %squeeze3A_778 = vector.extract %slice3A_777[0] : f32 from vector<1xf32>
        %get3A_779 = arith.constant 8 : i32
        %get3A_780 = arith.index_cast %get3A_779 : i32 to index
        %get3A_781 = arith.constant 0 : index
        %get3A_782 = tpu.vector_load %arg20[%get3A_780, %get3A_781] {strides = array<i32>} : memref<64x16xf32, #tpu.memory_space<vmem>>, vector<16xf32>,
        %mul3A_783 = vector.broadcast %squeeze3A_778 : f32 to vector<16xf32>
        %mul3A_784 = arith.mulf %mul3A_783, %get3A_782 : vector<16xf32>
        %add3A_785 = arith.addf %add3A_776, %mul3A_784 : vector<16xf32>
        %slice3A_786 = vector.extract_strided_slice %get3A_706 {offsets = [9], sizes = [1], strides = [1]} : vector<16xf32> to vector<1xf32>
        %squeeze3A_787 = vector.extract %slice3A_786[0] : f32 from vector<1xf32>
        %get3A_788 = arith.constant 9 : i32
        %get3A_789 = arith.index_cast %get3A_788 : i32 to index
        %get3A_790 = arith.constant 0 : index
        %get3A_791 = tpu.vector_load %arg20[%get3A_789, %get3A_790] {strides = array<i32>} : memref<64x16xf32, #tpu.memory_space<vmem>>, vector<16xf32>,
        %mul3A_792 = vector.broadcast %squeeze3A_787 : f32 to vector<16xf32>
        %mul3A_793 = arith.mulf %mul3A_792, %get3A_791 : vector<16xf32>
        %add3A_794 = arith.addf %add3A_785, %mul3A_793 : vector<16xf32>
        %slice3A_795 = vector.extract_strided_slice %get3A_706 {offsets = [10], sizes = [1], strides = [1]} : vector<16xf32> to vector<1xf32>
        %squeeze3A_796 = vector.extract %slice3A_795[0] : f32 from vector<1xf32>
        %get3A_797 = arith.constant 10 : i32
        %get3A_798 = arith.index_cast %get3A_797 : i32 to index
        %get3A_799 = arith.constant 0 : index
        %get3A_800 = tpu.vector_load %arg20[%get3A_798, %get3A_799] {strides = array<i32>} : memref<64x16xf32, #tpu.memory_space<vmem>>, vector<16xf32>,
        %mul3A_801 = vector.broadcast %squeeze3A_796 : f32 to vector<16xf32>
        %mul3A_802 = arith.mulf %mul3A_801, %get3A_800 : vector<16xf32>
        %add3A_803 = arith.addf %add3A_794, %mul3A_802 : vector<16xf32>
        %slice3A_804 = vector.extract_strided_slice %get3A_706 {offsets = [11], sizes = [1], strides = [1]} : vector<16xf32> to vector<1xf32>
        %squeeze3A_805 = vector.extract %slice3A_804[0] : f32 from vector<1xf32>
        %get3A_806 = arith.constant 11 : i32
        %get3A_807 = arith.index_cast %get3A_806 : i32 to index
        %get3A_808 = arith.constant 0 : index
        %get3A_809 = tpu.vector_load %arg20[%get3A_807, %get3A_808] {strides = array<i32>} : memref<64x16xf32, #tpu.memory_space<vmem>>, vector<16xf32>,
        %mul3A_810 = vector.broadcast %squeeze3A_805 : f32 to vector<16xf32>
        %mul3A_811 = arith.mulf %mul3A_810, %get3A_809 : vector<16xf32>
        %add3A_812 = arith.addf %add3A_803, %mul3A_811 : vector<16xf32>
        %slice3A_813 = vector.extract_strided_slice %get3A_706 {offsets = [12], sizes = [1], strides = [1]} : vector<16xf32> to vector<1xf32>
        %squeeze3A_814 = vector.extract %slice3A_813[0] : f32 from vector<1xf32>
        %get3A_815 = arith.constant 12 : i32
        %get3A_816 = arith.index_cast %get3A_815 : i32 to index
        %get3A_817 = arith.constant 0 : index
        %get3A_818 = tpu.vector_load %arg20[%get3A_816, %get3A_817] {strides = array<i32>} : memref<64x16xf32, #tpu.memory_space<vmem>>, vector<16xf32>,
        %mul3A_819 = vector.broadcast %squeeze3A_814 : f32 to vector<16xf32>
        %mul3A_820 = arith.mulf %mul3A_819, %get3A_818 : vector<16xf32>
        %add3A_821 = arith.addf %add3A_812, %mul3A_820 : vector<16xf32>
        %slice3A_822 = vector.extract_strided_slice %get3A_706 {offsets = [13], sizes = [1], strides = [1]} : vector<16xf32> to vector<1xf32>
        %squeeze3A_823 = vector.extract %slice3A_822[0] : f32 from vector<1xf32>
        %get3A_824 = arith.constant 13 : i32
        %get3A_825 = arith.index_cast %get3A_824 : i32 to index
        %get3A_826 = arith.constant 0 : index
        %get3A_827 = tpu.vector_load %arg20[%get3A_825, %get3A_826] {strides = array<i32>} : memref<64x16xf32, #tpu.memory_space<vmem>>, vector<16xf32>,
        %mul3A_828 = vector.broadcast %squeeze3A_823 : f32 to vector<16xf32>
        %mul3A_829 = arith.mulf %mul3A_828, %get3A_827 : vector<16xf32>
        %add3A_830 = arith.addf %add3A_821, %mul3A_829 : vector<16xf32>
        %slice3A_831 = vector.extract_strided_slice %get3A_706 {offsets = [14], sizes = [1], strides = [1]} : vector<16xf32> to vector<1xf32>
        %squeeze3A_832 = vector.extract %slice3A_831[0] : f32 from vector<1xf32>
        %get3A_833 = arith.constant 14 : i32
        %get3A_834 = arith.index_cast %get3A_833 : i32 to index
        %get3A_835 = arith.constant 0 : index
        %get3A_836 = tpu.vector_load %arg20[%get3A_834, %get3A_835] {strides = array<i32>} : memref<64x16xf32, #tpu.memory_space<vmem>>, vector<16xf32>,
        %mul3A_837 = vector.broadcast %squeeze3A_832 : f32 to vector<16xf32>
        %mul3A_838 = arith.mulf %mul3A_837, %get3A_836 : vector<16xf32>
        %add3A_839 = arith.addf %add3A_830, %mul3A_838 : vector<16xf32>
        %slice3A_840 = vector.extract_strided_slice %get3A_706 {offsets = [15], sizes = [1], strides = [1]} : vector<16xf32> to vector<1xf32>
        %squeeze3A_841 = vector.extract %slice3A_840[0] : f32 from vector<1xf32>
        %get3A_842 = arith.constant 15 : i32
        %get3A_843 = arith.index_cast %get3A_842 : i32 to index
        %get3A_844 = arith.constant 0 : index
        %get3A_845 = tpu.vector_load %arg20[%get3A_843, %get3A_844] {strides = array<i32>} : memref<64x16xf32, #tpu.memory_space<vmem>>, vector<16xf32>,
        %mul3A_846 = vector.broadcast %squeeze3A_841 : f32 to vector<16xf32>
        %mul3A_847 = arith.mulf %mul3A_846, %get3A_845 : vector<16xf32>
        %add3A_848 = arith.addf %add3A_839, %mul3A_847 : vector<16xf32>
        %mul3A_849 = arith.constant 4 : i32
        %mul3A_850 = arith.muli %mul3A_849, %scan3A_698 : i32
        %add3A_851 = arith.constant 1 : i32
        %add3A_852 = arith.addi %mul3A_850, %add3A_851 : i32
        %get3A_853 = arith.index_cast %add3A_852 : i32 to index
        %get3A_854 = arith.constant 0 : index
        %get3A_855 = tpu.vector_load %arg17[%get3A_853, %get3A_854] {strides = array<i32>} : memref<128x16xf32, #tpu.memory_space<vmem>>, vector<16xf32>,
        %slice3A_856 = vector.extract_strided_slice %get3A_855 {offsets = [0], sizes = [1], strides = [1]} : vector<16xf32> to vector<1xf32>
        %squeeze3A_857 = vector.extract %slice3A_856[0] : f32 from vector<1xf32>
        %get3A_858 = arith.constant 16 : i32
        %get3A_859 = arith.index_cast %get3A_858 : i32 to index
        %get3A_860 = arith.constant 0 : index
        %get3A_861 = tpu.vector_load %arg20[%get3A_859, %get3A_860] {strides = array<i32>} : memref<64x16xf32, #tpu.memory_space<vmem>>, vector<16xf32>,
        %mul3A_862 = vector.broadcast %squeeze3A_857 : f32 to vector<16xf32>
        %mul3A_863 = arith.mulf %mul3A_862, %get3A_861 : vector<16xf32>
        %add3A_864 = arith.addf %add3A_848, %mul3A_863 : vector<16xf32>
        %slice3A_865 = vector.extract_strided_slice %get3A_855 {offsets = [1], sizes = [1], strides = [1]} : vector<16xf32> to vector<1xf32>
        %squeeze3A_866 = vector.extract %slice3A_865[0] : f32 from vector<1xf32>
        %get3A_867 = arith.constant 17 : i32
        %get3A_868 = arith.index_cast %get3A_867 : i32 to index
        %get3A_869 = arith.constant 0 : index
        %get3A_870 = tpu.vector_load %arg20[%get3A_868, %get3A_869] {strides = array<i32>} : memref<64x16xf32, #tpu.memory_space<vmem>>, vector<16xf32>,
        %mul3A_871 = vector.broadcast %squeeze3A_866 : f32 to vector<16xf32>
        %mul3A_872 = arith.mulf %mul3A_871, %get3A_870 : vector<16xf32>
        %add3A_873 = arith.addf %add3A_864, %mul3A_872 : vector<16xf32>
        %slice3A_874 = vector.extract_strided_slice %get3A_855 {offsets = [2], sizes = [1], strides = [1]} : vector<16xf32> to vector<1xf32>
        %squeeze3A_875 = vector.extract %slice3A_874[0] : f32 from vector<1xf32>
        %get3A_876 = arith.constant 18 : i32
        %get3A_877 = arith.index_cast %get3A_876 : i32 to index
        %get3A_878 = arith.constant 0 : index
        %get3A_879 = tpu.vector_load %arg20[%get3A_877, %get3A_878] {strides = array<i32>} : memref<64x16xf32, #tpu.memory_space<vmem>>, vector<16xf32>,
        %mul3A_880 = vector.broadcast %squeeze3A_875 : f32 to vector<16xf32>
        %mul3A_881 = arith.mulf %mul3A_880, %get3A_879 : vector<16xf32>
        %add3A_882 = arith.addf %add3A_873, %mul3A_881 : vector<16xf32>
        %slice3A_883 = vector.extract_strided_slice %get3A_855 {offsets = [3], sizes = [1], strides = [1]} : vector<16xf32> to vector<1xf32>
        %squeeze3A_884 = vector.extract %slice3A_883[0] : f32 from vector<1xf32>
        %get3A_885 = arith.constant 19 : i32
        %get3A_886 = arith.index_cast %get3A_885 : i32 to index
        %get3A_887 = arith.constant 0 : index
        %get3A_888 = tpu.vector_load %arg20[%get3A_886, %get3A_887] {strides = array<i32>} : memref<64x16xf32, #tpu.memory_space<vmem>>, vector<16xf32>,
        %mul3A_889 = vector.broadcast %squeeze3A_884 : f32 to vector<16xf32>
        %mul3A_890 = arith.mulf %mul3A_889, %get3A_888 : vector<16xf32>
        %add3A_891 = arith.addf %add3A_882, %mul3A_890 : vector<16xf32>
        %slice3A_892 = vector.extract_strided_slice %get3A_855 {offsets = [4], sizes = [1], strides = [1]} : vector<16xf32> to vector<1xf32>
        %squeeze3A_893 = vector.extract %slice3A_892[0] : f32 from vector<1xf32>
        %get3A_894 = arith.constant 20 : i32
        %get3A_895 = arith.index_cast %get3A_894 : i32 to index
        %get3A_896 = arith.constant 0 : index
        %get3A_897 = tpu.vector_load %arg20[%get3A_895, %get3A_896] {strides = array<i32>} : memref<64x16xf32, #tpu.memory_space<vmem>>, vector<16xf32>,
        %mul3A_898 = vector.broadcast %squeeze3A_893 : f32 to vector<16xf32>
        %mul3A_899 = arith.mulf %mul3A_898, %get3A_897 : vector<16xf32>
        %add3A_900 = arith.addf %add3A_891, %mul3A_899 : vector<16xf32>
        %slice3A_901 = vector.extract_strided_slice %get3A_855 {offsets = [5], sizes = [1], strides = [1]} : vector<16xf32> to vector<1xf32>
        %squeeze3A_902 = vector.extract %slice3A_901[0] : f32 from vector<1xf32>
        %get3A_903 = arith.constant 21 : i32
        %get3A_904 = arith.index_cast %get3A_903 : i32 to index
        %get3A_905 = arith.constant 0 : index
        %get3A_906 = tpu.vector_load %arg20[%get3A_904, %get3A_905] {strides = array<i32>} : memref<64x16xf32, #tpu.memory_space<vmem>>, vector<16xf32>,
        %mul3A_907 = vector.broadcast %squeeze3A_902 : f32 to vector<16xf32>
        %mul3A_908 = arith.mulf %mul3A_907, %get3A_906 : vector<16xf32>
        %add3A_909 = arith.addf %add3A_900, %mul3A_908 : vector<16xf32>
        %slice3A_910 = vector.extract_strided_slice %get3A_855 {offsets = [6], sizes = [1], strides = [1]} : vector<16xf32> to vector<1xf32>
        %squeeze3A_911 = vector.extract %slice3A_910[0] : f32 from vector<1xf32>
        %get3A_912 = arith.constant 22 : i32
        %get3A_913 = arith.index_cast %get3A_912 : i32 to index
        %get3A_914 = arith.constant 0 : index
        %get3A_915 = tpu.vector_load %arg20[%get3A_913, %get3A_914] {strides = array<i32>} : memref<64x16xf32, #tpu.memory_space<vmem>>, vector<16xf32>,
        %mul3A_916 = vector.broadcast %squeeze3A_911 : f32 to vector<16xf32>
        %mul3A_917 = arith.mulf %mul3A_916, %get3A_915 : vector<16xf32>
        %add3A_918 = arith.addf %add3A_909, %mul3A_917 : vector<16xf32>
        %slice3A_919 = vector.extract_strided_slice %get3A_855 {offsets = [7], sizes = [1], strides = [1]} : vector<16xf32> to vector<1xf32>
        %squeeze3A_920 = vector.extract %slice3A_919[0] : f32 from vector<1xf32>
        %get3A_921 = arith.constant 23 : i32
        %get3A_922 = arith.index_cast %get3A_921 : i32 to index
        %get3A_923 = arith.constant 0 : index
        %get3A_924 = tpu.vector_load %arg20[%get3A_922, %get3A_923] {strides = array<i32>} : memref<64x16xf32, #tpu.memory_space<vmem>>, vector<16xf32>,
        %mul3A_925 = vector.broadcast %squeeze3A_920 : f32 to vector<16xf32>
        %mul3A_926 = arith.mulf %mul3A_925, %get3A_924 : vector<16xf32>
        %add3A_927 = arith.addf %add3A_918, %mul3A_926 : vector<16xf32>
        %slice3A_928 = vector.extract_strided_slice %get3A_855 {offsets = [8], sizes = [1], strides = [1]} : vector<16xf32> to vector<1xf32>
        %squeeze3A_929 = vector.extract %slice3A_928[0] : f32 from vector<1xf32>
        %get3A_930 = arith.constant 24 : i32
        %get3A_931 = arith.index_cast %get3A_930 : i32 to index
        %get3A_932 = arith.constant 0 : index
        %get3A_933 = tpu.vector_load %arg20[%get3A_931, %get3A_932] {strides = array<i32>} : memref<64x16xf32, #tpu.memory_space<vmem>>, vector<16xf32>,
        %mul3A_934 = vector.broadcast %squeeze3A_929 : f32 to vector<16xf32>
        %mul3A_935 = arith.mulf %mul3A_934, %get3A_933 : vector<16xf32>
        %add3A_936 = arith.addf %add3A_927, %mul3A_935 : vector<16xf32>
        %slice3A_937 = vector.extract_strided_slice %get3A_855 {offsets = [9], sizes = [1], strides = [1]} : vector<16xf32> to vector<1xf32>
        %squeeze3A_938 = vector.extract %slice3A_937[0] : f32 from vector<1xf32>
        %get3A_939 = arith.constant 25 : i32
        %get3A_940 = arith.index_cast %get3A_939 : i32 to index
        %get3A_941 = arith.constant 0 : index
        %get3A_942 = tpu.vector_load %arg20[%get3A_940, %get3A_941] {strides = array<i32>} : memref<64x16xf32, #tpu.memory_space<vmem>>, vector<16xf32>,
        %mul3A_943 = vector.broadcast %squeeze3A_938 : f32 to vector<16xf32>
        %mul3A_944 = arith.mulf %mul3A_943, %get3A_942 : vector<16xf32>
        %add3A_945 = arith.addf %add3A_936, %mul3A_944 : vector<16xf32>
        %slice3A_946 = vector.extract_strided_slice %get3A_855 {offsets = [10], sizes = [1], strides = [1]} : vector<16xf32> to vector<1xf32>
        %squeeze3A_947 = vector.extract %slice3A_946[0] : f32 from vector<1xf32>
        %get3A_948 = arith.constant 26 : i32
        %get3A_949 = arith.index_cast %get3A_948 : i32 to index
        %get3A_950 = arith.constant 0 : index
        %get3A_951 = tpu.vector_load %arg20[%get3A_949, %get3A_950] {strides = array<i32>} : memref<64x16xf32, #tpu.memory_space<vmem>>, vector<16xf32>,
        %mul3A_952 = vector.broadcast %squeeze3A_947 : f32 to vector<16xf32>
        %mul3A_953 = arith.mulf %mul3A_952, %get3A_951 : vector<16xf32>
        %add3A_954 = arith.addf %add3A_945, %mul3A_953 : vector<16xf32>
        %slice3A_955 = vector.extract_strided_slice %get3A_855 {offsets = [11], sizes = [1], strides = [1]} : vector<16xf32> to vector<1xf32>
        %squeeze3A_956 = vector.extract %slice3A_955[0] : f32 from vector<1xf32>
        %get3A_957 = arith.constant 27 : i32
        %get3A_958 = arith.index_cast %get3A_957 : i32 to index
        %get3A_959 = arith.constant 0 : index
        %get3A_960 = tpu.vector_load %arg20[%get3A_958, %get3A_959] {strides = array<i32>} : memref<64x16xf32, #tpu.memory_space<vmem>>, vector<16xf32>,
        %mul3A_961 = vector.broadcast %squeeze3A_956 : f32 to vector<16xf32>
        %mul3A_962 = arith.mulf %mul3A_961, %get3A_960 : vector<16xf32>
        %add3A_963 = arith.addf %add3A_954, %mul3A_962 : vector<16xf32>
        %slice3A_964 = vector.extract_strided_slice %get3A_855 {offsets = [12], sizes = [1], strides = [1]} : vector<16xf32> to vector<1xf32>
        %squeeze3A_965 = vector.extract %slice3A_964[0] : f32 from vector<1xf32>
        %get3A_966 = arith.constant 28 : i32
        %get3A_967 = arith.index_cast %get3A_966 : i32 to index
        %get3A_968 = arith.constant 0 : index
        %get3A_969 = tpu.vector_load %arg20[%get3A_967, %get3A_968] {strides = array<i32>} : memref<64x16xf32, #tpu.memory_space<vmem>>, vector<16xf32>,
        %mul3A_970 = vector.broadcast %squeeze3A_965 : f32 to vector<16xf32>
        %mul3A_971 = arith.mulf %mul3A_970, %get3A_969 : vector<16xf32>
        %add3A_972 = arith.addf %add3A_963, %mul3A_971 : vector<16xf32>
        %slice3A_973 = vector.extract_strided_slice %get3A_855 {offsets = [13], sizes = [1], strides = [1]} : vector<16xf32> to vector<1xf32>
        %squeeze3A_974 = vector.extract %slice3A_973[0] : f32 from vector<1xf32>
        %get3A_975 = arith.constant 29 : i32
        %get3A_976 = arith.index_cast %get3A_975 : i32 to index
        %get3A_977 = arith.constant 0 : index
        %get3A_978 = tpu.vector_load %arg20[%get3A_976, %get3A_977] {strides = array<i32>} : memref<64x16xf32, #tpu.memory_space<vmem>>, vector<16xf32>,
        %mul3A_979 = vector.broadcast %squeeze3A_974 : f32 to vector<16xf32>
        %mul3A_980 = arith.mulf %mul3A_979, %get3A_978 : vector<16xf32>
        %add3A_981 = arith.addf %add3A_972, %mul3A_980 : vector<16xf32>
        %slice3A_982 = vector.extract_strided_slice %get3A_855 {offsets = [14], sizes = [1], strides = [1]} : vector<16xf32> to vector<1xf32>
        %squeeze3A_983 = vector.extract %slice3A_982[0] : f32 from vector<1xf32>
        %get3A_984 = arith.constant 30 : i32
        %get3A_985 = arith.index_cast %get3A_984 : i32 to index
        %get3A_986 = arith.constant 0 : index
        %get3A_987 = tpu.vector_load %arg20[%get3A_985, %get3A_986] {strides = array<i32>} : memref<64x16xf32, #tpu.memory_space<vmem>>, vector<16xf32>,
        %mul3A_988 = vector.broadcast %squeeze3A_983 : f32 to vector<16xf32>
        %mul3A_989 = arith.mulf %mul3A_988, %get3A_987 : vector<16xf32>
        %add3A_990 = arith.addf %add3A_981, %mul3A_989 : vector<16xf32>
        %slice3A_991 = vector.extract_strided_slice %get3A_855 {offsets = [15], sizes = [1], strides = [1]} : vector<16xf32> to vector<1xf32>
        %squeeze3A_992 = vector.extract %slice3A_991[0] : f32 from vector<1xf32>
        %get3A_993 = arith.constant 31 : i32
        %get3A_994 = arith.index_cast %get3A_993 : i32 to index
        %get3A_995 = arith.constant 0 : index
        %get3A_996 = tpu.vector_load %arg20[%get3A_994, %get3A_995] {strides = array<i32>} : memref<64x16xf32, #tpu.memory_space<vmem>>, vector<16xf32>,
        %mul3A_997 = vector.broadcast %squeeze3A_992 : f32 to vector<16xf32>
        %mul3A_998 = arith.mulf %mul3A_997, %get3A_996 : vector<16xf32>
        %add3A_999 = arith.addf %add3A_990, %mul3A_998 : vector<16xf32>
        %mul3A_1000 = arith.constant 4 : i32
        %mul3A_1001 = arith.muli %mul3A_1000, %scan3A_698 : i32
        %add3A_1002 = arith.constant 2 : i32
        %add3A_1003 = arith.addi %mul3A_1001, %add3A_1002 : i32
        %get3A_1004 = arith.index_cast %add3A_1003 : i32 to index
        %get3A_1005 = arith.constant 0 : index
        %get3A_1006 = tpu.vector_load %arg17[%get3A_1004, %get3A_1005] {strides = array<i32>} : memref<128x16xf32, #tpu.memory_space<vmem>>, vector<16xf32>,
        %slice3A_1007 = vector.extract_strided_slice %get3A_1006 {offsets = [0], sizes = [1], strides = [1]} : vector<16xf32> to vector<1xf32>
        %squeeze3A_1008 = vector.extract %slice3A_1007[0] : f32 from vector<1xf32>
        %get3A_1009 = arith.constant 32 : i32
        %get3A_1010 = arith.index_cast %get3A_1009 : i32 to index
        %get3A_1011 = arith.constant 0 : index
        %get3A_1012 = tpu.vector_load %arg20[%get3A_1010, %get3A_1011] {strides = array<i32>} : memref<64x16xf32, #tpu.memory_space<vmem>>, vector<16xf32>,
        %mul3A_1013 = vector.broadcast %squeeze3A_1008 : f32 to vector<16xf32>
        %mul3A_1014 = arith.mulf %mul3A_1013, %get3A_1012 : vector<16xf32>
        %add3A_1015 = arith.addf %add3A_999, %mul3A_1014 : vector<16xf32>
        %slice3A_1016 = vector.extract_strided_slice %get3A_1006 {offsets = [1], sizes = [1], strides = [1]} : vector<16xf32> to vector<1xf32>
        %squeeze3A_1017 = vector.extract %slice3A_1016[0] : f32 from vector<1xf32>
        %get3A_1018 = arith.constant 33 : i32
        %get3A_1019 = arith.index_cast %get3A_1018 : i32 to index
        %get3A_1020 = arith.constant 0 : index
        %get3A_1021 = tpu.vector_load %arg20[%get3A_1019, %get3A_1020] {strides = array<i32>} : memref<64x16xf32, #tpu.memory_space<vmem>>, vector<16xf32>,
        %mul3A_1022 = vector.broadcast %squeeze3A_1017 : f32 to vector<16xf32>
        %mul3A_1023 = arith.mulf %mul3A_1022, %get3A_1021 : vector<16xf32>
        %add3A_1024 = arith.addf %add3A_1015, %mul3A_1023 : vector<16xf32>
        %slice3A_1025 = vector.extract_strided_slice %get3A_1006 {offsets = [2], sizes = [1], strides = [1]} : vector<16xf32> to vector<1xf32>
        %squeeze3A_1026 = vector.extract %slice3A_1025[0] : f32 from vector<1xf32>
        %get3A_1027 = arith.constant 34 : i32
        %get3A_1028 = arith.index_cast %get3A_1027 : i32 to index
        %get3A_1029 = arith.constant 0 : index
        %get3A_1030 = tpu.vector_load %arg20[%get3A_1028, %get3A_1029] {strides = array<i32>} : memref<64x16xf32, #tpu.memory_space<vmem>>, vector<16xf32>,
        %mul3A_1031 = vector.broadcast %squeeze3A_1026 : f32 to vector<16xf32>
        %mul3A_1032 = arith.mulf %mul3A_1031, %get3A_1030 : vector<16xf32>
        %add3A_1033 = arith.addf %add3A_1024, %mul3A_1032 : vector<16xf32>
        %slice3A_1034 = vector.extract_strided_slice %get3A_1006 {offsets = [3], sizes = [1], strides = [1]} : vector<16xf32> to vector<1xf32>
        %squeeze3A_1035 = vector.extract %slice3A_1034[0] : f32 from vector<1xf32>
        %get3A_1036 = arith.constant 35 : i32
        %get3A_1037 = arith.index_cast %get3A_1036 : i32 to index
        %get3A_1038 = arith.constant 0 : index
        %get3A_1039 = tpu.vector_load %arg20[%get3A_1037, %get3A_1038] {strides = array<i32>} : memref<64x16xf32, #tpu.memory_space<vmem>>, vector<16xf32>,
        %mul3A_1040 = vector.broadcast %squeeze3A_1035 : f32 to vector<16xf32>
        %mul3A_1041 = arith.mulf %mul3A_1040, %get3A_1039 : vector<16xf32>
        %add3A_1042 = arith.addf %add3A_1033, %mul3A_1041 : vector<16xf32>
        %slice3A_1043 = vector.extract_strided_slice %get3A_1006 {offsets = [4], sizes = [1], strides = [1]} : vector<16xf32> to vector<1xf32>
        %squeeze3A_1044 = vector.extract %slice3A_1043[0] : f32 from vector<1xf32>
        %get3A_1045 = arith.constant 36 : i32
        %get3A_1046 = arith.index_cast %get3A_1045 : i32 to index
        %get3A_1047 = arith.constant 0 : index
        %get3A_1048 = tpu.vector_load %arg20[%get3A_1046, %get3A_1047] {strides = array<i32>} : memref<64x16xf32, #tpu.memory_space<vmem>>, vector<16xf32>,
        %mul3A_1049 = vector.broadcast %squeeze3A_1044 : f32 to vector<16xf32>
        %mul3A_1050 = arith.mulf %mul3A_1049, %get3A_1048 : vector<16xf32>
        %add3A_1051 = arith.addf %add3A_1042, %mul3A_1050 : vector<16xf32>
        %slice3A_1052 = vector.extract_strided_slice %get3A_1006 {offsets = [5], sizes = [1], strides = [1]} : vector<16xf32> to vector<1xf32>
        %squeeze3A_1053 = vector.extract %slice3A_1052[0] : f32 from vector<1xf32>
        %get3A_1054 = arith.constant 37 : i32
        %get3A_1055 = arith.index_cast %get3A_1054 : i32 to index
        %get3A_1056 = arith.constant 0 : index
        %get3A_1057 = tpu.vector_load %arg20[%get3A_1055, %get3A_1056] {strides = array<i32>} : memref<64x16xf32, #tpu.memory_space<vmem>>, vector<16xf32>,
        %mul3A_1058 = vector.broadcast %squeeze3A_1053 : f32 to vector<16xf32>
        %mul3A_1059 = arith.mulf %mul3A_1058, %get3A_1057 : vector<16xf32>
        %add3A_1060 = arith.addf %add3A_1051, %mul3A_1059 : vector<16xf32>
        %slice3A_1061 = vector.extract_strided_slice %get3A_1006 {offsets = [6], sizes = [1], strides = [1]} : vector<16xf32> to vector<1xf32>
        %squeeze3A_1062 = vector.extract %slice3A_1061[0] : f32 from vector<1xf32>
        %get3A_1063 = arith.constant 38 : i32
        %get3A_1064 = arith.index_cast %get3A_1063 : i32 to index
        %get3A_1065 = arith.constant 0 : index
        %get3A_1066 = tpu.vector_load %arg20[%get3A_1064, %get3A_1065] {strides = array<i32>} : memref<64x16xf32, #tpu.memory_space<vmem>>, vector<16xf32>,
        %mul3A_1067 = vector.broadcast %squeeze3A_1062 : f32 to vector<16xf32>
        %mul3A_1068 = arith.mulf %mul3A_1067, %get3A_1066 : vector<16xf32>
        %add3A_1069 = arith.addf %add3A_1060, %mul3A_1068 : vector<16xf32>
        %slice3A_1070 = vector.extract_strided_slice %get3A_1006 {offsets = [7], sizes = [1], strides = [1]} : vector<16xf32> to vector<1xf32>
        %squeeze3A_1071 = vector.extract %slice3A_1070[0] : f32 from vector<1xf32>
        %get3A_1072 = arith.constant 39 : i32
        %get3A_1073 = arith.index_cast %get3A_1072 : i32 to index
        %get3A_1074 = arith.constant 0 : index
        %get3A_1075 = tpu.vector_load %arg20[%get3A_1073, %get3A_1074] {strides = array<i32>} : memref<64x16xf32, #tpu.memory_space<vmem>>, vector<16xf32>,
        %mul3A_1076 = vector.broadcast %squeeze3A_1071 : f32 to vector<16xf32>
        %mul3A_1077 = arith.mulf %mul3A_1076, %get3A_1075 : vector<16xf32>
        %add3A_1078 = arith.addf %add3A_1069, %mul3A_1077 : vector<16xf32>
        %slice3A_1079 = vector.extract_strided_slice %get3A_1006 {offsets = [8], sizes = [1], strides = [1]} : vector<16xf32> to vector<1xf32>
        %squeeze3A_1080 = vector.extract %slice3A_1079[0] : f32 from vector<1xf32>
        %get3A_1081 = arith.constant 40 : i32
        %get3A_1082 = arith.index_cast %get3A_1081 : i32 to index
        %get3A_1083 = arith.constant 0 : index
        %get3A_1084 = tpu.vector_load %arg20[%get3A_1082, %get3A_1083] {strides = array<i32>} : memref<64x16xf32, #tpu.memory_space<vmem>>, vector<16xf32>,
        %mul3A_1085 = vector.broadcast %squeeze3A_1080 : f32 to vector<16xf32>
        %mul3A_1086 = arith.mulf %mul3A_1085, %get3A_1084 : vector<16xf32>
        %add3A_1087 = arith.addf %add3A_1078, %mul3A_1086 : vector<16xf32>
        %slice3A_1088 = vector.extract_strided_slice %get3A_1006 {offsets = [9], sizes = [1], strides = [1]} : vector<16xf32> to vector<1xf32>
        %squeeze3A_1089 = vector.extract %slice3A_1088[0] : f32 from vector<1xf32>
        %get3A_1090 = arith.constant 41 : i32
        %get3A_1091 = arith.index_cast %get3A_1090 : i32 to index
        %get3A_1092 = arith.constant 0 : index
        %get3A_1093 = tpu.vector_load %arg20[%get3A_1091, %get3A_1092] {strides = array<i32>} : memref<64x16xf32, #tpu.memory_space<vmem>>, vector<16xf32>,
        %mul3A_1094 = vector.broadcast %squeeze3A_1089 : f32 to vector<16xf32>
        %mul3A_1095 = arith.mulf %mul3A_1094, %get3A_1093 : vector<16xf32>
        %add3A_1096 = arith.addf %add3A_1087, %mul3A_1095 : vector<16xf32>
        %slice3A_1097 = vector.extract_strided_slice %get3A_1006 {offsets = [10], sizes = [1], strides = [1]} : vector<16xf32> to vector<1xf32>
        %squeeze3A_1098 = vector.extract %slice3A_1097[0] : f32 from vector<1xf32>
        %get3A_1099 = arith.constant 42 : i32
        %get3A_1100 = arith.index_cast %get3A_1099 : i32 to index
        %get3A_1101 = arith.constant 0 : index
        %get3A_1102 = tpu.vector_load %arg20[%get3A_1100, %get3A_1101] {strides = array<i32>} : memref<64x16xf32, #tpu.memory_space<vmem>>, vector<16xf32>,
        %mul3A_1103 = vector.broadcast %squeeze3A_1098 : f32 to vector<16xf32>
        %mul3A_1104 = arith.mulf %mul3A_1103, %get3A_1102 : vector<16xf32>
        %add3A_1105 = arith.addf %add3A_1096, %mul3A_1104 : vector<16xf32>
        %slice3A_1106 = vector.extract_strided_slice %get3A_1006 {offsets = [11], sizes = [1], strides = [1]} : vector<16xf32> to vector<1xf32>
        %squeeze3A_1107 = vector.extract %slice3A_1106[0] : f32 from vector<1xf32>
        %get3A_1108 = arith.constant 43 : i32
        %get3A_1109 = arith.index_cast %get3A_1108 : i32 to index
        %get3A_1110 = arith.constant 0 : index
        %get3A_1111 = tpu.vector_load %arg20[%get3A_1109, %get3A_1110] {strides = array<i32>} : memref<64x16xf32, #tpu.memory_space<vmem>>, vector<16xf32>,
        %mul3A_1112 = vector.broadcast %squeeze3A_1107 : f32 to vector<16xf32>
        %mul3A_1113 = arith.mulf %mul3A_1112, %get3A_1111 : vector<16xf32>
        %add3A_1114 = arith.addf %add3A_1105, %mul3A_1113 : vector<16xf32>
        %slice3A_1115 = vector.extract_strided_slice %get3A_1006 {offsets = [12], sizes = [1], strides = [1]} : vector<16xf32> to vector<1xf32>
        %squeeze3A_1116 = vector.extract %slice3A_1115[0] : f32 from vector<1xf32>
        %get3A_1117 = arith.constant 44 : i32
        %get3A_1118 = arith.index_cast %get3A_1117 : i32 to index
        %get3A_1119 = arith.constant 0 : index
        %get3A_1120 = tpu.vector_load %arg20[%get3A_1118, %get3A_1119] {strides = array<i32>} : memref<64x16xf32, #tpu.memory_space<vmem>>, vector<16xf32>,
        %mul3A_1121 = vector.broadcast %squeeze3A_1116 : f32 to vector<16xf32>
        %mul3A_1122 = arith.mulf %mul3A_1121, %get3A_1120 : vector<16xf32>
        %add3A_1123 = arith.addf %add3A_1114, %mul3A_1122 : vector<16xf32>
        %slice3A_1124 = vector.extract_strided_slice %get3A_1006 {offsets = [13], sizes = [1], strides = [1]} : vector<16xf32> to vector<1xf32>
        %squeeze3A_1125 = vector.extract %slice3A_1124[0] : f32 from vector<1xf32>
        %get3A_1126 = arith.constant 45 : i32
        %get3A_1127 = arith.index_cast %get3A_1126 : i32 to index
        %get3A_1128 = arith.constant 0 : index
        %get3A_1129 = tpu.vector_load %arg20[%get3A_1127, %get3A_1128] {strides = array<i32>} : memref<64x16xf32, #tpu.memory_space<vmem>>, vector<16xf32>,
        %mul3A_1130 = vector.broadcast %squeeze3A_1125 : f32 to vector<16xf32>
        %mul3A_1131 = arith.mulf %mul3A_1130, %get3A_1129 : vector<16xf32>
        %add3A_1132 = arith.addf %add3A_1123, %mul3A_1131 : vector<16xf32>
        %slice3A_1133 = vector.extract_strided_slice %get3A_1006 {offsets = [14], sizes = [1], strides = [1]} : vector<16xf32> to vector<1xf32>
        %squeeze3A_1134 = vector.extract %slice3A_1133[0] : f32 from vector<1xf32>
        %get3A_1135 = arith.constant 46 : i32
        %get3A_1136 = arith.index_cast %get3A_1135 : i32 to index
        %get3A_1137 = arith.constant 0 : index
        %get3A_1138 = tpu.vector_load %arg20[%get3A_1136, %get3A_1137] {strides = array<i32>} : memref<64x16xf32, #tpu.memory_space<vmem>>, vector<16xf32>,
        %mul3A_1139 = vector.broadcast %squeeze3A_1134 : f32 to vector<16xf32>
        %mul3A_1140 = arith.mulf %mul3A_1139, %get3A_1138 : vector<16xf32>
        %add3A_1141 = arith.addf %add3A_1132, %mul3A_1140 : vector<16xf32>
        %slice3A_1142 = vector.extract_strided_slice %get3A_1006 {offsets = [15], sizes = [1], strides = [1]} : vector<16xf32> to vector<1xf32>
        %squeeze3A_1143 = vector.extract %slice3A_1142[0] : f32 from vector<1xf32>
        %get3A_1144 = arith.constant 47 : i32
        %get3A_1145 = arith.index_cast %get3A_1144 : i32 to index
        %get3A_1146 = arith.constant 0 : index
        %get3A_1147 = tpu.vector_load %arg20[%get3A_1145, %get3A_1146] {strides = array<i32>} : memref<64x16xf32, #tpu.memory_space<vmem>>, vector<16xf32>,
        %mul3A_1148 = vector.broadcast %squeeze3A_1143 : f32 to vector<16xf32>
        %mul3A_1149 = arith.mulf %mul3A_1148, %get3A_1147 : vector<16xf32>
        %add3A_1150 = arith.addf %add3A_1141, %mul3A_1149 : vector<16xf32>
        %mul3A_1151 = arith.constant 4 : i32
        %mul3A_1152 = arith.muli %mul3A_1151, %scan3A_698 : i32
        %add3A_1153 = arith.constant 3 : i32
        %add3A_1154 = arith.addi %mul3A_1152, %add3A_1153 : i32
        %get3A_1155 = arith.index_cast %add3A_1154 : i32 to index
        %get3A_1156 = arith.constant 0 : index
        %get3A_1157 = tpu.vector_load %arg17[%get3A_1155, %get3A_1156] {strides = array<i32>} : memref<128x16xf32, #tpu.memory_space<vmem>>, vector<16xf32>,
        %slice3A_1158 = vector.extract_strided_slice %get3A_1157 {offsets = [0], sizes = [1], strides = [1]} : vector<16xf32> to vector<1xf32>
        %squeeze3A_1159 = vector.extract %slice3A_1158[0] : f32 from vector<1xf32>
        %get3A_1160 = arith.constant 48 : i32
        %get3A_1161 = arith.index_cast %get3A_1160 : i32 to index
        %get3A_1162 = arith.constant 0 : index
        %get3A_1163 = tpu.vector_load %arg20[%get3A_1161, %get3A_1162] {strides = array<i32>} : memref<64x16xf32, #tpu.memory_space<vmem>>, vector<16xf32>,
        %mul3A_1164 = vector.broadcast %squeeze3A_1159 : f32 to vector<16xf32>
        %mul3A_1165 = arith.mulf %mul3A_1164, %get3A_1163 : vector<16xf32>
        %add3A_1166 = arith.addf %add3A_1150, %mul3A_1165 : vector<16xf32>
        %slice3A_1167 = vector.extract_strided_slice %get3A_1157 {offsets = [1], sizes = [1], strides = [1]} : vector<16xf32> to vector<1xf32>
        %squeeze3A_1168 = vector.extract %slice3A_1167[0] : f32 from vector<1xf32>
        %get3A_1169 = arith.constant 49 : i32
        %get3A_1170 = arith.index_cast %get3A_1169 : i32 to index
        %get3A_1171 = arith.constant 0 : index
        %get3A_1172 = tpu.vector_load %arg20[%get3A_1170, %get3A_1171] {strides = array<i32>} : memref<64x16xf32, #tpu.memory_space<vmem>>, vector<16xf32>,
        %mul3A_1173 = vector.broadcast %squeeze3A_1168 : f32 to vector<16xf32>
        %mul3A_1174 = arith.mulf %mul3A_1173, %get3A_1172 : vector<16xf32>
        %add3A_1175 = arith.addf %add3A_1166, %mul3A_1174 : vector<16xf32>
        %slice3A_1176 = vector.extract_strided_slice %get3A_1157 {offsets = [2], sizes = [1], strides = [1]} : vector<16xf32> to vector<1xf32>
        %squeeze3A_1177 = vector.extract %slice3A_1176[0] : f32 from vector<1xf32>
        %get3A_1178 = arith.constant 50 : i32
        %get3A_1179 = arith.index_cast %get3A_1178 : i32 to index
        %get3A_1180 = arith.constant 0 : index
        %get3A_1181 = tpu.vector_load %arg20[%get3A_1179, %get3A_1180] {strides = array<i32>} : memref<64x16xf32, #tpu.memory_space<vmem>>, vector<16xf32>,
        %mul3A_1182 = vector.broadcast %squeeze3A_1177 : f32 to vector<16xf32>
        %mul3A_1183 = arith.mulf %mul3A_1182, %get3A_1181 : vector<16xf32>
        %add3A_1184 = arith.addf %add3A_1175, %mul3A_1183 : vector<16xf32>
        %slice3A_1185 = vector.extract_strided_slice %get3A_1157 {offsets = [3], sizes = [1], strides = [1]} : vector<16xf32> to vector<1xf32>
        %squeeze3A_1186 = vector.extract %slice3A_1185[0] : f32 from vector<1xf32>
        %get3A_1187 = arith.constant 51 : i32
        %get3A_1188 = arith.index_cast %get3A_1187 : i32 to index
        %get3A_1189 = arith.constant 0 : index
        %get3A_1190 = tpu.vector_load %arg20[%get3A_1188, %get3A_1189] {strides = array<i32>} : memref<64x16xf32, #tpu.memory_space<vmem>>, vector<16xf32>,
        %mul3A_1191 = vector.broadcast %squeeze3A_1186 : f32 to vector<16xf32>
        %mul3A_1192 = arith.mulf %mul3A_1191, %get3A_1190 : vector<16xf32>
        %add3A_1193 = arith.addf %add3A_1184, %mul3A_1192 : vector<16xf32>
        %slice3A_1194 = vector.extract_strided_slice %get3A_1157 {offsets = [4], sizes = [1], strides = [1]} : vector<16xf32> to vector<1xf32>
        %squeeze3A_1195 = vector.extract %slice3A_1194[0] : f32 from vector<1xf32>
        %get3A_1196 = arith.constant 52 : i32
        %get3A_1197 = arith.index_cast %get3A_1196 : i32 to index
        %get3A_1198 = arith.constant 0 : index
        %get3A_1199 = tpu.vector_load %arg20[%get3A_1197, %get3A_1198] {strides = array<i32>} : memref<64x16xf32, #tpu.memory_space<vmem>>, vector<16xf32>,
        %mul3A_1200 = vector.broadcast %squeeze3A_1195 : f32 to vector<16xf32>
        %mul3A_1201 = arith.mulf %mul3A_1200, %get3A_1199 : vector<16xf32>
        %add3A_1202 = arith.addf %add3A_1193, %mul3A_1201 : vector<16xf32>
        %slice3A_1203 = vector.extract_strided_slice %get3A_1157 {offsets = [5], sizes = [1], strides = [1]} : vector<16xf32> to vector<1xf32>
        %squeeze3A_1204 = vector.extract %slice3A_1203[0] : f32 from vector<1xf32>
        %get3A_1205 = arith.constant 53 : i32
        %get3A_1206 = arith.index_cast %get3A_1205 : i32 to index
        %get3A_1207 = arith.constant 0 : index
        %get3A_1208 = tpu.vector_load %arg20[%get3A_1206, %get3A_1207] {strides = array<i32>} : memref<64x16xf32, #tpu.memory_space<vmem>>, vector<16xf32>,
        %mul3A_1209 = vector.broadcast %squeeze3A_1204 : f32 to vector<16xf32>
        %mul3A_1210 = arith.mulf %mul3A_1209, %get3A_1208 : vector<16xf32>
        %add3A_1211 = arith.addf %add3A_1202, %mul3A_1210 : vector<16xf32>
        %slice3A_1212 = vector.extract_strided_slice %get3A_1157 {offsets = [6], sizes = [1], strides = [1]} : vector<16xf32> to vector<1xf32>
        %squeeze3A_1213 = vector.extract %slice3A_1212[0] : f32 from vector<1xf32>
        %get3A_1214 = arith.constant 54 : i32
        %get3A_1215 = arith.index_cast %get3A_1214 : i32 to index
        %get3A_1216 = arith.constant 0 : index
        %get3A_1217 = tpu.vector_load %arg20[%get3A_1215, %get3A_1216] {strides = array<i32>} : memref<64x16xf32, #tpu.memory_space<vmem>>, vector<16xf32>,
        %mul3A_1218 = vector.broadcast %squeeze3A_1213 : f32 to vector<16xf32>
        %mul3A_1219 = arith.mulf %mul3A_1218, %get3A_1217 : vector<16xf32>
        %add3A_1220 = arith.addf %add3A_1211, %mul3A_1219 : vector<16xf32>
        %slice3A_1221 = vector.extract_strided_slice %get3A_1157 {offsets = [7], sizes = [1], strides = [1]} : vector<16xf32> to vector<1xf32>
        %squeeze3A_1222 = vector.extract %slice3A_1221[0] : f32 from vector<1xf32>
        %get3A_1223 = arith.constant 55 : i32
        %get3A_1224 = arith.index_cast %get3A_1223 : i32 to index
        %get3A_1225 = arith.constant 0 : index
        %get3A_1226 = tpu.vector_load %arg20[%get3A_1224, %get3A_1225] {strides = array<i32>} : memref<64x16xf32, #tpu.memory_space<vmem>>, vector<16xf32>,
        %mul3A_1227 = vector.broadcast %squeeze3A_1222 : f32 to vector<16xf32>
        %mul3A_1228 = arith.mulf %mul3A_1227, %get3A_1226 : vector<16xf32>
        %add3A_1229 = arith.addf %add3A_1220, %mul3A_1228 : vector<16xf32>
        %slice3A_1230 = vector.extract_strided_slice %get3A_1157 {offsets = [8], sizes = [1], strides = [1]} : vector<16xf32> to vector<1xf32>
        %squeeze3A_1231 = vector.extract %slice3A_1230[0] : f32 from vector<1xf32>
        %get3A_1232 = arith.constant 56 : i32
        %get3A_1233 = arith.index_cast %get3A_1232 : i32 to index
        %get3A_1234 = arith.constant 0 : index
        %get3A_1235 = tpu.vector_load %arg20[%get3A_1233, %get3A_1234] {strides = array<i32>} : memref<64x16xf32, #tpu.memory_space<vmem>>, vector<16xf32>,
        %mul3A_1236 = vector.broadcast %squeeze3A_1231 : f32 to vector<16xf32>
        %mul3A_1237 = arith.mulf %mul3A_1236, %get3A_1235 : vector<16xf32>
        %add3A_1238 = arith.addf %add3A_1229, %mul3A_1237 : vector<16xf32>
        %slice3A_1239 = vector.extract_strided_slice %get3A_1157 {offsets = [9], sizes = [1], strides = [1]} : vector<16xf32> to vector<1xf32>
        %squeeze3A_1240 = vector.extract %slice3A_1239[0] : f32 from vector<1xf32>
        %get3A_1241 = arith.constant 57 : i32
        %get3A_1242 = arith.index_cast %get3A_1241 : i32 to index
        %get3A_1243 = arith.constant 0 : index
        %get3A_1244 = tpu.vector_load %arg20[%get3A_1242, %get3A_1243] {strides = array<i32>} : memref<64x16xf32, #tpu.memory_space<vmem>>, vector<16xf32>,
        %mul3A_1245 = vector.broadcast %squeeze3A_1240 : f32 to vector<16xf32>
        %mul3A_1246 = arith.mulf %mul3A_1245, %get3A_1244 : vector<16xf32>
        %add3A_1247 = arith.addf %add3A_1238, %mul3A_1246 : vector<16xf32>
        %slice3A_1248 = vector.extract_strided_slice %get3A_1157 {offsets = [10], sizes = [1], strides = [1]} : vector<16xf32> to vector<1xf32>
        %squeeze3A_1249 = vector.extract %slice3A_1248[0] : f32 from vector<1xf32>
        %get3A_1250 = arith.constant 58 : i32
        %get3A_1251 = arith.index_cast %get3A_1250 : i32 to index
        %get3A_1252 = arith.constant 0 : index
        %get3A_1253 = tpu.vector_load %arg20[%get3A_1251, %get3A_1252] {strides = array<i32>} : memref<64x16xf32, #tpu.memory_space<vmem>>, vector<16xf32>,
        %mul3A_1254 = vector.broadcast %squeeze3A_1249 : f32 to vector<16xf32>
        %mul3A_1255 = arith.mulf %mul3A_1254, %get3A_1253 : vector<16xf32>
        %add3A_1256 = arith.addf %add3A_1247, %mul3A_1255 : vector<16xf32>
        %slice3A_1257 = vector.extract_strided_slice %get3A_1157 {offsets = [11], sizes = [1], strides = [1]} : vector<16xf32> to vector<1xf32>
        %squeeze3A_1258 = vector.extract %slice3A_1257[0] : f32 from vector<1xf32>
        %get3A_1259 = arith.constant 59 : i32
        %get3A_1260 = arith.index_cast %get3A_1259 : i32 to index
        %get3A_1261 = arith.constant 0 : index
        %get3A_1262 = tpu.vector_load %arg20[%get3A_1260, %get3A_1261] {strides = array<i32>} : memref<64x16xf32, #tpu.memory_space<vmem>>, vector<16xf32>,
        %mul3A_1263 = vector.broadcast %squeeze3A_1258 : f32 to vector<16xf32>
        %mul3A_1264 = arith.mulf %mul3A_1263, %get3A_1262 : vector<16xf32>
        %add3A_1265 = arith.addf %add3A_1256, %mul3A_1264 : vector<16xf32>
        %slice3A_1266 = vector.extract_strided_slice %get3A_1157 {offsets = [12], sizes = [1], strides = [1]} : vector<16xf32> to vector<1xf32>
        %squeeze3A_1267 = vector.extract %slice3A_1266[0] : f32 from vector<1xf32>
        %get3A_1268 = arith.constant 60 : i32
        %get3A_1269 = arith.index_cast %get3A_1268 : i32 to index
        %get3A_1270 = arith.constant 0 : index
        %get3A_1271 = tpu.vector_load %arg20[%get3A_1269, %get3A_1270] {strides = array<i32>} : memref<64x16xf32, #tpu.memory_space<vmem>>, vector<16xf32>,
        %mul3A_1272 = vector.broadcast %squeeze3A_1267 : f32 to vector<16xf32>
        %mul3A_1273 = arith.mulf %mul3A_1272, %get3A_1271 : vector<16xf32>
        %add3A_1274 = arith.addf %add3A_1265, %mul3A_1273 : vector<16xf32>
        %slice3A_1275 = vector.extract_strided_slice %get3A_1157 {offsets = [13], sizes = [1], strides = [1]} : vector<16xf32> to vector<1xf32>
        %squeeze3A_1276 = vector.extract %slice3A_1275[0] : f32 from vector<1xf32>
        %get3A_1277 = arith.constant 61 : i32
        %get3A_1278 = arith.index_cast %get3A_1277 : i32 to index
        %get3A_1279 = arith.constant 0 : index
        %get3A_1280 = tpu.vector_load %arg20[%get3A_1278, %get3A_1279] {strides = array<i32>} : memref<64x16xf32, #tpu.memory_space<vmem>>, vector<16xf32>,
        %mul3A_1281 = vector.broadcast %squeeze3A_1276 : f32 to vector<16xf32>
        %mul3A_1282 = arith.mulf %mul3A_1281, %get3A_1280 : vector<16xf32>
        %add3A_1283 = arith.addf %add3A_1274, %mul3A_1282 : vector<16xf32>
        %slice3A_1284 = vector.extract_strided_slice %get3A_1157 {offsets = [14], sizes = [1], strides = [1]} : vector<16xf32> to vector<1xf32>
        %squeeze3A_1285 = vector.extract %slice3A_1284[0] : f32 from vector<1xf32>
        %get3A_1286 = arith.constant 62 : i32
        %get3A_1287 = arith.index_cast %get3A_1286 : i32 to index
        %get3A_1288 = arith.constant 0 : index
        %get3A_1289 = tpu.vector_load %arg20[%get3A_1287, %get3A_1288] {strides = array<i32>} : memref<64x16xf32, #tpu.memory_space<vmem>>, vector<16xf32>,
        %mul3A_1290 = vector.broadcast %squeeze3A_1285 : f32 to vector<16xf32>
        %mul3A_1291 = arith.mulf %mul3A_1290, %get3A_1289 : vector<16xf32>
        %add3A_1292 = arith.addf %add3A_1283, %mul3A_1291 : vector<16xf32>
        %slice3A_1293 = vector.extract_strided_slice %get3A_1157 {offsets = [15], sizes = [1], strides = [1]} : vector<16xf32> to vector<1xf32>
        %squeeze3A_1294 = vector.extract %slice3A_1293[0] : f32 from vector<1xf32>
        %get3A_1295 = arith.constant 63 : i32
        %get3A_1296 = arith.index_cast %get3A_1295 : i32 to index
        %get3A_1297 = arith.constant 0 : index
        %get3A_1298 = tpu.vector_load %arg20[%get3A_1296, %get3A_1297] {strides = array<i32>} : memref<64x16xf32, #tpu.memory_space<vmem>>, vector<16xf32>,
        %mul3A_1299 = vector.broadcast %squeeze3A_1294 : f32 to vector<16xf32>
        %mul3A_1300 = arith.mulf %mul3A_1299, %get3A_1298 : vector<16xf32>
        %add3A_1301 = arith.addf %add3A_1292, %mul3A_1300 : vector<16xf32>
        %abs3A = math.absf %add3A_1301 : vector<16xf32>
        %neg3A = arith.constant 0.000000e+00 : f32
        %neg3A_1302 = vector.broadcast %neg3A : f32 to vector<16xf32>
        %neg3A_1303 = arith.subf %neg3A_1302, %abs3A : vector<16xf32>
        %exp3A = math.exp %neg3A_1303 : vector<16xf32>
        %add3A_1304 = arith.constant 1.000000e+00 : f32
        %add3A_1305 = vector.broadcast %add3A_1304 : f32 to vector<16xf32>
        %add3A_1306 = arith.addf %add3A_1305, %exp3A : vector<16xf32>
        %div3A = arith.constant 1.000000e+00 : f32
        %div3A_1307 = vector.broadcast %div3A : f32 to vector<16xf32>
        %div3A_1308 = arith.divf %div3A_1307, %add3A_1306 : vector<16xf32>
        %ge3A = arith.constant 0.000000e+00 : f32
        %ge3A_1309 = vector.broadcast %ge3A : f32 to vector<16xf32>
        %ge3A_1310 = arith.cmpf oge, %add3A_1301, %ge3A_1309 : vector<16xf32>
        %mul3A_1311 = arith.mulf %exp3A, %div3A_1308 : vector<16xf32>
        %select_n3A = arith.select %ge3A_1310, %div3A_1308, %mul3A_1311 : vector<16xi1>, vector<16xf32>
        %swap3A = arith.index_cast %scan3A_698 : i32 to index
        %swap3A_1312 = arith.constant 0 : index
        %swap3A_1313 = tpu.vector_load %arg24[%swap3A, %swap3A_1312] {strides = array<i32>} : memref<32x16xf32, #tpu.memory_space<vmem>>, vector<16xf32>,
        tpu.vector_store %arg24[%swap3A, %swap3A_1312], %add3A_1301 {strides = array<i32>} : memref<32x16xf32, #tpu.memory_space<vmem>>, vector<16xf32>,
        %mul3A_1314 = arith.constant 4 : i32
        %mul3A_1315 = arith.muli %mul3A_1314, %scan3A_698 : i32
        %add3A_1316 = arith.constant 0 : i32
        %add3A_1317 = arith.addi %mul3A_1315, %add3A_1316 : i32
        %get3A_1318 = arith.index_cast %add3A_1317 : i32 to index
        %get3A_1319 = arith.constant 0 : index
        %get3A_1320 = tpu.vector_load %arg17[%get3A_1318, %get3A_1319] {strides = array<i32>} : memref<128x16xf32, #tpu.memory_space<vmem>>, vector<16xf32>,
        %swap3A_1321 = arith.constant 0 : index
        %swap3A_1322 = tpu.vector_load %arg21[%swap3A_1321] {strides = array<i32>} : memref<80xf32, #tpu.memory_space<vmem>>, vector<16xf32>,
        tpu.vector_store %arg21[%swap3A_1321], %get3A_1320 {strides = array<i32>} : memref<80xf32, #tpu.memory_space<vmem>>, vector<16xf32>,
        %mul3A_1323 = arith.constant 4 : i32
        %mul3A_1324 = arith.muli %mul3A_1323, %scan3A_698 : i32
        %add3A_1325 = arith.constant 1 : i32
        %add3A_1326 = arith.addi %mul3A_1324, %add3A_1325 : i32
        %get3A_1327 = arith.index_cast %add3A_1326 : i32 to index
        %get3A_1328 = arith.constant 0 : index
        %get3A_1329 = tpu.vector_load %arg17[%get3A_1327, %get3A_1328] {strides = array<i32>} : memref<128x16xf32, #tpu.memory_space<vmem>>, vector<16xf32>,
        %swap3A_1330 = arith.constant 16 : index
        %swap3A_1331 = tpu.vector_load %arg21[%swap3A_1330] {strides = array<i32>} : memref<80xf32, #tpu.memory_space<vmem>>, vector<16xf32>,
        tpu.vector_store %arg21[%swap3A_1330], %get3A_1329 {strides = array<i32>} : memref<80xf32, #tpu.memory_space<vmem>>, vector<16xf32>,
        %mul3A_1332 = arith.constant 4 : i32
        %mul3A_1333 = arith.muli %mul3A_1332, %scan3A_698 : i32
        %add3A_1334 = arith.constant 2 : i32
        %add3A_1335 = arith.addi %mul3A_1333, %add3A_1334 : i32
        %get3A_1336 = arith.index_cast %add3A_1335 : i32 to index
        %get3A_1337 = arith.constant 0 : index
        %get3A_1338 = tpu.vector_load %arg17[%get3A_1336, %get3A_1337] {strides = array<i32>} : memref<128x16xf32, #tpu.memory_space<vmem>>, vector<16xf32>,
        %swap3A_1339 = arith.constant 32 : index
        %swap3A_1340 = tpu.vector_load %arg21[%swap3A_1339] {strides = array<i32>} : memref<80xf32, #tpu.memory_space<vmem>>, vector<16xf32>,
        tpu.vector_store %arg21[%swap3A_1339], %get3A_1338 {strides = array<i32>} : memref<80xf32, #tpu.memory_space<vmem>>, vector<16xf32>,
        %mul3A_1341 = arith.constant 4 : i32
        %mul3A_1342 = arith.muli %mul3A_1341, %scan3A_698 : i32
        %add3A_1343 = arith.constant 3 : i32
        %add3A_1344 = arith.addi %mul3A_1342, %add3A_1343 : i32
        %get3A_1345 = arith.index_cast %add3A_1344 : i32 to index
        %get3A_1346 = arith.constant 0 : index
        %get3A_1347 = tpu.vector_load %arg17[%get3A_1345, %get3A_1346] {strides = array<i32>} : memref<128x16xf32, #tpu.memory_space<vmem>>, vector<16xf32>,
        %swap3A_1348 = arith.constant 48 : index
        %swap3A_1349 = tpu.vector_load %arg21[%swap3A_1348] {strides = array<i32>} : memref<80xf32, #tpu.memory_space<vmem>>, vector<16xf32>,
        tpu.vector_store %arg21[%swap3A_1348], %get3A_1347 {strides = array<i32>} : memref<80xf32, #tpu.memory_space<vmem>>, vector<16xf32>,
        %swap3A_1350 = arith.constant 64 : index
        %swap3A_1351 = tpu.vector_load %arg21[%swap3A_1350] {strides = array<i32>} : memref<80xf32, #tpu.memory_space<vmem>>, vector<16xf32>,
        tpu.vector_store %arg21[%swap3A_1350], %select_n3A {strides = array<i32>} : memref<80xf32, #tpu.memory_space<vmem>>, vector<16xf32>,
        %broadcast_in_dim3A_1352 = arith.constant 0.000000e+00 : f32
        %broadcast_in_dim3A_1353 = vector.broadcast %broadcast_in_dim3A_1352 : f32 to vector<16xf32>
        %broadcast_in_dim3A_1354 = arith.constant 0.000000e+00 : f32
        %broadcast_in_dim3A_1355 = vector.broadcast %broadcast_in_dim3A_1354 : f32 to vector<16xf32>
        %get3A_1356 = arith.constant 0 : index
        %get3A_1357 = tpu.vector_load %arg21[%get3A_1356] {strides = array<i32>} : memref<80xf32, #tpu.memory_space<vmem>>, vector<16xf32>,
        %mul3A_1358 = arith.constant 5 : i32
        %mul3A_1359 = arith.muli %mul3A_1358, %scan3A_698 : i32
        %add3A_1360 = arith.constant 0 : i32
        %add3A_1361 = arith.addi %mul3A_1359, %add3A_1360 : i32
        %get3A_1362 = arith.index_cast %add3A_1361 : i32 to index
        %get3A_1363 = arith.constant 0 : index
        %get3A_1364 = tpu.vector_load %arg18[%get3A_1362, %get3A_1363] {strides = array<i32>} : memref<160x16xf32, #tpu.memory_space<vmem>>, vector<16xf32>,
        %mul3A_1365 = arith.mulf %get3A_1364, %get3A_1357 : vector<16xf32>
        %broadcast_in_dim3A_1366 = arith.constant 0.000000e+00 : f32
        %broadcast_in_dim3A_1367 = vector.broadcast %broadcast_in_dim3A_1366 : f32 to vector<16xf32>
        %mul3A_1368 = arith.constant 20 : i32
        %mul3A_1369 = arith.muli %scan3A_698, %mul3A_1368 : i32
        %add3A_1370 = arith.constant 0 : i32
        %add3A_1371 = arith.addi %mul3A_1369, %add3A_1370 : i32
        %mul3A_1372 = arith.constant 5 : i32
        %mul3A_1373 = arith.muli %add3A_1371, %mul3A_1372 : i32
        %add3A_1374 = arith.constant 0 : i32
        %add3A_1375 = arith.addi %mul3A_1373, %add3A_1374 : i32
        %get3A_1376 = arith.index_cast %add3A_1375 : i32 to index
        %get3A_1377 = arith.constant 0 : index
        %get3A_1378 = tpu.vector_load %arg19[%get3A_1376, %get3A_1377] {strides = array<i32>} : memref<3200x16xf32, #tpu.memory_space<vmem>>, vector<16xf32>,
        %add3A_1379 = arith.addf %broadcast_in_dim3A_1367, %get3A_1378 : vector<16xf32>
        %mul3A_1380 = arith.constant 20 : i32
        %mul3A_1381 = arith.muli %scan3A_698, %mul3A_1380 : i32
        %add3A_1382 = arith.constant 1 : i32
        %add3A_1383 = arith.addi %mul3A_1381, %add3A_1382 : i32
        %mul3A_1384 = arith.constant 5 : i32
        %mul3A_1385 = arith.muli %add3A_1383, %mul3A_1384 : i32
        %add3A_1386 = arith.constant 0 : i32
        %add3A_1387 = arith.addi %mul3A_1385, %add3A_1386 : i32
        %get3A_1388 = arith.index_cast %add3A_1387 : i32 to index
        %get3A_1389 = arith.constant 0 : index
        %get3A_1390 = tpu.vector_load %arg19[%get3A_1388, %get3A_1389] {strides = array<i32>} : memref<3200x16xf32, #tpu.memory_space<vmem>>, vector<16xf32>,
        %add3A_1391 = arith.addf %add3A_1379, %get3A_1390 : vector<16xf32>
        %mul3A_1392 = arith.constant 20 : i32
        %mul3A_1393 = arith.muli %scan3A_698, %mul3A_1392 : i32
        %add3A_1394 = arith.constant 2 : i32
        %add3A_1395 = arith.addi %mul3A_1393, %add3A_1394 : i32
        %mul3A_1396 = arith.constant 5 : i32
        %mul3A_1397 = arith.muli %add3A_1395, %mul3A_1396 : i32
        %add3A_1398 = arith.constant 0 : i32
        %add3A_1399 = arith.addi %mul3A_1397, %add3A_1398 : i32
        %get3A_1400 = arith.index_cast %add3A_1399 : i32 to index
        %get3A_1401 = arith.constant 0 : index
        %get3A_1402 = tpu.vector_load %arg19[%get3A_1400, %get3A_1401] {strides = array<i32>} : memref<3200x16xf32, #tpu.memory_space<vmem>>, vector<16xf32>,
        %add3A_1403 = arith.addf %add3A_1391, %get3A_1402 : vector<16xf32>
        %mul3A_1404 = arith.constant 20 : i32
        %mul3A_1405 = arith.muli %scan3A_698, %mul3A_1404 : i32
        %add3A_1406 = arith.constant 3 : i32
        %add3A_1407 = arith.addi %mul3A_1405, %add3A_1406 : i32
        %mul3A_1408 = arith.constant 5 : i32
        %mul3A_1409 = arith.muli %add3A_1407, %mul3A_1408 : i32
        %add3A_1410 = arith.constant 0 : i32
        %add3A_1411 = arith.addi %mul3A_1409, %add3A_1410 : i32
        %get3A_1412 = arith.index_cast %add3A_1411 : i32 to index
        %get3A_1413 = arith.constant 0 : index
        %get3A_1414 = tpu.vector_load %arg19[%get3A_1412, %get3A_1413] {strides = array<i32>} : memref<3200x16xf32, #tpu.memory_space<vmem>>, vector<16xf32>,
        %add3A_1415 = arith.addf %add3A_1403, %get3A_1414 : vector<16xf32>
        %mul3A_1416 = arith.constant 20 : i32
        %mul3A_1417 = arith.muli %scan3A_698, %mul3A_1416 : i32
        %add3A_1418 = arith.constant 4 : i32
        %add3A_1419 = arith.addi %mul3A_1417, %add3A_1418 : i32
        %mul3A_1420 = arith.constant 5 : i32
        %mul3A_1421 = arith.muli %add3A_1419, %mul3A_1420 : i32
        %add3A_1422 = arith.constant 0 : i32
        %add3A_1423 = arith.addi %mul3A_1421, %add3A_1422 : i32
        %get3A_1424 = arith.index_cast %add3A_1423 : i32 to index
        %get3A_1425 = arith.constant 0 : index
        %get3A_1426 = tpu.vector_load %arg19[%get3A_1424, %get3A_1425] {strides = array<i32>} : memref<3200x16xf32, #tpu.memory_space<vmem>>, vector<16xf32>,
        %add3A_1427 = arith.addf %add3A_1415, %get3A_1426 : vector<16xf32>
        %mul3A_1428 = arith.constant 20 : i32
        %mul3A_1429 = arith.muli %scan3A_698, %mul3A_1428 : i32
        %add3A_1430 = arith.constant 5 : i32
        %add3A_1431 = arith.addi %mul3A_1429, %add3A_1430 : i32
        %mul3A_1432 = arith.constant 5 : i32
        %mul3A_1433 = arith.muli %add3A_1431, %mul3A_1432 : i32
        %add3A_1434 = arith.constant 0 : i32
        %add3A_1435 = arith.addi %mul3A_1433, %add3A_1434 : i32
        %get3A_1436 = arith.index_cast %add3A_1435 : i32 to index
        %get3A_1437 = arith.constant 0 : index
        %get3A_1438 = tpu.vector_load %arg19[%get3A_1436, %get3A_1437] {strides = array<i32>} : memref<3200x16xf32, #tpu.memory_space<vmem>>, vector<16xf32>,
        %add3A_1439 = arith.addf %add3A_1427, %get3A_1438 : vector<16xf32>
        %mul3A_1440 = arith.constant 20 : i32
        %mul3A_1441 = arith.muli %scan3A_698, %mul3A_1440 : i32
        %add3A_1442 = arith.constant 6 : i32
        %add3A_1443 = arith.addi %mul3A_1441, %add3A_1442 : i32
        %mul3A_1444 = arith.constant 5 : i32
        %mul3A_1445 = arith.muli %add3A_1443, %mul3A_1444 : i32
        %add3A_1446 = arith.constant 0 : i32
        %add3A_1447 = arith.addi %mul3A_1445, %add3A_1446 : i32
        %get3A_1448 = arith.index_cast %add3A_1447 : i32 to index
        %get3A_1449 = arith.constant 0 : index
        %get3A_1450 = tpu.vector_load %arg19[%get3A_1448, %get3A_1449] {strides = array<i32>} : memref<3200x16xf32, #tpu.memory_space<vmem>>, vector<16xf32>,
        %add3A_1451 = arith.addf %add3A_1439, %get3A_1450 : vector<16xf32>
        %mul3A_1452 = arith.constant 20 : i32
        %mul3A_1453 = arith.muli %scan3A_698, %mul3A_1452 : i32
        %add3A_1454 = arith.constant 7 : i32
        %add3A_1455 = arith.addi %mul3A_1453, %add3A_1454 : i32
        %mul3A_1456 = arith.constant 5 : i32
        %mul3A_1457 = arith.muli %add3A_1455, %mul3A_1456 : i32
        %add3A_1458 = arith.constant 0 : i32
        %add3A_1459 = arith.addi %mul3A_1457, %add3A_1458 : i32
        %get3A_1460 = arith.index_cast %add3A_1459 : i32 to index
        %get3A_1461 = arith.constant 0 : index
        %get3A_1462 = tpu.vector_load %arg19[%get3A_1460, %get3A_1461] {strides = array<i32>} : memref<3200x16xf32, #tpu.memory_space<vmem>>, vector<16xf32>,
        %add3A_1463 = arith.addf %add3A_1451, %get3A_1462 : vector<16xf32>
        %mul3A_1464 = arith.constant 20 : i32
        %mul3A_1465 = arith.muli %scan3A_698, %mul3A_1464 : i32
        %add3A_1466 = arith.constant 8 : i32
        %add3A_1467 = arith.addi %mul3A_1465, %add3A_1466 : i32
        %mul3A_1468 = arith.constant 5 : i32
        %mul3A_1469 = arith.muli %add3A_1467, %mul3A_1468 : i32
        %add3A_1470 = arith.constant 0 : i32
        %add3A_1471 = arith.addi %mul3A_1469, %add3A_1470 : i32
        %get3A_1472 = arith.index_cast %add3A_1471 : i32 to index
        %get3A_1473 = arith.constant 0 : index
        %get3A_1474 = tpu.vector_load %arg19[%get3A_1472, %get3A_1473] {strides = array<i32>} : memref<3200x16xf32, #tpu.memory_space<vmem>>, vector<16xf32>,
        %add3A_1475 = arith.addf %add3A_1463, %get3A_1474 : vector<16xf32>
        %mul3A_1476 = arith.constant 20 : i32
        %mul3A_1477 = arith.muli %scan3A_698, %mul3A_1476 : i32
        %add3A_1478 = arith.constant 9 : i32
        %add3A_1479 = arith.addi %mul3A_1477, %add3A_1478 : i32
        %mul3A_1480 = arith.constant 5 : i32
        %mul3A_1481 = arith.muli %add3A_1479, %mul3A_1480 : i32
        %add3A_1482 = arith.constant 0 : i32
        %add3A_1483 = arith.addi %mul3A_1481, %add3A_1482 : i32
        %get3A_1484 = arith.index_cast %add3A_1483 : i32 to index
        %get3A_1485 = arith.constant 0 : index
        %get3A_1486 = tpu.vector_load %arg19[%get3A_1484, %get3A_1485] {strides = array<i32>} : memref<3200x16xf32, #tpu.memory_space<vmem>>, vector<16xf32>,
        %add3A_1487 = arith.addf %add3A_1475, %get3A_1486 : vector<16xf32>
        %mul3A_1488 = arith.constant 20 : i32
        %mul3A_1489 = arith.muli %scan3A_698, %mul3A_1488 : i32
        %add3A_1490 = arith.constant 10 : i32
        %add3A_1491 = arith.addi %mul3A_1489, %add3A_1490 : i32
        %mul3A_1492 = arith.constant 5 : i32
        %mul3A_1493 = arith.muli %add3A_1491, %mul3A_1492 : i32
        %add3A_1494 = arith.constant 0 : i32
        %add3A_1495 = arith.addi %mul3A_1493, %add3A_1494 : i32
        %get3A_1496 = arith.index_cast %add3A_1495 : i32 to index
        %get3A_1497 = arith.constant 0 : index
        %get3A_1498 = tpu.vector_load %arg19[%get3A_1496, %get3A_1497] {strides = array<i32>} : memref<3200x16xf32, #tpu.memory_space<vmem>>, vector<16xf32>,
        %add3A_1499 = arith.addf %add3A_1487, %get3A_1498 : vector<16xf32>
        %mul3A_1500 = arith.constant 20 : i32
        %mul3A_1501 = arith.muli %scan3A_698, %mul3A_1500 : i32
        %add3A_1502 = arith.constant 11 : i32
        %add3A_1503 = arith.addi %mul3A_1501, %add3A_1502 : i32
        %mul3A_1504 = arith.constant 5 : i32
        %mul3A_1505 = arith.muli %add3A_1503, %mul3A_1504 : i32
        %add3A_1506 = arith.constant 0 : i32
        %add3A_1507 = arith.addi %mul3A_1505, %add3A_1506 : i32
        %get3A_1508 = arith.index_cast %add3A_1507 : i32 to index
        %get3A_1509 = arith.constant 0 : index
        %get3A_1510 = tpu.vector_load %arg19[%get3A_1508, %get3A_1509] {strides = array<i32>} : memref<3200x16xf32, #tpu.memory_space<vmem>>, vector<16xf32>,
        %add3A_1511 = arith.addf %add3A_1499, %get3A_1510 : vector<16xf32>
        %mul3A_1512 = arith.constant 20 : i32
        %mul3A_1513 = arith.muli %scan3A_698, %mul3A_1512 : i32
        %add3A_1514 = arith.constant 12 : i32
        %add3A_1515 = arith.addi %mul3A_1513, %add3A_1514 : i32
        %mul3A_1516 = arith.constant 5 : i32
        %mul3A_1517 = arith.muli %add3A_1515, %mul3A_1516 : i32
        %add3A_1518 = arith.constant 0 : i32
        %add3A_1519 = arith.addi %mul3A_1517, %add3A_1518 : i32
        %get3A_1520 = arith.index_cast %add3A_1519 : i32 to index
        %get3A_1521 = arith.constant 0 : index
        %get3A_1522 = tpu.vector_load %arg19[%get3A_1520, %get3A_1521] {strides = array<i32>} : memref<3200x16xf32, #tpu.memory_space<vmem>>, vector<16xf32>,
        %add3A_1523 = arith.addf %add3A_1511, %get3A_1522 : vector<16xf32>
        %mul3A_1524 = arith.constant 20 : i32
        %mul3A_1525 = arith.muli %scan3A_698, %mul3A_1524 : i32
        %add3A_1526 = arith.constant 13 : i32
        %add3A_1527 = arith.addi %mul3A_1525, %add3A_1526 : i32
        %mul3A_1528 = arith.constant 5 : i32
        %mul3A_1529 = arith.muli %add3A_1527, %mul3A_1528 : i32
        %add3A_1530 = arith.constant 0 : i32
        %add3A_1531 = arith.addi %mul3A_1529, %add3A_1530 : i32
        %get3A_1532 = arith.index_cast %add3A_1531 : i32 to index
        %get3A_1533 = arith.constant 0 : index
        %get3A_1534 = tpu.vector_load %arg19[%get3A_1532, %get3A_1533] {strides = array<i32>} : memref<3200x16xf32, #tpu.memory_space<vmem>>, vector<16xf32>,
        %add3A_1535 = arith.addf %add3A_1523, %get3A_1534 : vector<16xf32>
        %mul3A_1536 = arith.constant 20 : i32
        %mul3A_1537 = arith.muli %scan3A_698, %mul3A_1536 : i32
        %add3A_1538 = arith.constant 14 : i32
        %add3A_1539 = arith.addi %mul3A_1537, %add3A_1538 : i32
        %mul3A_1540 = arith.constant 5 : i32
        %mul3A_1541 = arith.muli %add3A_1539, %mul3A_1540 : i32
        %add3A_1542 = arith.constant 0 : i32
        %add3A_1543 = arith.addi %mul3A_1541, %add3A_1542 : i32
        %get3A_1544 = arith.index_cast %add3A_1543 : i32 to index
        %get3A_1545 = arith.constant 0 : index
        %get3A_1546 = tpu.vector_load %arg19[%get3A_1544, %get3A_1545] {strides = array<i32>} : memref<3200x16xf32, #tpu.memory_space<vmem>>, vector<16xf32>,
        %add3A_1547 = arith.addf %add3A_1535, %get3A_1546 : vector<16xf32>
        %mul3A_1548 = arith.constant 20 : i32
        %mul3A_1549 = arith.muli %scan3A_698, %mul3A_1548 : i32
        %add3A_1550 = arith.constant 15 : i32
        %add3A_1551 = arith.addi %mul3A_1549, %add3A_1550 : i32
        %mul3A_1552 = arith.constant 5 : i32
        %mul3A_1553 = arith.muli %add3A_1551, %mul3A_1552 : i32
        %add3A_1554 = arith.constant 0 : i32
        %add3A_1555 = arith.addi %mul3A_1553, %add3A_1554 : i32
        %get3A_1556 = arith.index_cast %add3A_1555 : i32 to index
        %get3A_1557 = arith.constant 0 : index
        %get3A_1558 = tpu.vector_load %arg19[%get3A_1556, %get3A_1557] {strides = array<i32>} : memref<3200x16xf32, #tpu.memory_space<vmem>>, vector<16xf32>,
        %add3A_1559 = arith.addf %add3A_1547, %get3A_1558 : vector<16xf32>
        %mul3A_1560 = arith.constant 20 : i32
        %mul3A_1561 = arith.muli %scan3A_698, %mul3A_1560 : i32
        %add3A_1562 = arith.constant 16 : i32
        %add3A_1563 = arith.addi %mul3A_1561, %add3A_1562 : i32
        %mul3A_1564 = arith.constant 5 : i32
        %mul3A_1565 = arith.muli %add3A_1563, %mul3A_1564 : i32
        %add3A_1566 = arith.constant 0 : i32
        %add3A_1567 = arith.addi %mul3A_1565, %add3A_1566 : i32
        %get3A_1568 = arith.index_cast %add3A_1567 : i32 to index
        %get3A_1569 = arith.constant 0 : index
        %get3A_1570 = tpu.vector_load %arg19[%get3A_1568, %get3A_1569] {strides = array<i32>} : memref<3200x16xf32, #tpu.memory_space<vmem>>, vector<16xf32>,
        %add3A_1571 = arith.addf %add3A_1559, %get3A_1570 : vector<16xf32>
        %mul3A_1572 = arith.constant 20 : i32
        %mul3A_1573 = arith.muli %scan3A_698, %mul3A_1572 : i32
        %add3A_1574 = arith.constant 17 : i32
        %add3A_1575 = arith.addi %mul3A_1573, %add3A_1574 : i32
        %mul3A_1576 = arith.constant 5 : i32
        %mul3A_1577 = arith.muli %add3A_1575, %mul3A_1576 : i32
        %add3A_1578 = arith.constant 0 : i32
        %add3A_1579 = arith.addi %mul3A_1577, %add3A_1578 : i32
        %get3A_1580 = arith.index_cast %add3A_1579 : i32 to index
        %get3A_1581 = arith.constant 0 : index
        %get3A_1582 = tpu.vector_load %arg19[%get3A_1580, %get3A_1581] {strides = array<i32>} : memref<3200x16xf32, #tpu.memory_space<vmem>>, vector<16xf32>,
        %add3A_1583 = arith.addf %add3A_1571, %get3A_1582 : vector<16xf32>
        %mul3A_1584 = arith.constant 20 : i32
        %mul3A_1585 = arith.muli %scan3A_698, %mul3A_1584 : i32
        %add3A_1586 = arith.constant 18 : i32
        %add3A_1587 = arith.addi %mul3A_1585, %add3A_1586 : i32
        %mul3A_1588 = arith.constant 5 : i32
        %mul3A_1589 = arith.muli %add3A_1587, %mul3A_1588 : i32
        %add3A_1590 = arith.constant 0 : i32
        %add3A_1591 = arith.addi %mul3A_1589, %add3A_1590 : i32
        %get3A_1592 = arith.index_cast %add3A_1591 : i32 to index
        %get3A_1593 = arith.constant 0 : index
        %get3A_1594 = tpu.vector_load %arg19[%get3A_1592, %get3A_1593] {strides = array<i32>} : memref<3200x16xf32, #tpu.memory_space<vmem>>, vector<16xf32>,
        %add3A_1595 = arith.addf %add3A_1583, %get3A_1594 : vector<16xf32>
        %mul3A_1596 = arith.constant 20 : i32
        %mul3A_1597 = arith.muli %scan3A_698, %mul3A_1596 : i32
        %add3A_1598 = arith.constant 19 : i32
        %add3A_1599 = arith.addi %mul3A_1597, %add3A_1598 : i32
        %mul3A_1600 = arith.constant 5 : i32
        %mul3A_1601 = arith.muli %add3A_1599, %mul3A_1600 : i32
        %add3A_1602 = arith.constant 0 : i32
        %add3A_1603 = arith.addi %mul3A_1601, %add3A_1602 : i32
        %get3A_1604 = arith.index_cast %add3A_1603 : i32 to index
        %get3A_1605 = arith.constant 0 : index
        %get3A_1606 = tpu.vector_load %arg19[%get3A_1604, %get3A_1605] {strides = array<i32>} : memref<3200x16xf32, #tpu.memory_space<vmem>>, vector<16xf32>,
        %add3A_1607 = arith.addf %add3A_1595, %get3A_1606 : vector<16xf32>
        %add3A_1608 = arith.addf %broadcast_in_dim3A_1353, %mul3A_1365 : vector<16xf32>
        %mul3A_1609 = arith.mulf %add3A_1607, %get3A_1357 : vector<16xf32>
        %add3A_1610 = arith.addf %broadcast_in_dim3A_1355, %mul3A_1609 : vector<16xf32>
        %get3A_1611 = arith.constant 16 : index
        %get3A_1612 = tpu.vector_load %arg21[%get3A_1611] {strides = array<i32>} : memref<80xf32, #tpu.memory_space<vmem>>, vector<16xf32>,
        %mul3A_1613 = arith.constant 5 : i32
        %mul3A_1614 = arith.muli %mul3A_1613, %scan3A_698 : i32
        %add3A_1615 = arith.constant 1 : i32
        %add3A_1616 = arith.addi %mul3A_1614, %add3A_1615 : i32
        %get3A_1617 = arith.index_cast %add3A_1616 : i32 to index
        %get3A_1618 = arith.constant 0 : index
        %get3A_1619 = tpu.vector_load %arg18[%get3A_1617, %get3A_1618] {strides = array<i32>} : memref<160x16xf32, #tpu.memory_space<vmem>>, vector<16xf32>,
        %mul3A_1620 = arith.mulf %get3A_1619, %get3A_1612 : vector<16xf32>
        %broadcast_in_dim3A_1621 = arith.constant 0.000000e+00 : f32
        %broadcast_in_dim3A_1622 = vector.broadcast %broadcast_in_dim3A_1621 : f32 to vector<16xf32>
        %mul3A_1623 = arith.constant 20 : i32
        %mul3A_1624 = arith.muli %scan3A_698, %mul3A_1623 : i32
        %add3A_1625 = arith.constant 0 : i32
        %add3A_1626 = arith.addi %mul3A_1624, %add3A_1625 : i32
        %mul3A_1627 = arith.constant 5 : i32
        %mul3A_1628 = arith.muli %add3A_1626, %mul3A_1627 : i32
        %add3A_1629 = arith.constant 1 : i32
        %add3A_1630 = arith.addi %mul3A_1628, %add3A_1629 : i32
        %get3A_1631 = arith.index_cast %add3A_1630 : i32 to index
        %get3A_1632 = arith.constant 0 : index
        %get3A_1633 = tpu.vector_load %arg19[%get3A_1631, %get3A_1632] {strides = array<i32>} : memref<3200x16xf32, #tpu.memory_space<vmem>>, vector<16xf32>,
        %add3A_1634 = arith.addf %broadcast_in_dim3A_1622, %get3A_1633 : vector<16xf32>
        %mul3A_1635 = arith.constant 20 : i32
        %mul3A_1636 = arith.muli %scan3A_698, %mul3A_1635 : i32
        %add3A_1637 = arith.constant 1 : i32
        %add3A_1638 = arith.addi %mul3A_1636, %add3A_1637 : i32
        %mul3A_1639 = arith.constant 5 : i32
        %mul3A_1640 = arith.muli %add3A_1638, %mul3A_1639 : i32
        %add3A_1641 = arith.constant 1 : i32
        %add3A_1642 = arith.addi %mul3A_1640, %add3A_1641 : i32
        %get3A_1643 = arith.index_cast %add3A_1642 : i32 to index
        %get3A_1644 = arith.constant 0 : index
        %get3A_1645 = tpu.vector_load %arg19[%get3A_1643, %get3A_1644] {strides = array<i32>} : memref<3200x16xf32, #tpu.memory_space<vmem>>, vector<16xf32>,
        %add3A_1646 = arith.addf %add3A_1634, %get3A_1645 : vector<16xf32>
        %mul3A_1647 = arith.constant 20 : i32
        %mul3A_1648 = arith.muli %scan3A_698, %mul3A_1647 : i32
        %add3A_1649 = arith.constant 2 : i32
        %add3A_1650 = arith.addi %mul3A_1648, %add3A_1649 : i32
        %mul3A_1651 = arith.constant 5 : i32
        %mul3A_1652 = arith.muli %add3A_1650, %mul3A_1651 : i32
        %add3A_1653 = arith.constant 1 : i32
        %add3A_1654 = arith.addi %mul3A_1652, %add3A_1653 : i32
        %get3A_1655 = arith.index_cast %add3A_1654 : i32 to index
        %get3A_1656 = arith.constant 0 : index
        %get3A_1657 = tpu.vector_load %arg19[%get3A_1655, %get3A_1656] {strides = array<i32>} : memref<3200x16xf32, #tpu.memory_space<vmem>>, vector<16xf32>,
        %add3A_1658 = arith.addf %add3A_1646, %get3A_1657 : vector<16xf32>
        %mul3A_1659 = arith.constant 20 : i32
        %mul3A_1660 = arith.muli %scan3A_698, %mul3A_1659 : i32
        %add3A_1661 = arith.constant 3 : i32
        %add3A_1662 = arith.addi %mul3A_1660, %add3A_1661 : i32
        %mul3A_1663 = arith.constant 5 : i32
        %mul3A_1664 = arith.muli %add3A_1662, %mul3A_1663 : i32
        %add3A_1665 = arith.constant 1 : i32
        %add3A_1666 = arith.addi %mul3A_1664, %add3A_1665 : i32
        %get3A_1667 = arith.index_cast %add3A_1666 : i32 to index
        %get3A_1668 = arith.constant 0 : index
        %get3A_1669 = tpu.vector_load %arg19[%get3A_1667, %get3A_1668] {strides = array<i32>} : memref<3200x16xf32, #tpu.memory_space<vmem>>, vector<16xf32>,
        %add3A_1670 = arith.addf %add3A_1658, %get3A_1669 : vector<16xf32>
        %mul3A_1671 = arith.constant 20 : i32
        %mul3A_1672 = arith.muli %scan3A_698, %mul3A_1671 : i32
        %add3A_1673 = arith.constant 4 : i32
        %add3A_1674 = arith.addi %mul3A_1672, %add3A_1673 : i32
        %mul3A_1675 = arith.constant 5 : i32
        %mul3A_1676 = arith.muli %add3A_1674, %mul3A_1675 : i32
        %add3A_1677 = arith.constant 1 : i32
        %add3A_1678 = arith.addi %mul3A_1676, %add3A_1677 : i32
        %get3A_1679 = arith.index_cast %add3A_1678 : i32 to index
        %get3A_1680 = arith.constant 0 : index
        %get3A_1681 = tpu.vector_load %arg19[%get3A_1679, %get3A_1680] {strides = array<i32>} : memref<3200x16xf32, #tpu.memory_space<vmem>>, vector<16xf32>,
        %add3A_1682 = arith.addf %add3A_1670, %get3A_1681 : vector<16xf32>
        %mul3A_1683 = arith.constant 20 : i32
        %mul3A_1684 = arith.muli %scan3A_698, %mul3A_1683 : i32
        %add3A_1685 = arith.constant 5 : i32
        %add3A_1686 = arith.addi %mul3A_1684, %add3A_1685 : i32
        %mul3A_1687 = arith.constant 5 : i32
        %mul3A_1688 = arith.muli %add3A_1686, %mul3A_1687 : i32
        %add3A_1689 = arith.constant 1 : i32
        %add3A_1690 = arith.addi %mul3A_1688, %add3A_1689 : i32
        %get3A_1691 = arith.index_cast %add3A_1690 : i32 to index
        %get3A_1692 = arith.constant 0 : index
        %get3A_1693 = tpu.vector_load %arg19[%get3A_1691, %get3A_1692] {strides = array<i32>} : memref<3200x16xf32, #tpu.memory_space<vmem>>, vector<16xf32>,
        %add3A_1694 = arith.addf %add3A_1682, %get3A_1693 : vector<16xf32>
        %mul3A_1695 = arith.constant 20 : i32
        %mul3A_1696 = arith.muli %scan3A_698, %mul3A_1695 : i32
        %add3A_1697 = arith.constant 6 : i32
        %add3A_1698 = arith.addi %mul3A_1696, %add3A_1697 : i32
        %mul3A_1699 = arith.constant 5 : i32
        %mul3A_1700 = arith.muli %add3A_1698, %mul3A_1699 : i32
        %add3A_1701 = arith.constant 1 : i32
        %add3A_1702 = arith.addi %mul3A_1700, %add3A_1701 : i32
        %get3A_1703 = arith.index_cast %add3A_1702 : i32 to index
        %get3A_1704 = arith.constant 0 : index
        %get3A_1705 = tpu.vector_load %arg19[%get3A_1703, %get3A_1704] {strides = array<i32>} : memref<3200x16xf32, #tpu.memory_space<vmem>>, vector<16xf32>,
        %add3A_1706 = arith.addf %add3A_1694, %get3A_1705 : vector<16xf32>
        %mul3A_1707 = arith.constant 20 : i32
        %mul3A_1708 = arith.muli %scan3A_698, %mul3A_1707 : i32
        %add3A_1709 = arith.constant 7 : i32
        %add3A_1710 = arith.addi %mul3A_1708, %add3A_1709 : i32
        %mul3A_1711 = arith.constant 5 : i32
        %mul3A_1712 = arith.muli %add3A_1710, %mul3A_1711 : i32
        %add3A_1713 = arith.constant 1 : i32
        %add3A_1714 = arith.addi %mul3A_1712, %add3A_1713 : i32
        %get3A_1715 = arith.index_cast %add3A_1714 : i32 to index
        %get3A_1716 = arith.constant 0 : index
        %get3A_1717 = tpu.vector_load %arg19[%get3A_1715, %get3A_1716] {strides = array<i32>} : memref<3200x16xf32, #tpu.memory_space<vmem>>, vector<16xf32>,
        %add3A_1718 = arith.addf %add3A_1706, %get3A_1717 : vector<16xf32>
        %mul3A_1719 = arith.constant 20 : i32
        %mul3A_1720 = arith.muli %scan3A_698, %mul3A_1719 : i32
        %add3A_1721 = arith.constant 8 : i32
        %add3A_1722 = arith.addi %mul3A_1720, %add3A_1721 : i32
        %mul3A_1723 = arith.constant 5 : i32
        %mul3A_1724 = arith.muli %add3A_1722, %mul3A_1723 : i32
        %add3A_1725 = arith.constant 1 : i32
        %add3A_1726 = arith.addi %mul3A_1724, %add3A_1725 : i32
        %get3A_1727 = arith.index_cast %add3A_1726 : i32 to index
        %get3A_1728 = arith.constant 0 : index
        %get3A_1729 = tpu.vector_load %arg19[%get3A_1727, %get3A_1728] {strides = array<i32>} : memref<3200x16xf32, #tpu.memory_space<vmem>>, vector<16xf32>,
        %add3A_1730 = arith.addf %add3A_1718, %get3A_1729 : vector<16xf32>
        %mul3A_1731 = arith.constant 20 : i32
        %mul3A_1732 = arith.muli %scan3A_698, %mul3A_1731 : i32
        %add3A_1733 = arith.constant 9 : i32
        %add3A_1734 = arith.addi %mul3A_1732, %add3A_1733 : i32
        %mul3A_1735 = arith.constant 5 : i32
        %mul3A_1736 = arith.muli %add3A_1734, %mul3A_1735 : i32
        %add3A_1737 = arith.constant 1 : i32
        %add3A_1738 = arith.addi %mul3A_1736, %add3A_1737 : i32
        %get3A_1739 = arith.index_cast %add3A_1738 : i32 to index
        %get3A_1740 = arith.constant 0 : index
        %get3A_1741 = tpu.vector_load %arg19[%get3A_1739, %get3A_1740] {strides = array<i32>} : memref<3200x16xf32, #tpu.memory_space<vmem>>, vector<16xf32>,
        %add3A_1742 = arith.addf %add3A_1730, %get3A_1741 : vector<16xf32>
        %mul3A_1743 = arith.constant 20 : i32
        %mul3A_1744 = arith.muli %scan3A_698, %mul3A_1743 : i32
        %add3A_1745 = arith.constant 10 : i32
        %add3A_1746 = arith.addi %mul3A_1744, %add3A_1745 : i32
        %mul3A_1747 = arith.constant 5 : i32
        %mul3A_1748 = arith.muli %add3A_1746, %mul3A_1747 : i32
        %add3A_1749 = arith.constant 1 : i32
        %add3A_1750 = arith.addi %mul3A_1748, %add3A_1749 : i32
        %get3A_1751 = arith.index_cast %add3A_1750 : i32 to index
        %get3A_1752 = arith.constant 0 : index
        %get3A_1753 = tpu.vector_load %arg19[%get3A_1751, %get3A_1752] {strides = array<i32>} : memref<3200x16xf32, #tpu.memory_space<vmem>>, vector<16xf32>,
        %add3A_1754 = arith.addf %add3A_1742, %get3A_1753 : vector<16xf32>
        %mul3A_1755 = arith.constant 20 : i32
        %mul3A_1756 = arith.muli %scan3A_698, %mul3A_1755 : i32
        %add3A_1757 = arith.constant 11 : i32
        %add3A_1758 = arith.addi %mul3A_1756, %add3A_1757 : i32
        %mul3A_1759 = arith.constant 5 : i32
        %mul3A_1760 = arith.muli %add3A_1758, %mul3A_1759 : i32
        %add3A_1761 = arith.constant 1 : i32
        %add3A_1762 = arith.addi %mul3A_1760, %add3A_1761 : i32
        %get3A_1763 = arith.index_cast %add3A_1762 : i32 to index
        %get3A_1764 = arith.constant 0 : index
        %get3A_1765 = tpu.vector_load %arg19[%get3A_1763, %get3A_1764] {strides = array<i32>} : memref<3200x16xf32, #tpu.memory_space<vmem>>, vector<16xf32>,
        %add3A_1766 = arith.addf %add3A_1754, %get3A_1765 : vector<16xf32>
        %mul3A_1767 = arith.constant 20 : i32
        %mul3A_1768 = arith.muli %scan3A_698, %mul3A_1767 : i32
        %add3A_1769 = arith.constant 12 : i32
        %add3A_1770 = arith.addi %mul3A_1768, %add3A_1769 : i32
        %mul3A_1771 = arith.constant 5 : i32
        %mul3A_1772 = arith.muli %add3A_1770, %mul3A_1771 : i32
        %add3A_1773 = arith.constant 1 : i32
        %add3A_1774 = arith.addi %mul3A_1772, %add3A_1773 : i32
        %get3A_1775 = arith.index_cast %add3A_1774 : i32 to index
        %get3A_1776 = arith.constant 0 : index
        %get3A_1777 = tpu.vector_load %arg19[%get3A_1775, %get3A_1776] {strides = array<i32>} : memref<3200x16xf32, #tpu.memory_space<vmem>>, vector<16xf32>,
        %add3A_1778 = arith.addf %add3A_1766, %get3A_1777 : vector<16xf32>
        %mul3A_1779 = arith.constant 20 : i32
        %mul3A_1780 = arith.muli %scan3A_698, %mul3A_1779 : i32
        %add3A_1781 = arith.constant 13 : i32
        %add3A_1782 = arith.addi %mul3A_1780, %add3A_1781 : i32
        %mul3A_1783 = arith.constant 5 : i32
        %mul3A_1784 = arith.muli %add3A_1782, %mul3A_1783 : i32
        %add3A_1785 = arith.constant 1 : i32
        %add3A_1786 = arith.addi %mul3A_1784, %add3A_1785 : i32
        %get3A_1787 = arith.index_cast %add3A_1786 : i32 to index
        %get3A_1788 = arith.constant 0 : index
        %get3A_1789 = tpu.vector_load %arg19[%get3A_1787, %get3A_1788] {strides = array<i32>} : memref<3200x16xf32, #tpu.memory_space<vmem>>, vector<16xf32>,
        %add3A_1790 = arith.addf %add3A_1778, %get3A_1789 : vector<16xf32>
        %mul3A_1791 = arith.constant 20 : i32
        %mul3A_1792 = arith.muli %scan3A_698, %mul3A_1791 : i32
        %add3A_1793 = arith.constant 14 : i32
        %add3A_1794 = arith.addi %mul3A_1792, %add3A_1793 : i32
        %mul3A_1795 = arith.constant 5 : i32
        %mul3A_1796 = arith.muli %add3A_1794, %mul3A_1795 : i32
        %add3A_1797 = arith.constant 1 : i32
        %add3A_1798 = arith.addi %mul3A_1796, %add3A_1797 : i32
        %get3A_1799 = arith.index_cast %add3A_1798 : i32 to index
        %get3A_1800 = arith.constant 0 : index
        %get3A_1801 = tpu.vector_load %arg19[%get3A_1799, %get3A_1800] {strides = array<i32>} : memref<3200x16xf32, #tpu.memory_space<vmem>>, vector<16xf32>,
        %add3A_1802 = arith.addf %add3A_1790, %get3A_1801 : vector<16xf32>
        %mul3A_1803 = arith.constant 20 : i32
        %mul3A_1804 = arith.muli %scan3A_698, %mul3A_1803 : i32
        %add3A_1805 = arith.constant 15 : i32
        %add3A_1806 = arith.addi %mul3A_1804, %add3A_1805 : i32
        %mul3A_1807 = arith.constant 5 : i32
        %mul3A_1808 = arith.muli %add3A_1806, %mul3A_1807 : i32
        %add3A_1809 = arith.constant 1 : i32
        %add3A_1810 = arith.addi %mul3A_1808, %add3A_1809 : i32
        %get3A_1811 = arith.index_cast %add3A_1810 : i32 to index
        %get3A_1812 = arith.constant 0 : index
        %get3A_1813 = tpu.vector_load %arg19[%get3A_1811, %get3A_1812] {strides = array<i32>} : memref<3200x16xf32, #tpu.memory_space<vmem>>, vector<16xf32>,
        %add3A_1814 = arith.addf %add3A_1802, %get3A_1813 : vector<16xf32>
        %mul3A_1815 = arith.constant 20 : i32
        %mul3A_1816 = arith.muli %scan3A_698, %mul3A_1815 : i32
        %add3A_1817 = arith.constant 16 : i32
        %add3A_1818 = arith.addi %mul3A_1816, %add3A_1817 : i32
        %mul3A_1819 = arith.constant 5 : i32
        %mul3A_1820 = arith.muli %add3A_1818, %mul3A_1819 : i32
        %add3A_1821 = arith.constant 1 : i32
        %add3A_1822 = arith.addi %mul3A_1820, %add3A_1821 : i32
        %get3A_1823 = arith.index_cast %add3A_1822 : i32 to index
        %get3A_1824 = arith.constant 0 : index
        %get3A_1825 = tpu.vector_load %arg19[%get3A_1823, %get3A_1824] {strides = array<i32>} : memref<3200x16xf32, #tpu.memory_space<vmem>>, vector<16xf32>,
        %add3A_1826 = arith.addf %add3A_1814, %get3A_1825 : vector<16xf32>
        %mul3A_1827 = arith.constant 20 : i32
        %mul3A_1828 = arith.muli %scan3A_698, %mul3A_1827 : i32
        %add3A_1829 = arith.constant 17 : i32
        %add3A_1830 = arith.addi %mul3A_1828, %add3A_1829 : i32
        %mul3A_1831 = arith.constant 5 : i32
        %mul3A_1832 = arith.muli %add3A_1830, %mul3A_1831 : i32
        %add3A_1833 = arith.constant 1 : i32
        %add3A_1834 = arith.addi %mul3A_1832, %add3A_1833 : i32
        %get3A_1835 = arith.index_cast %add3A_1834 : i32 to index
        %get3A_1836 = arith.constant 0 : index
        %get3A_1837 = tpu.vector_load %arg19[%get3A_1835, %get3A_1836] {strides = array<i32>} : memref<3200x16xf32, #tpu.memory_space<vmem>>, vector<16xf32>,
        %add3A_1838 = arith.addf %add3A_1826, %get3A_1837 : vector<16xf32>
        %mul3A_1839 = arith.constant 20 : i32
        %mul3A_1840 = arith.muli %scan3A_698, %mul3A_1839 : i32
        %add3A_1841 = arith.constant 18 : i32
        %add3A_1842 = arith.addi %mul3A_1840, %add3A_1841 : i32
        %mul3A_1843 = arith.constant 5 : i32
        %mul3A_1844 = arith.muli %add3A_1842, %mul3A_1843 : i32
        %add3A_1845 = arith.constant 1 : i32
        %add3A_1846 = arith.addi %mul3A_1844, %add3A_1845 : i32
        %get3A_1847 = arith.index_cast %add3A_1846 : i32 to index
        %get3A_1848 = arith.constant 0 : index
        %get3A_1849 = tpu.vector_load %arg19[%get3A_1847, %get3A_1848] {strides = array<i32>} : memref<3200x16xf32, #tpu.memory_space<vmem>>, vector<16xf32>,
        %add3A_1850 = arith.addf %add3A_1838, %get3A_1849 : vector<16xf32>
        %mul3A_1851 = arith.constant 20 : i32
        %mul3A_1852 = arith.muli %scan3A_698, %mul3A_1851 : i32
        %add3A_1853 = arith.constant 19 : i32
        %add3A_1854 = arith.addi %mul3A_1852, %add3A_1853 : i32
        %mul3A_1855 = arith.constant 5 : i32
        %mul3A_1856 = arith.muli %add3A_1854, %mul3A_1855 : i32
        %add3A_1857 = arith.constant 1 : i32
        %add3A_1858 = arith.addi %mul3A_1856, %add3A_1857 : i32
        %get3A_1859 = arith.index_cast %add3A_1858 : i32 to index
        %get3A_1860 = arith.constant 0 : index
        %get3A_1861 = tpu.vector_load %arg19[%get3A_1859, %get3A_1860] {strides = array<i32>} : memref<3200x16xf32, #tpu.memory_space<vmem>>, vector<16xf32>,
        %add3A_1862 = arith.addf %add3A_1850, %get3A_1861 : vector<16xf32>
        %add3A_1863 = arith.addf %add3A_1608, %mul3A_1620 : vector<16xf32>
        %mul3A_1864 = arith.mulf %add3A_1862, %get3A_1612 : vector<16xf32>
        %add3A_1865 = arith.addf %add3A_1610, %mul3A_1864 : vector<16xf32>
        %get3A_1866 = arith.constant 32 : index
        %get3A_1867 = tpu.vector_load %arg21[%get3A_1866] {strides = array<i32>} : memref<80xf32, #tpu.memory_space<vmem>>, vector<16xf32>,
        %mul3A_1868 = arith.constant 5 : i32
        %mul3A_1869 = arith.muli %mul3A_1868, %scan3A_698 : i32
        %add3A_1870 = arith.constant 2 : i32
        %add3A_1871 = arith.addi %mul3A_1869, %add3A_1870 : i32
        %get3A_1872 = arith.index_cast %add3A_1871 : i32 to index
        %get3A_1873 = arith.constant 0 : index
        %get3A_1874 = tpu.vector_load %arg18[%get3A_1872, %get3A_1873] {strides = array<i32>} : memref<160x16xf32, #tpu.memory_space<vmem>>, vector<16xf32>,
        %mul3A_1875 = arith.mulf %get3A_1874, %get3A_1867 : vector<16xf32>
        %broadcast_in_dim3A_1876 = arith.constant 0.000000e+00 : f32
        %broadcast_in_dim3A_1877 = vector.broadcast %broadcast_in_dim3A_1876 : f32 to vector<16xf32>
        %mul3A_1878 = arith.constant 20 : i32
        %mul3A_1879 = arith.muli %scan3A_698, %mul3A_1878 : i32
        %add3A_1880 = arith.constant 0 : i32
        %add3A_1881 = arith.addi %mul3A_1879, %add3A_1880 : i32
        %mul3A_1882 = arith.constant 5 : i32
        %mul3A_1883 = arith.muli %add3A_1881, %mul3A_1882 : i32
        %add3A_1884 = arith.constant 2 : i32
        %add3A_1885 = arith.addi %mul3A_1883, %add3A_1884 : i32
        %get3A_1886 = arith.index_cast %add3A_1885 : i32 to index
        %get3A_1887 = arith.constant 0 : index
        %get3A_1888 = tpu.vector_load %arg19[%get3A_1886, %get3A_1887] {strides = array<i32>} : memref<3200x16xf32, #tpu.memory_space<vmem>>, vector<16xf32>,
        %add3A_1889 = arith.addf %broadcast_in_dim3A_1877, %get3A_1888 : vector<16xf32>
        %mul3A_1890 = arith.constant 20 : i32
        %mul3A_1891 = arith.muli %scan3A_698, %mul3A_1890 : i32
        %add3A_1892 = arith.constant 1 : i32
        %add3A_1893 = arith.addi %mul3A_1891, %add3A_1892 : i32
        %mul3A_1894 = arith.constant 5 : i32
        %mul3A_1895 = arith.muli %add3A_1893, %mul3A_1894 : i32
        %add3A_1896 = arith.constant 2 : i32
        %add3A_1897 = arith.addi %mul3A_1895, %add3A_1896 : i32
        %get3A_1898 = arith.index_cast %add3A_1897 : i32 to index
        %get3A_1899 = arith.constant 0 : index
        %get3A_1900 = tpu.vector_load %arg19[%get3A_1898, %get3A_1899] {strides = array<i32>} : memref<3200x16xf32, #tpu.memory_space<vmem>>, vector<16xf32>,
        %add3A_1901 = arith.addf %add3A_1889, %get3A_1900 : vector<16xf32>
        %mul3A_1902 = arith.constant 20 : i32
        %mul3A_1903 = arith.muli %scan3A_698, %mul3A_1902 : i32
        %add3A_1904 = arith.constant 2 : i32
        %add3A_1905 = arith.addi %mul3A_1903, %add3A_1904 : i32
        %mul3A_1906 = arith.constant 5 : i32
        %mul3A_1907 = arith.muli %add3A_1905, %mul3A_1906 : i32
        %add3A_1908 = arith.constant 2 : i32
        %add3A_1909 = arith.addi %mul3A_1907, %add3A_1908 : i32
        %get3A_1910 = arith.index_cast %add3A_1909 : i32 to index
        %get3A_1911 = arith.constant 0 : index
        %get3A_1912 = tpu.vector_load %arg19[%get3A_1910, %get3A_1911] {strides = array<i32>} : memref<3200x16xf32, #tpu.memory_space<vmem>>, vector<16xf32>,
        %add3A_1913 = arith.addf %add3A_1901, %get3A_1912 : vector<16xf32>
        %mul3A_1914 = arith.constant 20 : i32
        %mul3A_1915 = arith.muli %scan3A_698, %mul3A_1914 : i32
        %add3A_1916 = arith.constant 3 : i32
        %add3A_1917 = arith.addi %mul3A_1915, %add3A_1916 : i32
        %mul3A_1918 = arith.constant 5 : i32
        %mul3A_1919 = arith.muli %add3A_1917, %mul3A_1918 : i32
        %add3A_1920 = arith.constant 2 : i32
        %add3A_1921 = arith.addi %mul3A_1919, %add3A_1920 : i32
        %get3A_1922 = arith.index_cast %add3A_1921 : i32 to index
        %get3A_1923 = arith.constant 0 : index
        %get3A_1924 = tpu.vector_load %arg19[%get3A_1922, %get3A_1923] {strides = array<i32>} : memref<3200x16xf32, #tpu.memory_space<vmem>>, vector<16xf32>,
        %add3A_1925 = arith.addf %add3A_1913, %get3A_1924 : vector<16xf32>
        %mul3A_1926 = arith.constant 20 : i32
        %mul3A_1927 = arith.muli %scan3A_698, %mul3A_1926 : i32
        %add3A_1928 = arith.constant 4 : i32
        %add3A_1929 = arith.addi %mul3A_1927, %add3A_1928 : i32
        %mul3A_1930 = arith.constant 5 : i32
        %mul3A_1931 = arith.muli %add3A_1929, %mul3A_1930 : i32
        %add3A_1932 = arith.constant 2 : i32
        %add3A_1933 = arith.addi %mul3A_1931, %add3A_1932 : i32
        %get3A_1934 = arith.index_cast %add3A_1933 : i32 to index
        %get3A_1935 = arith.constant 0 : index
        %get3A_1936 = tpu.vector_load %arg19[%get3A_1934, %get3A_1935] {strides = array<i32>} : memref<3200x16xf32, #tpu.memory_space<vmem>>, vector<16xf32>,
        %add3A_1937 = arith.addf %add3A_1925, %get3A_1936 : vector<16xf32>
        %mul3A_1938 = arith.constant 20 : i32
        %mul3A_1939 = arith.muli %scan3A_698, %mul3A_1938 : i32
        %add3A_1940 = arith.constant 5 : i32
        %add3A_1941 = arith.addi %mul3A_1939, %add3A_1940 : i32
        %mul3A_1942 = arith.constant 5 : i32
        %mul3A_1943 = arith.muli %add3A_1941, %mul3A_1942 : i32
        %add3A_1944 = arith.constant 2 : i32
        %add3A_1945 = arith.addi %mul3A_1943, %add3A_1944 : i32
        %get3A_1946 = arith.index_cast %add3A_1945 : i32 to index
        %get3A_1947 = arith.constant 0 : index
        %get3A_1948 = tpu.vector_load %arg19[%get3A_1946, %get3A_1947] {strides = array<i32>} : memref<3200x16xf32, #tpu.memory_space<vmem>>, vector<16xf32>,
        %add3A_1949 = arith.addf %add3A_1937, %get3A_1948 : vector<16xf32>
        %mul3A_1950 = arith.constant 20 : i32
        %mul3A_1951 = arith.muli %scan3A_698, %mul3A_1950 : i32
        %add3A_1952 = arith.constant 6 : i32
        %add3A_1953 = arith.addi %mul3A_1951, %add3A_1952 : i32
        %mul3A_1954 = arith.constant 5 : i32
        %mul3A_1955 = arith.muli %add3A_1953, %mul3A_1954 : i32
        %add3A_1956 = arith.constant 2 : i32
        %add3A_1957 = arith.addi %mul3A_1955, %add3A_1956 : i32
        %get3A_1958 = arith.index_cast %add3A_1957 : i32 to index
        %get3A_1959 = arith.constant 0 : index
        %get3A_1960 = tpu.vector_load %arg19[%get3A_1958, %get3A_1959] {strides = array<i32>} : memref<3200x16xf32, #tpu.memory_space<vmem>>, vector<16xf32>,
        %add3A_1961 = arith.addf %add3A_1949, %get3A_1960 : vector<16xf32>
        %mul3A_1962 = arith.constant 20 : i32
        %mul3A_1963 = arith.muli %scan3A_698, %mul3A_1962 : i32
        %add3A_1964 = arith.constant 7 : i32
        %add3A_1965 = arith.addi %mul3A_1963, %add3A_1964 : i32
        %mul3A_1966 = arith.constant 5 : i32
        %mul3A_1967 = arith.muli %add3A_1965, %mul3A_1966 : i32
        %add3A_1968 = arith.constant 2 : i32
        %add3A_1969 = arith.addi %mul3A_1967, %add3A_1968 : i32
        %get3A_1970 = arith.index_cast %add3A_1969 : i32 to index
        %get3A_1971 = arith.constant 0 : index
        %get3A_1972 = tpu.vector_load %arg19[%get3A_1970, %get3A_1971] {strides = array<i32>} : memref<3200x16xf32, #tpu.memory_space<vmem>>, vector<16xf32>,
        %add3A_1973 = arith.addf %add3A_1961, %get3A_1972 : vector<16xf32>
        %mul3A_1974 = arith.constant 20 : i32
        %mul3A_1975 = arith.muli %scan3A_698, %mul3A_1974 : i32
        %add3A_1976 = arith.constant 8 : i32
        %add3A_1977 = arith.addi %mul3A_1975, %add3A_1976 : i32
        %mul3A_1978 = arith.constant 5 : i32
        %mul3A_1979 = arith.muli %add3A_1977, %mul3A_1978 : i32
        %add3A_1980 = arith.constant 2 : i32
        %add3A_1981 = arith.addi %mul3A_1979, %add3A_1980 : i32
        %get3A_1982 = arith.index_cast %add3A_1981 : i32 to index
        %get3A_1983 = arith.constant 0 : index
        %get3A_1984 = tpu.vector_load %arg19[%get3A_1982, %get3A_1983] {strides = array<i32>} : memref<3200x16xf32, #tpu.memory_space<vmem>>, vector<16xf32>,
        %add3A_1985 = arith.addf %add3A_1973, %get3A_1984 : vector<16xf32>
        %mul3A_1986 = arith.constant 20 : i32
        %mul3A_1987 = arith.muli %scan3A_698, %mul3A_1986 : i32
        %add3A_1988 = arith.constant 9 : i32
        %add3A_1989 = arith.addi %mul3A_1987, %add3A_1988 : i32
        %mul3A_1990 = arith.constant 5 : i32
        %mul3A_1991 = arith.muli %add3A_1989, %mul3A_1990 : i32
        %add3A_1992 = arith.constant 2 : i32
        %add3A_1993 = arith.addi %mul3A_1991, %add3A_1992 : i32
        %get3A_1994 = arith.index_cast %add3A_1993 : i32 to index
        %get3A_1995 = arith.constant 0 : index
        %get3A_1996 = tpu.vector_load %arg19[%get3A_1994, %get3A_1995] {strides = array<i32>} : memref<3200x16xf32, #tpu.memory_space<vmem>>, vector<16xf32>,
        %add3A_1997 = arith.addf %add3A_1985, %get3A_1996 : vector<16xf32>
        %mul3A_1998 = arith.constant 20 : i32
        %mul3A_1999 = arith.muli %scan3A_698, %mul3A_1998 : i32
        %add3A_2000 = arith.constant 10 : i32
        %add3A_2001 = arith.addi %mul3A_1999, %add3A_2000 : i32
        %mul3A_2002 = arith.constant 5 : i32
        %mul3A_2003 = arith.muli %add3A_2001, %mul3A_2002 : i32
        %add3A_2004 = arith.constant 2 : i32
        %add3A_2005 = arith.addi %mul3A_2003, %add3A_2004 : i32
        %get3A_2006 = arith.index_cast %add3A_2005 : i32 to index
        %get3A_2007 = arith.constant 0 : index
        %get3A_2008 = tpu.vector_load %arg19[%get3A_2006, %get3A_2007] {strides = array<i32>} : memref<3200x16xf32, #tpu.memory_space<vmem>>, vector<16xf32>,
        %add3A_2009 = arith.addf %add3A_1997, %get3A_2008 : vector<16xf32>
        %mul3A_2010 = arith.constant 20 : i32
        %mul3A_2011 = arith.muli %scan3A_698, %mul3A_2010 : i32
        %add3A_2012 = arith.constant 11 : i32
        %add3A_2013 = arith.addi %mul3A_2011, %add3A_2012 : i32
        %mul3A_2014 = arith.constant 5 : i32
        %mul3A_2015 = arith.muli %add3A_2013, %mul3A_2014 : i32
        %add3A_2016 = arith.constant 2 : i32
        %add3A_2017 = arith.addi %mul3A_2015, %add3A_2016 : i32
        %get3A_2018 = arith.index_cast %add3A_2017 : i32 to index
        %get3A_2019 = arith.constant 0 : index
        %get3A_2020 = tpu.vector_load %arg19[%get3A_2018, %get3A_2019] {strides = array<i32>} : memref<3200x16xf32, #tpu.memory_space<vmem>>, vector<16xf32>,
        %add3A_2021 = arith.addf %add3A_2009, %get3A_2020 : vector<16xf32>
        %mul3A_2022 = arith.constant 20 : i32
        %mul3A_2023 = arith.muli %scan3A_698, %mul3A_2022 : i32
        %add3A_2024 = arith.constant 12 : i32
        %add3A_2025 = arith.addi %mul3A_2023, %add3A_2024 : i32
        %mul3A_2026 = arith.constant 5 : i32
        %mul3A_2027 = arith.muli %add3A_2025, %mul3A_2026 : i32
        %add3A_2028 = arith.constant 2 : i32
        %add3A_2029 = arith.addi %mul3A_2027, %add3A_2028 : i32
        %get3A_2030 = arith.index_cast %add3A_2029 : i32 to index
        %get3A_2031 = arith.constant 0 : index
        %get3A_2032 = tpu.vector_load %arg19[%get3A_2030, %get3A_2031] {strides = array<i32>} : memref<3200x16xf32, #tpu.memory_space<vmem>>, vector<16xf32>,
        %add3A_2033 = arith.addf %add3A_2021, %get3A_2032 : vector<16xf32>
        %mul3A_2034 = arith.constant 20 : i32
        %mul3A_2035 = arith.muli %scan3A_698, %mul3A_2034 : i32
        %add3A_2036 = arith.constant 13 : i32
        %add3A_2037 = arith.addi %mul3A_2035, %add3A_2036 : i32
        %mul3A_2038 = arith.constant 5 : i32
        %mul3A_2039 = arith.muli %add3A_2037, %mul3A_2038 : i32
        %add3A_2040 = arith.constant 2 : i32
        %add3A_2041 = arith.addi %mul3A_2039, %add3A_2040 : i32
        %get3A_2042 = arith.index_cast %add3A_2041 : i32 to index
        %get3A_2043 = arith.constant 0 : index
        %get3A_2044 = tpu.vector_load %arg19[%get3A_2042, %get3A_2043] {strides = array<i32>} : memref<3200x16xf32, #tpu.memory_space<vmem>>, vector<16xf32>,
        %add3A_2045 = arith.addf %add3A_2033, %get3A_2044 : vector<16xf32>
        %mul3A_2046 = arith.constant 20 : i32
        %mul3A_2047 = arith.muli %scan3A_698, %mul3A_2046 : i32
        %add3A_2048 = arith.constant 14 : i32
        %add3A_2049 = arith.addi %mul3A_2047, %add3A_2048 : i32
        %mul3A_2050 = arith.constant 5 : i32
        %mul3A_2051 = arith.muli %add3A_2049, %mul3A_2050 : i32
        %add3A_2052 = arith.constant 2 : i32
        %add3A_2053 = arith.addi %mul3A_2051, %add3A_2052 : i32
        %get3A_2054 = arith.index_cast %add3A_2053 : i32 to index
        %get3A_2055 = arith.constant 0 : index
        %get3A_2056 = tpu.vector_load %arg19[%get3A_2054, %get3A_2055] {strides = array<i32>} : memref<3200x16xf32, #tpu.memory_space<vmem>>, vector<16xf32>,
        %add3A_2057 = arith.addf %add3A_2045, %get3A_2056 : vector<16xf32>
        %mul3A_2058 = arith.constant 20 : i32
        %mul3A_2059 = arith.muli %scan3A_698, %mul3A_2058 : i32
        %add3A_2060 = arith.constant 15 : i32
        %add3A_2061 = arith.addi %mul3A_2059, %add3A_2060 : i32
        %mul3A_2062 = arith.constant 5 : i32
        %mul3A_2063 = arith.muli %add3A_2061, %mul3A_2062 : i32
        %add3A_2064 = arith.constant 2 : i32
        %add3A_2065 = arith.addi %mul3A_2063, %add3A_2064 : i32
        %get3A_2066 = arith.index_cast %add3A_2065 : i32 to index
        %get3A_2067 = arith.constant 0 : index
        %get3A_2068 = tpu.vector_load %arg19[%get3A_2066, %get3A_2067] {strides = array<i32>} : memref<3200x16xf32, #tpu.memory_space<vmem>>, vector<16xf32>,
        %add3A_2069 = arith.addf %add3A_2057, %get3A_2068 : vector<16xf32>
        %mul3A_2070 = arith.constant 20 : i32
        %mul3A_2071 = arith.muli %scan3A_698, %mul3A_2070 : i32
        %add3A_2072 = arith.constant 16 : i32
        %add3A_2073 = arith.addi %mul3A_2071, %add3A_2072 : i32
        %mul3A_2074 = arith.constant 5 : i32
        %mul3A_2075 = arith.muli %add3A_2073, %mul3A_2074 : i32
        %add3A_2076 = arith.constant 2 : i32
        %add3A_2077 = arith.addi %mul3A_2075, %add3A_2076 : i32
        %get3A_2078 = arith.index_cast %add3A_2077 : i32 to index
        %get3A_2079 = arith.constant 0 : index
        %get3A_2080 = tpu.vector_load %arg19[%get3A_2078, %get3A_2079] {strides = array<i32>} : memref<3200x16xf32, #tpu.memory_space<vmem>>, vector<16xf32>,
        %add3A_2081 = arith.addf %add3A_2069, %get3A_2080 : vector<16xf32>
        %mul3A_2082 = arith.constant 20 : i32
        %mul3A_2083 = arith.muli %scan3A_698, %mul3A_2082 : i32
        %add3A_2084 = arith.constant 17 : i32
        %add3A_2085 = arith.addi %mul3A_2083, %add3A_2084 : i32
        %mul3A_2086 = arith.constant 5 : i32
        %mul3A_2087 = arith.muli %add3A_2085, %mul3A_2086 : i32
        %add3A_2088 = arith.constant 2 : i32
        %add3A_2089 = arith.addi %mul3A_2087, %add3A_2088 : i32
        %get3A_2090 = arith.index_cast %add3A_2089 : i32 to index
        %get3A_2091 = arith.constant 0 : index
        %get3A_2092 = tpu.vector_load %arg19[%get3A_2090, %get3A_2091] {strides = array<i32>} : memref<3200x16xf32, #tpu.memory_space<vmem>>, vector<16xf32>,
        %add3A_2093 = arith.addf %add3A_2081, %get3A_2092 : vector<16xf32>
        %mul3A_2094 = arith.constant 20 : i32
        %mul3A_2095 = arith.muli %scan3A_698, %mul3A_2094 : i32
        %add3A_2096 = arith.constant 18 : i32
        %add3A_2097 = arith.addi %mul3A_2095, %add3A_2096 : i32
        %mul3A_2098 = arith.constant 5 : i32
        %mul3A_2099 = arith.muli %add3A_2097, %mul3A_2098 : i32
        %add3A_2100 = arith.constant 2 : i32
        %add3A_2101 = arith.addi %mul3A_2099, %add3A_2100 : i32
        %get3A_2102 = arith.index_cast %add3A_2101 : i32 to index
        %get3A_2103 = arith.constant 0 : index
        %get3A_2104 = tpu.vector_load %arg19[%get3A_2102, %get3A_2103] {strides = array<i32>} : memref<3200x16xf32, #tpu.memory_space<vmem>>, vector<16xf32>,
        %add3A_2105 = arith.addf %add3A_2093, %get3A_2104 : vector<16xf32>
        %mul3A_2106 = arith.constant 20 : i32
        %mul3A_2107 = arith.muli %scan3A_698, %mul3A_2106 : i32
        %add3A_2108 = arith.constant 19 : i32
        %add3A_2109 = arith.addi %mul3A_2107, %add3A_2108 : i32
        %mul3A_2110 = arith.constant 5 : i32
        %mul3A_2111 = arith.muli %add3A_2109, %mul3A_2110 : i32
        %add3A_2112 = arith.constant 2 : i32
        %add3A_2113 = arith.addi %mul3A_2111, %add3A_2112 : i32
        %get3A_2114 = arith.index_cast %add3A_2113 : i32 to index
        %get3A_2115 = arith.constant 0 : index
        %get3A_2116 = tpu.vector_load %arg19[%get3A_2114, %get3A_2115] {strides = array<i32>} : memref<3200x16xf32, #tpu.memory_space<vmem>>, vector<16xf32>,
        %add3A_2117 = arith.addf %add3A_2105, %get3A_2116 : vector<16xf32>
        %add3A_2118 = arith.addf %add3A_1863, %mul3A_1875 : vector<16xf32>
        %mul3A_2119 = arith.mulf %add3A_2117, %get3A_1867 : vector<16xf32>
        %add3A_2120 = arith.addf %add3A_1865, %mul3A_2119 : vector<16xf32>
        %get3A_2121 = arith.constant 48 : index
        %get3A_2122 = tpu.vector_load %arg21[%get3A_2121] {strides = array<i32>} : memref<80xf32, #tpu.memory_space<vmem>>, vector<16xf32>,
        %mul3A_2123 = arith.constant 5 : i32
        %mul3A_2124 = arith.muli %mul3A_2123, %scan3A_698 : i32
        %add3A_2125 = arith.constant 3 : i32
        %add3A_2126 = arith.addi %mul3A_2124, %add3A_2125 : i32
        %get3A_2127 = arith.index_cast %add3A_2126 : i32 to index
        %get3A_2128 = arith.constant 0 : index
        %get3A_2129 = tpu.vector_load %arg18[%get3A_2127, %get3A_2128] {strides = array<i32>} : memref<160x16xf32, #tpu.memory_space<vmem>>, vector<16xf32>,
        %mul3A_2130 = arith.mulf %get3A_2129, %get3A_2122 : vector<16xf32>
        %broadcast_in_dim3A_2131 = arith.constant 0.000000e+00 : f32
        %broadcast_in_dim3A_2132 = vector.broadcast %broadcast_in_dim3A_2131 : f32 to vector<16xf32>
        %mul3A_2133 = arith.constant 20 : i32
        %mul3A_2134 = arith.muli %scan3A_698, %mul3A_2133 : i32
        %add3A_2135 = arith.constant 0 : i32
        %add3A_2136 = arith.addi %mul3A_2134, %add3A_2135 : i32
        %mul3A_2137 = arith.constant 5 : i32
        %mul3A_2138 = arith.muli %add3A_2136, %mul3A_2137 : i32
        %add3A_2139 = arith.constant 3 : i32
        %add3A_2140 = arith.addi %mul3A_2138, %add3A_2139 : i32
        %get3A_2141 = arith.index_cast %add3A_2140 : i32 to index
        %get3A_2142 = arith.constant 0 : index
        %get3A_2143 = tpu.vector_load %arg19[%get3A_2141, %get3A_2142] {strides = array<i32>} : memref<3200x16xf32, #tpu.memory_space<vmem>>, vector<16xf32>,
        %add3A_2144 = arith.addf %broadcast_in_dim3A_2132, %get3A_2143 : vector<16xf32>
        %mul3A_2145 = arith.constant 20 : i32
        %mul3A_2146 = arith.muli %scan3A_698, %mul3A_2145 : i32
        %add3A_2147 = arith.constant 1 : i32
        %add3A_2148 = arith.addi %mul3A_2146, %add3A_2147 : i32
        %mul3A_2149 = arith.constant 5 : i32
        %mul3A_2150 = arith.muli %add3A_2148, %mul3A_2149 : i32
        %add3A_2151 = arith.constant 3 : i32
        %add3A_2152 = arith.addi %mul3A_2150, %add3A_2151 : i32
        %get3A_2153 = arith.index_cast %add3A_2152 : i32 to index
        %get3A_2154 = arith.constant 0 : index
        %get3A_2155 = tpu.vector_load %arg19[%get3A_2153, %get3A_2154] {strides = array<i32>} : memref<3200x16xf32, #tpu.memory_space<vmem>>, vector<16xf32>,
        %add3A_2156 = arith.addf %add3A_2144, %get3A_2155 : vector<16xf32>
        %mul3A_2157 = arith.constant 20 : i32
        %mul3A_2158 = arith.muli %scan3A_698, %mul3A_2157 : i32
        %add3A_2159 = arith.constant 2 : i32
        %add3A_2160 = arith.addi %mul3A_2158, %add3A_2159 : i32
        %mul3A_2161 = arith.constant 5 : i32
        %mul3A_2162 = arith.muli %add3A_2160, %mul3A_2161 : i32
        %add3A_2163 = arith.constant 3 : i32
        %add3A_2164 = arith.addi %mul3A_2162, %add3A_2163 : i32
        %get3A_2165 = arith.index_cast %add3A_2164 : i32 to index
        %get3A_2166 = arith.constant 0 : index
        %get3A_2167 = tpu.vector_load %arg19[%get3A_2165, %get3A_2166] {strides = array<i32>} : memref<3200x16xf32, #tpu.memory_space<vmem>>, vector<16xf32>,
        %add3A_2168 = arith.addf %add3A_2156, %get3A_2167 : vector<16xf32>
        %mul3A_2169 = arith.constant 20 : i32
        %mul3A_2170 = arith.muli %scan3A_698, %mul3A_2169 : i32
        %add3A_2171 = arith.constant 3 : i32
        %add3A_2172 = arith.addi %mul3A_2170, %add3A_2171 : i32
        %mul3A_2173 = arith.constant 5 : i32
        %mul3A_2174 = arith.muli %add3A_2172, %mul3A_2173 : i32
        %add3A_2175 = arith.constant 3 : i32
        %add3A_2176 = arith.addi %mul3A_2174, %add3A_2175 : i32
        %get3A_2177 = arith.index_cast %add3A_2176 : i32 to index
        %get3A_2178 = arith.constant 0 : index
        %get3A_2179 = tpu.vector_load %arg19[%get3A_2177, %get3A_2178] {strides = array<i32>} : memref<3200x16xf32, #tpu.memory_space<vmem>>, vector<16xf32>,
        %add3A_2180 = arith.addf %add3A_2168, %get3A_2179 : vector<16xf32>
        %mul3A_2181 = arith.constant 20 : i32
        %mul3A_2182 = arith.muli %scan3A_698, %mul3A_2181 : i32
        %add3A_2183 = arith.constant 4 : i32
        %add3A_2184 = arith.addi %mul3A_2182, %add3A_2183 : i32
        %mul3A_2185 = arith.constant 5 : i32
        %mul3A_2186 = arith.muli %add3A_2184, %mul3A_2185 : i32
        %add3A_2187 = arith.constant 3 : i32
        %add3A_2188 = arith.addi %mul3A_2186, %add3A_2187 : i32
        %get3A_2189 = arith.index_cast %add3A_2188 : i32 to index
        %get3A_2190 = arith.constant 0 : index
        %get3A_2191 = tpu.vector_load %arg19[%get3A_2189, %get3A_2190] {strides = array<i32>} : memref<3200x16xf32, #tpu.memory_space<vmem>>, vector<16xf32>,
        %add3A_2192 = arith.addf %add3A_2180, %get3A_2191 : vector<16xf32>
        %mul3A_2193 = arith.constant 20 : i32
        %mul3A_2194 = arith.muli %scan3A_698, %mul3A_2193 : i32
        %add3A_2195 = arith.constant 5 : i32
        %add3A_2196 = arith.addi %mul3A_2194, %add3A_2195 : i32
        %mul3A_2197 = arith.constant 5 : i32
        %mul3A_2198 = arith.muli %add3A_2196, %mul3A_2197 : i32
        %add3A_2199 = arith.constant 3 : i32
        %add3A_2200 = arith.addi %mul3A_2198, %add3A_2199 : i32
        %get3A_2201 = arith.index_cast %add3A_2200 : i32 to index
        %get3A_2202 = arith.constant 0 : index
        %get3A_2203 = tpu.vector_load %arg19[%get3A_2201, %get3A_2202] {strides = array<i32>} : memref<3200x16xf32, #tpu.memory_space<vmem>>, vector<16xf32>,
        %add3A_2204 = arith.addf %add3A_2192, %get3A_2203 : vector<16xf32>
        %mul3A_2205 = arith.constant 20 : i32
        %mul3A_2206 = arith.muli %scan3A_698, %mul3A_2205 : i32
        %add3A_2207 = arith.constant 6 : i32
        %add3A_2208 = arith.addi %mul3A_2206, %add3A_2207 : i32
        %mul3A_2209 = arith.constant 5 : i32
        %mul3A_2210 = arith.muli %add3A_2208, %mul3A_2209 : i32
        %add3A_2211 = arith.constant 3 : i32
        %add3A_2212 = arith.addi %mul3A_2210, %add3A_2211 : i32
        %get3A_2213 = arith.index_cast %add3A_2212 : i32 to index
        %get3A_2214 = arith.constant 0 : index
        %get3A_2215 = tpu.vector_load %arg19[%get3A_2213, %get3A_2214] {strides = array<i32>} : memref<3200x16xf32, #tpu.memory_space<vmem>>, vector<16xf32>,
        %add3A_2216 = arith.addf %add3A_2204, %get3A_2215 : vector<16xf32>
        %mul3A_2217 = arith.constant 20 : i32
        %mul3A_2218 = arith.muli %scan3A_698, %mul3A_2217 : i32
        %add3A_2219 = arith.constant 7 : i32
        %add3A_2220 = arith.addi %mul3A_2218, %add3A_2219 : i32
        %mul3A_2221 = arith.constant 5 : i32
        %mul3A_2222 = arith.muli %add3A_2220, %mul3A_2221 : i32
        %add3A_2223 = arith.constant 3 : i32
        %add3A_2224 = arith.addi %mul3A_2222, %add3A_2223 : i32
        %get3A_2225 = arith.index_cast %add3A_2224 : i32 to index
        %get3A_2226 = arith.constant 0 : index
        %get3A_2227 = tpu.vector_load %arg19[%get3A_2225, %get3A_2226] {strides = array<i32>} : memref<3200x16xf32, #tpu.memory_space<vmem>>, vector<16xf32>,
        %add3A_2228 = arith.addf %add3A_2216, %get3A_2227 : vector<16xf32>
        %mul3A_2229 = arith.constant 20 : i32
        %mul3A_2230 = arith.muli %scan3A_698, %mul3A_2229 : i32
        %add3A_2231 = arith.constant 8 : i32
        %add3A_2232 = arith.addi %mul3A_2230, %add3A_2231 : i32
        %mul3A_2233 = arith.constant 5 : i32
        %mul3A_2234 = arith.muli %add3A_2232, %mul3A_2233 : i32
        %add3A_2235 = arith.constant 3 : i32
        %add3A_2236 = arith.addi %mul3A_2234, %add3A_2235 : i32
        %get3A_2237 = arith.index_cast %add3A_2236 : i32 to index
        %get3A_2238 = arith.constant 0 : index
        %get3A_2239 = tpu.vector_load %arg19[%get3A_2237, %get3A_2238] {strides = array<i32>} : memref<3200x16xf32, #tpu.memory_space<vmem>>, vector<16xf32>,
        %add3A_2240 = arith.addf %add3A_2228, %get3A_2239 : vector<16xf32>
        %mul3A_2241 = arith.constant 20 : i32
        %mul3A_2242 = arith.muli %scan3A_698, %mul3A_2241 : i32
        %add3A_2243 = arith.constant 9 : i32
        %add3A_2244 = arith.addi %mul3A_2242, %add3A_2243 : i32
        %mul3A_2245 = arith.constant 5 : i32
        %mul3A_2246 = arith.muli %add3A_2244, %mul3A_2245 : i32
        %add3A_2247 = arith.constant 3 : i32
        %add3A_2248 = arith.addi %mul3A_2246, %add3A_2247 : i32
        %get3A_2249 = arith.index_cast %add3A_2248 : i32 to index
        %get3A_2250 = arith.constant 0 : index
        %get3A_2251 = tpu.vector_load %arg19[%get3A_2249, %get3A_2250] {strides = array<i32>} : memref<3200x16xf32, #tpu.memory_space<vmem>>, vector<16xf32>,
        %add3A_2252 = arith.addf %add3A_2240, %get3A_2251 : vector<16xf32>
        %mul3A_2253 = arith.constant 20 : i32
        %mul3A_2254 = arith.muli %scan3A_698, %mul3A_2253 : i32
        %add3A_2255 = arith.constant 10 : i32
        %add3A_2256 = arith.addi %mul3A_2254, %add3A_2255 : i32
        %mul3A_2257 = arith.constant 5 : i32
        %mul3A_2258 = arith.muli %add3A_2256, %mul3A_2257 : i32
        %add3A_2259 = arith.constant 3 : i32
        %add3A_2260 = arith.addi %mul3A_2258, %add3A_2259 : i32
        %get3A_2261 = arith.index_cast %add3A_2260 : i32 to index
        %get3A_2262 = arith.constant 0 : index
        %get3A_2263 = tpu.vector_load %arg19[%get3A_2261, %get3A_2262] {strides = array<i32>} : memref<3200x16xf32, #tpu.memory_space<vmem>>, vector<16xf32>,
        %add3A_2264 = arith.addf %add3A_2252, %get3A_2263 : vector<16xf32>
        %mul3A_2265 = arith.constant 20 : i32
        %mul3A_2266 = arith.muli %scan3A_698, %mul3A_2265 : i32
        %add3A_2267 = arith.constant 11 : i32
        %add3A_2268 = arith.addi %mul3A_2266, %add3A_2267 : i32
        %mul3A_2269 = arith.constant 5 : i32
        %mul3A_2270 = arith.muli %add3A_2268, %mul3A_2269 : i32
        %add3A_2271 = arith.constant 3 : i32
        %add3A_2272 = arith.addi %mul3A_2270, %add3A_2271 : i32
        %get3A_2273 = arith.index_cast %add3A_2272 : i32 to index
        %get3A_2274 = arith.constant 0 : index
        %get3A_2275 = tpu.vector_load %arg19[%get3A_2273, %get3A_2274] {strides = array<i32>} : memref<3200x16xf32, #tpu.memory_space<vmem>>, vector<16xf32>,
        %add3A_2276 = arith.addf %add3A_2264, %get3A_2275 : vector<16xf32>
        %mul3A_2277 = arith.constant 20 : i32
        %mul3A_2278 = arith.muli %scan3A_698, %mul3A_2277 : i32
        %add3A_2279 = arith.constant 12 : i32
        %add3A_2280 = arith.addi %mul3A_2278, %add3A_2279 : i32
        %mul3A_2281 = arith.constant 5 : i32
        %mul3A_2282 = arith.muli %add3A_2280, %mul3A_2281 : i32
        %add3A_2283 = arith.constant 3 : i32
        %add3A_2284 = arith.addi %mul3A_2282, %add3A_2283 : i32
        %get3A_2285 = arith.index_cast %add3A_2284 : i32 to index
        %get3A_2286 = arith.constant 0 : index
        %get3A_2287 = tpu.vector_load %arg19[%get3A_2285, %get3A_2286] {strides = array<i32>} : memref<3200x16xf32, #tpu.memory_space<vmem>>, vector<16xf32>,
        %add3A_2288 = arith.addf %add3A_2276, %get3A_2287 : vector<16xf32>
        %mul3A_2289 = arith.constant 20 : i32
        %mul3A_2290 = arith.muli %scan3A_698, %mul3A_2289 : i32
        %add3A_2291 = arith.constant 13 : i32
        %add3A_2292 = arith.addi %mul3A_2290, %add3A_2291 : i32
        %mul3A_2293 = arith.constant 5 : i32
        %mul3A_2294 = arith.muli %add3A_2292, %mul3A_2293 : i32
        %add3A_2295 = arith.constant 3 : i32
        %add3A_2296 = arith.addi %mul3A_2294, %add3A_2295 : i32
        %get3A_2297 = arith.index_cast %add3A_2296 : i32 to index
        %get3A_2298 = arith.constant 0 : index
        %get3A_2299 = tpu.vector_load %arg19[%get3A_2297, %get3A_2298] {strides = array<i32>} : memref<3200x16xf32, #tpu.memory_space<vmem>>, vector<16xf32>,
        %add3A_2300 = arith.addf %add3A_2288, %get3A_2299 : vector<16xf32>
        %mul3A_2301 = arith.constant 20 : i32
        %mul3A_2302 = arith.muli %scan3A_698, %mul3A_2301 : i32
        %add3A_2303 = arith.constant 14 : i32
        %add3A_2304 = arith.addi %mul3A_2302, %add3A_2303 : i32
        %mul3A_2305 = arith.constant 5 : i32
        %mul3A_2306 = arith.muli %add3A_2304, %mul3A_2305 : i32
        %add3A_2307 = arith.constant 3 : i32
        %add3A_2308 = arith.addi %mul3A_2306, %add3A_2307 : i32
        %get3A_2309 = arith.index_cast %add3A_2308 : i32 to index
        %get3A_2310 = arith.constant 0 : index
        %get3A_2311 = tpu.vector_load %arg19[%get3A_2309, %get3A_2310] {strides = array<i32>} : memref<3200x16xf32, #tpu.memory_space<vmem>>, vector<16xf32>,
        %add3A_2312 = arith.addf %add3A_2300, %get3A_2311 : vector<16xf32>
        %mul3A_2313 = arith.constant 20 : i32
        %mul3A_2314 = arith.muli %scan3A_698, %mul3A_2313 : i32
        %add3A_2315 = arith.constant 15 : i32
        %add3A_2316 = arith.addi %mul3A_2314, %add3A_2315 : i32
        %mul3A_2317 = arith.constant 5 : i32
        %mul3A_2318 = arith.muli %add3A_2316, %mul3A_2317 : i32
        %add3A_2319 = arith.constant 3 : i32
        %add3A_2320 = arith.addi %mul3A_2318, %add3A_2319 : i32
        %get3A_2321 = arith.index_cast %add3A_2320 : i32 to index
        %get3A_2322 = arith.constant 0 : index
        %get3A_2323 = tpu.vector_load %arg19[%get3A_2321, %get3A_2322] {strides = array<i32>} : memref<3200x16xf32, #tpu.memory_space<vmem>>, vector<16xf32>,
        %add3A_2324 = arith.addf %add3A_2312, %get3A_2323 : vector<16xf32>
        %mul3A_2325 = arith.constant 20 : i32
        %mul3A_2326 = arith.muli %scan3A_698, %mul3A_2325 : i32
        %add3A_2327 = arith.constant 16 : i32
        %add3A_2328 = arith.addi %mul3A_2326, %add3A_2327 : i32
        %mul3A_2329 = arith.constant 5 : i32
        %mul3A_2330 = arith.muli %add3A_2328, %mul3A_2329 : i32
        %add3A_2331 = arith.constant 3 : i32
        %add3A_2332 = arith.addi %mul3A_2330, %add3A_2331 : i32
        %get3A_2333 = arith.index_cast %add3A_2332 : i32 to index
        %get3A_2334 = arith.constant 0 : index
        %get3A_2335 = tpu.vector_load %arg19[%get3A_2333, %get3A_2334] {strides = array<i32>} : memref<3200x16xf32, #tpu.memory_space<vmem>>, vector<16xf32>,
        %add3A_2336 = arith.addf %add3A_2324, %get3A_2335 : vector<16xf32>
        %mul3A_2337 = arith.constant 20 : i32
        %mul3A_2338 = arith.muli %scan3A_698, %mul3A_2337 : i32
        %add3A_2339 = arith.constant 17 : i32
        %add3A_2340 = arith.addi %mul3A_2338, %add3A_2339 : i32
        %mul3A_2341 = arith.constant 5 : i32
        %mul3A_2342 = arith.muli %add3A_2340, %mul3A_2341 : i32
        %add3A_2343 = arith.constant 3 : i32
        %add3A_2344 = arith.addi %mul3A_2342, %add3A_2343 : i32
        %get3A_2345 = arith.index_cast %add3A_2344 : i32 to index
        %get3A_2346 = arith.constant 0 : index
        %get3A_2347 = tpu.vector_load %arg19[%get3A_2345, %get3A_2346] {strides = array<i32>} : memref<3200x16xf32, #tpu.memory_space<vmem>>, vector<16xf32>,
        %add3A_2348 = arith.addf %add3A_2336, %get3A_2347 : vector<16xf32>
        %mul3A_2349 = arith.constant 20 : i32
        %mul3A_2350 = arith.muli %scan3A_698, %mul3A_2349 : i32
        %add3A_2351 = arith.constant 18 : i32
        %add3A_2352 = arith.addi %mul3A_2350, %add3A_2351 : i32
        %mul3A_2353 = arith.constant 5 : i32
        %mul3A_2354 = arith.muli %add3A_2352, %mul3A_2353 : i32
        %add3A_2355 = arith.constant 3 : i32
        %add3A_2356 = arith.addi %mul3A_2354, %add3A_2355 : i32
        %get3A_2357 = arith.index_cast %add3A_2356 : i32 to index
        %get3A_2358 = arith.constant 0 : index
        %get3A_2359 = tpu.vector_load %arg19[%get3A_2357, %get3A_2358] {strides = array<i32>} : memref<3200x16xf32, #tpu.memory_space<vmem>>, vector<16xf32>,
        %add3A_2360 = arith.addf %add3A_2348, %get3A_2359 : vector<16xf32>
        %mul3A_2361 = arith.constant 20 : i32
        %mul3A_2362 = arith.muli %scan3A_698, %mul3A_2361 : i32
        %add3A_2363 = arith.constant 19 : i32
        %add3A_2364 = arith.addi %mul3A_2362, %add3A_2363 : i32
        %mul3A_2365 = arith.constant 5 : i32
        %mul3A_2366 = arith.muli %add3A_2364, %mul3A_2365 : i32
        %add3A_2367 = arith.constant 3 : i32
        %add3A_2368 = arith.addi %mul3A_2366, %add3A_2367 : i32
        %get3A_2369 = arith.index_cast %add3A_2368 : i32 to index
        %get3A_2370 = arith.constant 0 : index
        %get3A_2371 = tpu.vector_load %arg19[%get3A_2369, %get3A_2370] {strides = array<i32>} : memref<3200x16xf32, #tpu.memory_space<vmem>>, vector<16xf32>,
        %add3A_2372 = arith.addf %add3A_2360, %get3A_2371 : vector<16xf32>
        %add3A_2373 = arith.addf %add3A_2118, %mul3A_2130 : vector<16xf32>
        %mul3A_2374 = arith.mulf %add3A_2372, %get3A_2122 : vector<16xf32>
        %add3A_2375 = arith.addf %add3A_2120, %mul3A_2374 : vector<16xf32>
        %get3A_2376 = arith.constant 64 : index
        %get3A_2377 = tpu.vector_load %arg21[%get3A_2376] {strides = array<i32>} : memref<80xf32, #tpu.memory_space<vmem>>, vector<16xf32>,
        %mul3A_2378 = arith.constant 5 : i32
        %mul3A_2379 = arith.muli %mul3A_2378, %scan3A_698 : i32
        %add3A_2380 = arith.constant 4 : i32
        %add3A_2381 = arith.addi %mul3A_2379, %add3A_2380 : i32
        %get3A_2382 = arith.index_cast %add3A_2381 : i32 to index
        %get3A_2383 = arith.constant 0 : index
        %get3A_2384 = tpu.vector_load %arg18[%get3A_2382, %get3A_2383] {strides = array<i32>} : memref<160x16xf32, #tpu.memory_space<vmem>>, vector<16xf32>,
        %mul3A_2385 = arith.mulf %get3A_2384, %get3A_2377 : vector<16xf32>
        %broadcast_in_dim3A_2386 = arith.constant 0.000000e+00 : f32
        %broadcast_in_dim3A_2387 = vector.broadcast %broadcast_in_dim3A_2386 : f32 to vector<16xf32>
        %mul3A_2388 = arith.constant 20 : i32
        %mul3A_2389 = arith.muli %scan3A_698, %mul3A_2388 : i32
        %add3A_2390 = arith.constant 0 : i32
        %add3A_2391 = arith.addi %mul3A_2389, %add3A_2390 : i32
        %mul3A_2392 = arith.constant 5 : i32
        %mul3A_2393 = arith.muli %add3A_2391, %mul3A_2392 : i32
        %add3A_2394 = arith.constant 4 : i32
        %add3A_2395 = arith.addi %mul3A_2393, %add3A_2394 : i32
        %get3A_2396 = arith.index_cast %add3A_2395 : i32 to index
        %get3A_2397 = arith.constant 0 : index
        %get3A_2398 = tpu.vector_load %arg19[%get3A_2396, %get3A_2397] {strides = array<i32>} : memref<3200x16xf32, #tpu.memory_space<vmem>>, vector<16xf32>,
        %add3A_2399 = arith.addf %broadcast_in_dim3A_2387, %get3A_2398 : vector<16xf32>
        %mul3A_2400 = arith.constant 20 : i32
        %mul3A_2401 = arith.muli %scan3A_698, %mul3A_2400 : i32
        %add3A_2402 = arith.constant 1 : i32
        %add3A_2403 = arith.addi %mul3A_2401, %add3A_2402 : i32
        %mul3A_2404 = arith.constant 5 : i32
        %mul3A_2405 = arith.muli %add3A_2403, %mul3A_2404 : i32
        %add3A_2406 = arith.constant 4 : i32
        %add3A_2407 = arith.addi %mul3A_2405, %add3A_2406 : i32
        %get3A_2408 = arith.index_cast %add3A_2407 : i32 to index
        %get3A_2409 = arith.constant 0 : index
        %get3A_2410 = tpu.vector_load %arg19[%get3A_2408, %get3A_2409] {strides = array<i32>} : memref<3200x16xf32, #tpu.memory_space<vmem>>, vector<16xf32>,
        %add3A_2411 = arith.addf %add3A_2399, %get3A_2410 : vector<16xf32>
        %mul3A_2412 = arith.constant 20 : i32
        %mul3A_2413 = arith.muli %scan3A_698, %mul3A_2412 : i32
        %add3A_2414 = arith.constant 2 : i32
        %add3A_2415 = arith.addi %mul3A_2413, %add3A_2414 : i32
        %mul3A_2416 = arith.constant 5 : i32
        %mul3A_2417 = arith.muli %add3A_2415, %mul3A_2416 : i32
        %add3A_2418 = arith.constant 4 : i32
        %add3A_2419 = arith.addi %mul3A_2417, %add3A_2418 : i32
        %get3A_2420 = arith.index_cast %add3A_2419 : i32 to index
        %get3A_2421 = arith.constant 0 : index
        %get3A_2422 = tpu.vector_load %arg19[%get3A_2420, %get3A_2421] {strides = array<i32>} : memref<3200x16xf32, #tpu.memory_space<vmem>>, vector<16xf32>,
        %add3A_2423 = arith.addf %add3A_2411, %get3A_2422 : vector<16xf32>
        %mul3A_2424 = arith.constant 20 : i32
        %mul3A_2425 = arith.muli %scan3A_698, %mul3A_2424 : i32
        %add3A_2426 = arith.constant 3 : i32
        %add3A_2427 = arith.addi %mul3A_2425, %add3A_2426 : i32
        %mul3A_2428 = arith.constant 5 : i32
        %mul3A_2429 = arith.muli %add3A_2427, %mul3A_2428 : i32
        %add3A_2430 = arith.constant 4 : i32
        %add3A_2431 = arith.addi %mul3A_2429, %add3A_2430 : i32
        %get3A_2432 = arith.index_cast %add3A_2431 : i32 to index
        %get3A_2433 = arith.constant 0 : index
        %get3A_2434 = tpu.vector_load %arg19[%get3A_2432, %get3A_2433] {strides = array<i32>} : memref<3200x16xf32, #tpu.memory_space<vmem>>, vector<16xf32>,
        %add3A_2435 = arith.addf %add3A_2423, %get3A_2434 : vector<16xf32>
        %mul3A_2436 = arith.constant 20 : i32
        %mul3A_2437 = arith.muli %scan3A_698, %mul3A_2436 : i32
        %add3A_2438 = arith.constant 4 : i32
        %add3A_2439 = arith.addi %mul3A_2437, %add3A_2438 : i32
        %mul3A_2440 = arith.constant 5 : i32
        %mul3A_2441 = arith.muli %add3A_2439, %mul3A_2440 : i32
        %add3A_2442 = arith.constant 4 : i32
        %add3A_2443 = arith.addi %mul3A_2441, %add3A_2442 : i32
        %get3A_2444 = arith.index_cast %add3A_2443 : i32 to index
        %get3A_2445 = arith.constant 0 : index
        %get3A_2446 = tpu.vector_load %arg19[%get3A_2444, %get3A_2445] {strides = array<i32>} : memref<3200x16xf32, #tpu.memory_space<vmem>>, vector<16xf32>,
        %add3A_2447 = arith.addf %add3A_2435, %get3A_2446 : vector<16xf32>
        %mul3A_2448 = arith.constant 20 : i32
        %mul3A_2449 = arith.muli %scan3A_698, %mul3A_2448 : i32
        %add3A_2450 = arith.constant 5 : i32
        %add3A_2451 = arith.addi %mul3A_2449, %add3A_2450 : i32
        %mul3A_2452 = arith.constant 5 : i32
        %mul3A_2453 = arith.muli %add3A_2451, %mul3A_2452 : i32
        %add3A_2454 = arith.constant 4 : i32
        %add3A_2455 = arith.addi %mul3A_2453, %add3A_2454 : i32
        %get3A_2456 = arith.index_cast %add3A_2455 : i32 to index
        %get3A_2457 = arith.constant 0 : index
        %get3A_2458 = tpu.vector_load %arg19[%get3A_2456, %get3A_2457] {strides = array<i32>} : memref<3200x16xf32, #tpu.memory_space<vmem>>, vector<16xf32>,
        %add3A_2459 = arith.addf %add3A_2447, %get3A_2458 : vector<16xf32>
        %mul3A_2460 = arith.constant 20 : i32
        %mul3A_2461 = arith.muli %scan3A_698, %mul3A_2460 : i32
        %add3A_2462 = arith.constant 6 : i32
        %add3A_2463 = arith.addi %mul3A_2461, %add3A_2462 : i32
        %mul3A_2464 = arith.constant 5 : i32
        %mul3A_2465 = arith.muli %add3A_2463, %mul3A_2464 : i32
        %add3A_2466 = arith.constant 4 : i32
        %add3A_2467 = arith.addi %mul3A_2465, %add3A_2466 : i32
        %get3A_2468 = arith.index_cast %add3A_2467 : i32 to index
        %get3A_2469 = arith.constant 0 : index
        %get3A_2470 = tpu.vector_load %arg19[%get3A_2468, %get3A_2469] {strides = array<i32>} : memref<3200x16xf32, #tpu.memory_space<vmem>>, vector<16xf32>,
        %add3A_2471 = arith.addf %add3A_2459, %get3A_2470 : vector<16xf32>
        %mul3A_2472 = arith.constant 20 : i32
        %mul3A_2473 = arith.muli %scan3A_698, %mul3A_2472 : i32
        %add3A_2474 = arith.constant 7 : i32
        %add3A_2475 = arith.addi %mul3A_2473, %add3A_2474 : i32
        %mul3A_2476 = arith.constant 5 : i32
        %mul3A_2477 = arith.muli %add3A_2475, %mul3A_2476 : i32
        %add3A_2478 = arith.constant 4 : i32
        %add3A_2479 = arith.addi %mul3A_2477, %add3A_2478 : i32
        %get3A_2480 = arith.index_cast %add3A_2479 : i32 to index
        %get3A_2481 = arith.constant 0 : index
        %get3A_2482 = tpu.vector_load %arg19[%get3A_2480, %get3A_2481] {strides = array<i32>} : memref<3200x16xf32, #tpu.memory_space<vmem>>, vector<16xf32>,
        %add3A_2483 = arith.addf %add3A_2471, %get3A_2482 : vector<16xf32>
        %mul3A_2484 = arith.constant 20 : i32
        %mul3A_2485 = arith.muli %scan3A_698, %mul3A_2484 : i32
        %add3A_2486 = arith.constant 8 : i32
        %add3A_2487 = arith.addi %mul3A_2485, %add3A_2486 : i32
        %mul3A_2488 = arith.constant 5 : i32
        %mul3A_2489 = arith.muli %add3A_2487, %mul3A_2488 : i32
        %add3A_2490 = arith.constant 4 : i32
        %add3A_2491 = arith.addi %mul3A_2489, %add3A_2490 : i32
        %get3A_2492 = arith.index_cast %add3A_2491 : i32 to index
        %get3A_2493 = arith.constant 0 : index
        %get3A_2494 = tpu.vector_load %arg19[%get3A_2492, %get3A_2493] {strides = array<i32>} : memref<3200x16xf32, #tpu.memory_space<vmem>>, vector<16xf32>,
        %add3A_2495 = arith.addf %add3A_2483, %get3A_2494 : vector<16xf32>
        %mul3A_2496 = arith.constant 20 : i32
        %mul3A_2497 = arith.muli %scan3A_698, %mul3A_2496 : i32
        %add3A_2498 = arith.constant 9 : i32
        %add3A_2499 = arith.addi %mul3A_2497, %add3A_2498 : i32
        %mul3A_2500 = arith.constant 5 : i32
        %mul3A_2501 = arith.muli %add3A_2499, %mul3A_2500 : i32
        %add3A_2502 = arith.constant 4 : i32
        %add3A_2503 = arith.addi %mul3A_2501, %add3A_2502 : i32
        %get3A_2504 = arith.index_cast %add3A_2503 : i32 to index
        %get3A_2505 = arith.constant 0 : index
        %get3A_2506 = tpu.vector_load %arg19[%get3A_2504, %get3A_2505] {strides = array<i32>} : memref<3200x16xf32, #tpu.memory_space<vmem>>, vector<16xf32>,
        %add3A_2507 = arith.addf %add3A_2495, %get3A_2506 : vector<16xf32>
        %mul3A_2508 = arith.constant 20 : i32
        %mul3A_2509 = arith.muli %scan3A_698, %mul3A_2508 : i32
        %add3A_2510 = arith.constant 10 : i32
        %add3A_2511 = arith.addi %mul3A_2509, %add3A_2510 : i32
        %mul3A_2512 = arith.constant 5 : i32
        %mul3A_2513 = arith.muli %add3A_2511, %mul3A_2512 : i32
        %add3A_2514 = arith.constant 4 : i32
        %add3A_2515 = arith.addi %mul3A_2513, %add3A_2514 : i32
        %get3A_2516 = arith.index_cast %add3A_2515 : i32 to index
        %get3A_2517 = arith.constant 0 : index
        %get3A_2518 = tpu.vector_load %arg19[%get3A_2516, %get3A_2517] {strides = array<i32>} : memref<3200x16xf32, #tpu.memory_space<vmem>>, vector<16xf32>,
        %add3A_2519 = arith.addf %add3A_2507, %get3A_2518 : vector<16xf32>
        %mul3A_2520 = arith.constant 20 : i32
        %mul3A_2521 = arith.muli %scan3A_698, %mul3A_2520 : i32
        %add3A_2522 = arith.constant 11 : i32
        %add3A_2523 = arith.addi %mul3A_2521, %add3A_2522 : i32
        %mul3A_2524 = arith.constant 5 : i32
        %mul3A_2525 = arith.muli %add3A_2523, %mul3A_2524 : i32
        %add3A_2526 = arith.constant 4 : i32
        %add3A_2527 = arith.addi %mul3A_2525, %add3A_2526 : i32
        %get3A_2528 = arith.index_cast %add3A_2527 : i32 to index
        %get3A_2529 = arith.constant 0 : index
        %get3A_2530 = tpu.vector_load %arg19[%get3A_2528, %get3A_2529] {strides = array<i32>} : memref<3200x16xf32, #tpu.memory_space<vmem>>, vector<16xf32>,
        %add3A_2531 = arith.addf %add3A_2519, %get3A_2530 : vector<16xf32>
        %mul3A_2532 = arith.constant 20 : i32
        %mul3A_2533 = arith.muli %scan3A_698, %mul3A_2532 : i32
        %add3A_2534 = arith.constant 12 : i32
        %add3A_2535 = arith.addi %mul3A_2533, %add3A_2534 : i32
        %mul3A_2536 = arith.constant 5 : i32
        %mul3A_2537 = arith.muli %add3A_2535, %mul3A_2536 : i32
        %add3A_2538 = arith.constant 4 : i32
        %add3A_2539 = arith.addi %mul3A_2537, %add3A_2538 : i32
        %get3A_2540 = arith.index_cast %add3A_2539 : i32 to index
        %get3A_2541 = arith.constant 0 : index
        %get3A_2542 = tpu.vector_load %arg19[%get3A_2540, %get3A_2541] {strides = array<i32>} : memref<3200x16xf32, #tpu.memory_space<vmem>>, vector<16xf32>,
        %add3A_2543 = arith.addf %add3A_2531, %get3A_2542 : vector<16xf32>
        %mul3A_2544 = arith.constant 20 : i32
        %mul3A_2545 = arith.muli %scan3A_698, %mul3A_2544 : i32
        %add3A_2546 = arith.constant 13 : i32
        %add3A_2547 = arith.addi %mul3A_2545, %add3A_2546 : i32
        %mul3A_2548 = arith.constant 5 : i32
        %mul3A_2549 = arith.muli %add3A_2547, %mul3A_2548 : i32
        %add3A_2550 = arith.constant 4 : i32
        %add3A_2551 = arith.addi %mul3A_2549, %add3A_2550 : i32
        %get3A_2552 = arith.index_cast %add3A_2551 : i32 to index
        %get3A_2553 = arith.constant 0 : index
        %get3A_2554 = tpu.vector_load %arg19[%get3A_2552, %get3A_2553] {strides = array<i32>} : memref<3200x16xf32, #tpu.memory_space<vmem>>, vector<16xf32>,
        %add3A_2555 = arith.addf %add3A_2543, %get3A_2554 : vector<16xf32>
        %mul3A_2556 = arith.constant 20 : i32
        %mul3A_2557 = arith.muli %scan3A_698, %mul3A_2556 : i32
        %add3A_2558 = arith.constant 14 : i32
        %add3A_2559 = arith.addi %mul3A_2557, %add3A_2558 : i32
        %mul3A_2560 = arith.constant 5 : i32
        %mul3A_2561 = arith.muli %add3A_2559, %mul3A_2560 : i32
        %add3A_2562 = arith.constant 4 : i32
        %add3A_2563 = arith.addi %mul3A_2561, %add3A_2562 : i32
        %get3A_2564 = arith.index_cast %add3A_2563 : i32 to index
        %get3A_2565 = arith.constant 0 : index
        %get3A_2566 = tpu.vector_load %arg19[%get3A_2564, %get3A_2565] {strides = array<i32>} : memref<3200x16xf32, #tpu.memory_space<vmem>>, vector<16xf32>,
        %add3A_2567 = arith.addf %add3A_2555, %get3A_2566 : vector<16xf32>
        %mul3A_2568 = arith.constant 20 : i32
        %mul3A_2569 = arith.muli %scan3A_698, %mul3A_2568 : i32
        %add3A_2570 = arith.constant 15 : i32
        %add3A_2571 = arith.addi %mul3A_2569, %add3A_2570 : i32
        %mul3A_2572 = arith.constant 5 : i32
        %mul3A_2573 = arith.muli %add3A_2571, %mul3A_2572 : i32
        %add3A_2574 = arith.constant 4 : i32
        %add3A_2575 = arith.addi %mul3A_2573, %add3A_2574 : i32
        %get3A_2576 = arith.index_cast %add3A_2575 : i32 to index
        %get3A_2577 = arith.constant 0 : index
        %get3A_2578 = tpu.vector_load %arg19[%get3A_2576, %get3A_2577] {strides = array<i32>} : memref<3200x16xf32, #tpu.memory_space<vmem>>, vector<16xf32>,
        %add3A_2579 = arith.addf %add3A_2567, %get3A_2578 : vector<16xf32>
        %mul3A_2580 = arith.constant 20 : i32
        %mul3A_2581 = arith.muli %scan3A_698, %mul3A_2580 : i32
        %add3A_2582 = arith.constant 16 : i32
        %add3A_2583 = arith.addi %mul3A_2581, %add3A_2582 : i32
        %mul3A_2584 = arith.constant 5 : i32
        %mul3A_2585 = arith.muli %add3A_2583, %mul3A_2584 : i32
        %add3A_2586 = arith.constant 4 : i32
        %add3A_2587 = arith.addi %mul3A_2585, %add3A_2586 : i32
        %get3A_2588 = arith.index_cast %add3A_2587 : i32 to index
        %get3A_2589 = arith.constant 0 : index
        %get3A_2590 = tpu.vector_load %arg19[%get3A_2588, %get3A_2589] {strides = array<i32>} : memref<3200x16xf32, #tpu.memory_space<vmem>>, vector<16xf32>,
        %add3A_2591 = arith.addf %add3A_2579, %get3A_2590 : vector<16xf32>
        %mul3A_2592 = arith.constant 20 : i32
        %mul3A_2593 = arith.muli %scan3A_698, %mul3A_2592 : i32
        %add3A_2594 = arith.constant 17 : i32
        %add3A_2595 = arith.addi %mul3A_2593, %add3A_2594 : i32
        %mul3A_2596 = arith.constant 5 : i32
        %mul3A_2597 = arith.muli %add3A_2595, %mul3A_2596 : i32
        %add3A_2598 = arith.constant 4 : i32
        %add3A_2599 = arith.addi %mul3A_2597, %add3A_2598 : i32
        %get3A_2600 = arith.index_cast %add3A_2599 : i32 to index
        %get3A_2601 = arith.constant 0 : index
        %get3A_2602 = tpu.vector_load %arg19[%get3A_2600, %get3A_2601] {strides = array<i32>} : memref<3200x16xf32, #tpu.memory_space<vmem>>, vector<16xf32>,
        %add3A_2603 = arith.addf %add3A_2591, %get3A_2602 : vector<16xf32>
        %mul3A_2604 = arith.constant 20 : i32
        %mul3A_2605 = arith.muli %scan3A_698, %mul3A_2604 : i32
        %add3A_2606 = arith.constant 18 : i32
        %add3A_2607 = arith.addi %mul3A_2605, %add3A_2606 : i32
        %mul3A_2608 = arith.constant 5 : i32
        %mul3A_2609 = arith.muli %add3A_2607, %mul3A_2608 : i32
        %add3A_2610 = arith.constant 4 : i32
        %add3A_2611 = arith.addi %mul3A_2609, %add3A_2610 : i32
        %get3A_2612 = arith.index_cast %add3A_2611 : i32 to index
        %get3A_2613 = arith.constant 0 : index
        %get3A_2614 = tpu.vector_load %arg19[%get3A_2612, %get3A_2613] {strides = array<i32>} : memref<3200x16xf32, #tpu.memory_space<vmem>>, vector<16xf32>,
        %add3A_2615 = arith.addf %add3A_2603, %get3A_2614 : vector<16xf32>
        %mul3A_2616 = arith.constant 20 : i32
        %mul3A_2617 = arith.muli %scan3A_698, %mul3A_2616 : i32
        %add3A_2618 = arith.constant 19 : i32
        %add3A_2619 = arith.addi %mul3A_2617, %add3A_2618 : i32
        %mul3A_2620 = arith.constant 5 : i32
        %mul3A_2621 = arith.muli %add3A_2619, %mul3A_2620 : i32
        %add3A_2622 = arith.constant 4 : i32
        %add3A_2623 = arith.addi %mul3A_2621, %add3A_2622 : i32
        %get3A_2624 = arith.index_cast %add3A_2623 : i32 to index
        %get3A_2625 = arith.constant 0 : index
        %get3A_2626 = tpu.vector_load %arg19[%get3A_2624, %get3A_2625] {strides = array<i32>} : memref<3200x16xf32, #tpu.memory_space<vmem>>, vector<16xf32>,
        %add3A_2627 = arith.addf %add3A_2615, %get3A_2626 : vector<16xf32>
        %add3A_2628 = arith.addf %add3A_2373, %mul3A_2385 : vector<16xf32>
        %mul3A_2629 = arith.mulf %add3A_2627, %get3A_2377 : vector<16xf32>
        %add3A_2630 = arith.addf %add3A_2375, %mul3A_2629 : vector<16xf32>
        %swap3A_2631 = arith.index_cast %scan3A_698 : i32 to index
        %swap3A_2632 = arith.constant 0 : index
        %swap3A_2633 = tpu.vector_load %arg22[%swap3A_2631, %swap3A_2632] {strides = array<i32>} : memref<32x16xf32, #tpu.memory_space<vmem>>, vector<16xf32>,
        tpu.vector_store %arg22[%swap3A_2631, %swap3A_2632], %add3A_2628 {strides = array<i32>} : memref<32x16xf32, #tpu.memory_space<vmem>>, vector<16xf32>,
        %swap3A_2634 = arith.index_cast %scan3A_698 : i32 to index
        %swap3A_2635 = arith.constant 0 : index
        %swap3A_2636 = tpu.vector_load %arg23[%swap3A_2634, %swap3A_2635] {strides = array<i32>} : memref<32x16xf32, #tpu.memory_space<vmem>>, vector<16xf32>,
        tpu.vector_store %arg23[%swap3A_2634, %swap3A_2635], %add3A_2630 {strides = array<i32>} : memref<32x16xf32, #tpu.memory_space<vmem>>, vector<16xf32>,
      }
      %scan3A_697 = arith.constant 32 : i32
      "tpu.region"() ({
        %run_scoped3A = tpu.sem_alloc : memref<!tpu.dma_semaphore, #tpu.memory_space<semaphore_mem>>
        %dma_start3A_698 = arith.constant 0 : i32
        %dma_start3A_699 = tpu.memref_slice %arg8[%add3A_13, %dma_start3A_698] : memref<16384x16xf32, #tpu.memory_space<hbm>> -> memref<32x16xf32, #tpu.memory_space<hbm>>
        %dma_start3A_700 = arith.constant 0 : i32
        %dma_start3A_701 = tpu.memref_slice %arg8[%add3A_13, %dma_start3A_700] : memref<16384x16xf32, #tpu.memory_space<hbm>> -> memref<32x16xf32, #tpu.memory_space<hbm>>
        tpu.enqueue_dma source(%arg22 : memref<32x16xf32, #tpu.memory_space<vmem>>) target(%dma_start3A_701 : memref<32x16xf32, #tpu.memory_space<hbm>>) target_semaphore(%run_scoped3A : memref<!tpu.dma_semaphore, #tpu.memory_space<semaphore_mem>>)
        %dma_wait3A_702 = arith.constant 0 : i32
        %dma_wait3A_703 = tpu.memref_slice %arg8[%add3A_13, %dma_wait3A_702] : memref<16384x16xf32, #tpu.memory_space<hbm>> -> memref<32x16xf32, #tpu.memory_space<hbm>>
        %dma_wait3A_704 = arith.constant 0 : i32
        %dma_wait3A_705 = tpu.memref_slice %arg8[%add3A_13, %dma_wait3A_704] : memref<16384x16xf32, #tpu.memory_space<hbm>> -> memref<32x16xf32, #tpu.memory_space<hbm>>
        tpu.wait_dma2 semaphore(%run_scoped3A : memref<!tpu.dma_semaphore, #tpu.memory_space<semaphore_mem>>) src(%arg22 : memref<32x16xf32, #tpu.memory_space<vmem>>) dst(%dma_wait3A_705 : memref<32x16xf32, #tpu.memory_space<hbm>>)
        tpu.yield
      }) : () -> ()
      "tpu.region"() ({
        %run_scoped3A = tpu.sem_alloc : memref<!tpu.dma_semaphore, #tpu.memory_space<semaphore_mem>>
        %dma_start3A_698 = arith.constant 0 : i32
        %dma_start3A_699 = tpu.memref_slice %arg9[%add3A_13, %dma_start3A_698] : memref<16384x16xf32, #tpu.memory_space<hbm>> -> memref<32x16xf32, #tpu.memory_space<hbm>>
        %dma_start3A_700 = arith.constant 0 : i32
        %dma_start3A_701 = tpu.memref_slice %arg9[%add3A_13, %dma_start3A_700] : memref<16384x16xf32, #tpu.memory_space<hbm>> -> memref<32x16xf32, #tpu.memory_space<hbm>>
        tpu.enqueue_dma source(%arg23 : memref<32x16xf32, #tpu.memory_space<vmem>>) target(%dma_start3A_701 : memref<32x16xf32, #tpu.memory_space<hbm>>) target_semaphore(%run_scoped3A : memref<!tpu.dma_semaphore, #tpu.memory_space<semaphore_mem>>)
        %dma_wait3A_702 = arith.constant 0 : i32
        %dma_wait3A_703 = tpu.memref_slice %arg9[%add3A_13, %dma_wait3A_702] : memref<16384x16xf32, #tpu.memory_space<hbm>> -> memref<32x16xf32, #tpu.memory_space<hbm>>
        %dma_wait3A_704 = arith.constant 0 : i32
        %dma_wait3A_705 = tpu.memref_slice %arg9[%add3A_13, %dma_wait3A_704] : memref<16384x16xf32, #tpu.memory_space<hbm>> -> memref<32x16xf32, #tpu.memory_space<hbm>>
        tpu.wait_dma2 semaphore(%run_scoped3A : memref<!tpu.dma_semaphore, #tpu.memory_space<semaphore_mem>>) src(%arg23 : memref<32x16xf32, #tpu.memory_space<vmem>>) dst(%dma_wait3A_705 : memref<32x16xf32, #tpu.memory_space<hbm>>)
        tpu.yield
      }) : () -> ()
      "tpu.region"() ({
        %run_scoped3A = tpu.sem_alloc : memref<!tpu.dma_semaphore, #tpu.memory_space<semaphore_mem>>
        %dma_start3A_698 = arith.constant 0 : i32
        %dma_start3A_699 = tpu.memref_slice %arg10[%add3A_13, %dma_start3A_698] : memref<16384x16xf32, #tpu.memory_space<hbm>> -> memref<32x16xf32, #tpu.memory_space<hbm>>
        %dma_start3A_700 = arith.constant 0 : i32
        %dma_start3A_701 = tpu.memref_slice %arg10[%add3A_13, %dma_start3A_700] : memref<16384x16xf32, #tpu.memory_space<hbm>> -> memref<32x16xf32, #tpu.memory_space<hbm>>
        tpu.enqueue_dma source(%arg24 : memref<32x16xf32, #tpu.memory_space<vmem>>) target(%dma_start3A_701 : memref<32x16xf32, #tpu.memory_space<hbm>>) target_semaphore(%run_scoped3A : memref<!tpu.dma_semaphore, #tpu.memory_space<semaphore_mem>>)
        %dma_wait3A_702 = arith.constant 0 : i32
        %dma_wait3A_703 = tpu.memref_slice %arg10[%add3A_13, %dma_wait3A_702] : memref<16384x16xf32, #tpu.memory_space<hbm>> -> memref<32x16xf32, #tpu.memory_space<hbm>>
        %dma_wait3A_704 = arith.constant 0 : i32
        %dma_wait3A_705 = tpu.memref_slice %arg10[%add3A_13, %dma_wait3A_704] : memref<16384x16xf32, #tpu.memory_space<hbm>> -> memref<32x16xf32, #tpu.memory_space<hbm>>
        tpu.wait_dma2 semaphore(%run_scoped3A : memref<!tpu.dma_semaphore, #tpu.memory_space<semaphore_mem>>) src(%arg24 : memref<32x16xf32, #tpu.memory_space<vmem>>) dst(%dma_wait3A_705 : memref<32x16xf32, #tpu.memory_space<hbm>>)
        tpu.yield
      }) : () -> ()
    }
    %scan3A_9 = arith.constant 16 : i32
    return
  }
}

module attributes {stable_mosaic.version = 14 : i64} {
  func.func @_pack_body(%arg0: i32, %arg1: memref<64x16384xf32, #tpu.memory_space<vmem>>, %arg2: memref<16384x128xf32, #tpu.memory_space<vmem>>) attributes {dimension_semantics = [#tpu.dimension_semantics<arbitrary>], iteration_bounds = array<i64: 62>, scalar_prefetch = 0 : i64, scratch_operands = 0 : i64, tpu.core_type = #tpu.core_type<tc>, window_params = [{transform_indices = @transform_0, window_bounds = array<i64: 64, 16384>}, {transform_indices = @transform_1, window_bounds = array<i64: 16384, 128>}]} {
    %get3A = arith.constant 0 : index
    %get3A_0 = arith.constant 0 : index
    %get3A_1 = vector.load %arg1[%get3A, %get3A_0] : memref<64x16384xf32, #tpu.memory_space<vmem>>, vector<64x16384xf32>
    %transpose3A = tpu.transpose %get3A_1, [1, 0] : vector<64x16384xf32> -> vector<16384x64xf32>
    %jit3A = arith.constant 0 : i32
    %convert_element_type3A = arith.sitofp %jit3A : i32 to f32
    %pad3A = vector.broadcast %convert_element_type3A : f32 to vector<16384x64xf32>
    %pad3A_2 = tpu.concatenate %transpose3A, %pad3A in 1 : vector<16384x64xf32>, vector<16384x64xf32> -> vector<16384x128xf32>
    %swap3A = arith.constant 0 : index
    %swap3A_3 = arith.constant 0 : index
    %swap3A_4 = vector.load %arg2[%swap3A, %swap3A_3] : memref<16384x128xf32, #tpu.memory_space<vmem>>, vector<16384x128xf32>
    tpu.vector_store %arg2[%swap3A, %swap3A_3], %pad3A_2 {strides = array<i32>} : memref<16384x128xf32, #tpu.memory_space<vmem>>, vector<16384x128xf32>,
    return
  }
  func.func @transform_0(%arg0: i32) -> (i32, i32) {
    %c0_i32 = arith.constant 0 : i32
    %c0_i32_0 = arith.constant 0 : i32
    return %c0_i32, %arg0 : i32, i32
  }
  func.func @transform_1(%arg0: i32) -> (i32, i32) {
    %c0_i32 = arith.constant 0 : i32
    %c0_i32_0 = arith.constant 0 : i32
    return %arg0, %c0_i32 : i32, i32
  }
}

module attributes {stable_mosaic.version = 14 : i64} {
  func.func @_pack_body(%arg0: i32, %arg1: memref<77x16384xf32, #tpu.memory_space<vmem>>, %arg2: memref<16384x128xf32, #tpu.memory_space<vmem>>) attributes {dimension_semantics = [#tpu.dimension_semantics<arbitrary>], iteration_bounds = array<i64: 62>, scalar_prefetch = 0 : i64, scratch_operands = 0 : i64, tpu.core_type = #tpu.core_type<tc>, window_params = [{transform_indices = @transform_0, window_bounds = array<i64: 77, 16384>}, {transform_indices = @transform_1, window_bounds = array<i64: 16384, 128>}]} {
    %get3A = arith.constant 0 : index
    %get3A_0 = arith.constant 0 : index
    %get3A_1 = vector.load %arg1[%get3A, %get3A_0] : memref<77x16384xf32, #tpu.memory_space<vmem>>, vector<77x16384xf32>
    %transpose3A = tpu.transpose %get3A_1, [1, 0] : vector<77x16384xf32> -> vector<16384x77xf32>
    %jit3A = arith.constant 0 : i32
    %convert_element_type3A = arith.sitofp %jit3A : i32 to f32
    %pad3A = vector.broadcast %convert_element_type3A : f32 to vector<16384x51xf32>
    %pad3A_2 = tpu.concatenate %transpose3A, %pad3A in 1 : vector<16384x77xf32>, vector<16384x51xf32> -> vector<16384x128xf32>
    %swap3A = arith.constant 0 : index
    %swap3A_3 = arith.constant 0 : index
    %swap3A_4 = vector.load %arg2[%swap3A, %swap3A_3] : memref<16384x128xf32, #tpu.memory_space<vmem>>, vector<16384x128xf32>
    tpu.vector_store %arg2[%swap3A, %swap3A_3], %pad3A_2 {strides = array<i32>} : memref<16384x128xf32, #tpu.memory_space<vmem>>, vector<16384x128xf32>,
    return
  }
  func.func @transform_0(%arg0: i32) -> (i32, i32) {
    %c0_i32 = arith.constant 0 : i32
    %c0_i32_0 = arith.constant 0 : i32
    return %c0_i32, %arg0 : i32, i32
  }
  func.func @transform_1(%arg0: i32) -> (i32, i32) {
    %c0_i32 = arith.constant 0 : i32
    %c0_i32_0 = arith.constant 0 : i32
    return %arg0, %c0_i32 : i32, i32
  }
}

module attributes {stable_mosaic.version = 14 : i64} {
  func.func @_tc_loss_body(%arg0: memref<2048x128xf32, #tpu.memory_space<vmem>>, %arg1: memref<2048x128xf32, #tpu.memory_space<vmem>>, %arg2: memref<2048x128xf32, #tpu.memory_space<vmem>>, %arg3: memref<2048x128xf32, #tpu.memory_space<vmem>>, %arg4: memref<2048x128xf32, #tpu.memory_space<vmem>>, %arg5: memref<1x1xf32, #tpu.memory_space<vmem>>, %arg6: memref<1x1xf32, #tpu.memory_space<vmem>>) attributes {dimension_semantics = [], scalar_prefetch = 0 : i64, scratch_operands = 0 : i64, tpu.core_type = #tpu.core_type<tc>} {
    %get3A = arith.constant 0 : index
    %get3A_0 = arith.constant 0 : index
    %get3A_1 = vector.load %arg0[%get3A, %get3A_0] : memref<2048x128xf32, #tpu.memory_space<vmem>>, vector<2048x128xf32>
    %get3A_2 = arith.constant 0 : index
    %get3A_3 = arith.constant 0 : index
    %get3A_4 = vector.load %arg1[%get3A_2, %get3A_3] : memref<2048x128xf32, #tpu.memory_space<vmem>>, vector<2048x128xf32>
    %get3A_5 = arith.constant 0 : index
    %get3A_6 = arith.constant 0 : index
    %get3A_7 = vector.load %arg2[%get3A_5, %get3A_6] : memref<2048x128xf32, #tpu.memory_space<vmem>>, vector<2048x128xf32>
    %max3A = arith.constant 0.000000e+00 : f32
    %max3A_8 = vector.broadcast %max3A : f32 to vector<2048x128xf32>
    %max3A_9 = arith.maximumf %get3A_1, %max3A_8 : vector<2048x128xf32>
    %mul3A = arith.mulf %get3A_1, %get3A_4 : vector<2048x128xf32>
    %sub3A = arith.subf %max3A_9, %mul3A : vector<2048x128xf32>
    %abs3A = math.absf %get3A_1 : vector<2048x128xf32>
    %neg3A = arith.constant 0.000000e+00 : f32
    %neg3A_10 = vector.broadcast %neg3A : f32 to vector<2048x128xf32>
    %neg3A_11 = arith.subf %neg3A_10, %abs3A : vector<2048x128xf32>
    %exp3A = math.exp %neg3A_11 : vector<2048x128xf32>
    %log1p3A = math.log1p %exp3A : vector<2048x128xf32>
    %add3A = arith.addf %sub3A, %log1p3A : vector<2048x128xf32>
    %mul3A_12 = arith.mulf %get3A_7, %add3A : vector<2048x128xf32>
    %reduce_sum3A = vector.shape_cast %mul3A_12 : vector<2048x128xf32> to vector<1x2048x128xf32>
    %reduce_sum3A_13 = arith.constant dense<0.000000e+00> : vector<1xf32>
    %reduce_sum3A_14 = vector.multi_reduction <add>, %reduce_sum3A, %reduce_sum3A_13 [1, 2] : vector<1x2048x128xf32> to vector<1xf32>
    %reduce_sum3A_15 = vector.shape_cast %reduce_sum3A_14 : vector<1xf32> to vector<1x1x1xf32>
    %reduce_sum3A_16 = vector.extract %reduce_sum3A_15[0, 0, 0] : f32 from vector<1x1x1xf32>
    %div3A = arith.constant 2.129920e+05 : f32
    %div3A_17 = arith.divf %reduce_sum3A_16, %div3A : f32
    %broadcast_in_dim3A = vector.broadcast %div3A_17 : f32 to vector<1x1xf32>
    %swap3A = arith.constant 0 : index
    %swap3A_18 = arith.constant 0 : index
    %swap3A_19 = vector.load %arg6[%swap3A, %swap3A_18] : memref<1x1xf32, #tpu.memory_space<vmem>>, vector<1x1xf32>
    tpu.vector_store %arg6[%swap3A, %swap3A_18], %broadcast_in_dim3A {strides = array<i32>} : memref<1x1xf32, #tpu.memory_space<vmem>>, vector<1x1xf32>,
    %iota3A = tpu.iota {dimensions = array<i32: 0>} : vector<128x8xi32>
    %iota3A_20 = tpu.iota {dimensions = array<i32: 1>} : vector<128x8xi32>
    %jit3A = arith.constant 16 : i32
    %div3A_21 = vector.broadcast %jit3A : i32 to vector<128x8xi32>
    %div3A_22 = arith.divsi %iota3A, %div3A_21 : vector<128x8xi32>
    %sign3A = arith.constant 0 : i32
    %sign3A_23 = vector.broadcast %sign3A : i32 to vector<128x8xi32>
    %sign3A_24 = arith.cmpi sgt, %iota3A, %sign3A_23 : vector<128x8xi32>
    %sign3A_25 = arith.extui %sign3A_24 : vector<128x8xi1> to vector<128x8xi32>
    %sign3A_26 = arith.constant 0 : i32
    %sign3A_27 = vector.broadcast %sign3A_26 : i32 to vector<128x8xi32>
    %sign3A_28 = arith.cmpi slt, %iota3A, %sign3A_27 : vector<128x8xi32>
    %sign3A_29 = arith.extui %sign3A_28 : vector<128x8xi1> to vector<128x8xi32>
    %sign3A_30 = arith.subi %sign3A_25, %sign3A_29 : vector<128x8xi32>
    %sign3A_31 = arith.constant 0 : i32
    %sign3A_32 = arith.cmpi sgt, %jit3A, %sign3A_31 : i32
    %sign3A_33 = arith.extui %sign3A_32 : i1 to i32
    %sign3A_34 = arith.constant 0 : i32
    %sign3A_35 = arith.cmpi slt, %jit3A, %sign3A_34 : i32
    %sign3A_36 = arith.extui %sign3A_35 : i1 to i32
    %sign3A_37 = arith.subi %sign3A_33, %sign3A_36 : i32
    %ne3A = vector.broadcast %sign3A_37 : i32 to vector<128x8xi32>
    %ne3A_38 = arith.cmpi ne, %sign3A_30, %ne3A : vector<128x8xi32>
    %rem3A = vector.broadcast %jit3A : i32 to vector<128x8xi32>
    %rem3A_39 = arith.remsi %iota3A, %rem3A : vector<128x8xi32>
    %ne3A_40 = arith.constant 0 : i32
    %ne3A_41 = vector.broadcast %ne3A_40 : i32 to vector<128x8xi32>
    %ne3A_42 = arith.cmpi ne, %rem3A_39, %ne3A_41 : vector<128x8xi32>
    %and3A = arith.andi %ne3A_38, %ne3A_42 : vector<128x8xi1>
    %sub3A_43 = arith.constant 1 : i32
    %sub3A_44 = vector.broadcast %sub3A_43 : i32 to vector<128x8xi32>
    %sub3A_45 = arith.subi %div3A_22, %sub3A_44 : vector<128x8xi32>
    %select_n3A = arith.select %and3A, %sub3A_45, %div3A_22 : vector<128x8xi1>, vector<128x8xi32>
    %eq3A = arith.cmpi eq, %select_n3A, %iota3A_20 : vector<128x8xi32>
    %convert_element_type3A = arith.extui %eq3A : vector<128x8xi1> to vector<128x8xi32>
    %convert_element_type3A_46 = arith.sitofp %convert_element_type3A : vector<128x8xi32> to vector<128x8xf32>
    %get3A_47 = arith.constant 0 : index
    %get3A_48 = arith.constant 0 : index
    %get3A_49 = vector.load %arg3[%get3A_47, %get3A_48] : memref<2048x128xf32, #tpu.memory_space<vmem>>, vector<2048x128xf32>
    %dot_general3A = arith.constant dense<0.000000e+00> : vector<2048x8xf32>
    %dot_general3A_50 = tpu.matmul %get3A_49, %convert_element_type3A_46, %dot_general3A {dimension_numbers = #tpu.dot_dimension_numbers<[1], [0], [0], [1], [0, 0, 1, 1], [], []>, transpose_lhs_hint = false} : vector<2048x128xf32>, vector<128x8xf32>, vector<2048x8xf32> -> vector<2048x8xf32>
    %get3A_51 = arith.constant 0 : index
    %get3A_52 = arith.constant 0 : index
    %get3A_53 = vector.load %arg4[%get3A_51, %get3A_52] : memref<2048x128xf32, #tpu.memory_space<vmem>>, vector<2048x128xf32>
    %dot_general3A_54 = arith.constant dense<0.000000e+00> : vector<2048x8xf32>
    %dot_general3A_55 = tpu.matmul %get3A_53, %convert_element_type3A_46, %dot_general3A_54 {dimension_numbers = #tpu.dot_dimension_numbers<[1], [0], [0], [1], [0, 0, 1, 1], [], []>, transpose_lhs_hint = false} : vector<2048x128xf32>, vector<128x8xf32>, vector<2048x8xf32> -> vector<2048x8xf32>
    %min3A = arith.constant 0.000000e+00 : f32
    %min3A_56 = vector.broadcast %min3A : f32 to vector<2048x8xf32>
    %min3A_57 = arith.minimumf %dot_general3A_50, %min3A_56 : vector<2048x8xf32>
    %abs3A_58 = math.absf %dot_general3A_50 : vector<2048x8xf32>
    %neg3A_59 = arith.constant 0.000000e+00 : f32
    %neg3A_60 = vector.broadcast %neg3A_59 : f32 to vector<2048x8xf32>
    %neg3A_61 = arith.subf %neg3A_60, %abs3A_58 : vector<2048x8xf32>
    %exp3A_62 = math.exp %neg3A_61 : vector<2048x8xf32>
    %log1p3A_63 = math.log1p %exp3A_62 : vector<2048x8xf32>
    %sub3A_64 = arith.subf %min3A_57, %log1p3A_63 : vector<2048x8xf32>
    %neg3A_65 = arith.constant 0.000000e+00 : f32
    %neg3A_66 = vector.broadcast %neg3A_65 : f32 to vector<2048x8xf32>
    %neg3A_67 = arith.subf %neg3A_66, %dot_general3A_55 : vector<2048x8xf32>
    %min3A_68 = arith.constant 0.000000e+00 : f32
    %min3A_69 = vector.broadcast %min3A_68 : f32 to vector<2048x8xf32>
    %min3A_70 = arith.minimumf %neg3A_67, %min3A_69 : vector<2048x8xf32>
    %abs3A_71 = math.absf %neg3A_67 : vector<2048x8xf32>
    %neg3A_72 = arith.constant 0.000000e+00 : f32
    %neg3A_73 = vector.broadcast %neg3A_72 : f32 to vector<2048x8xf32>
    %neg3A_74 = arith.subf %neg3A_73, %abs3A_71 : vector<2048x8xf32>
    %exp3A_75 = math.exp %neg3A_74 : vector<2048x8xf32>
    %log1p3A_76 = math.log1p %exp3A_75 : vector<2048x8xf32>
    %sub3A_77 = arith.subf %min3A_70, %log1p3A_76 : vector<2048x8xf32>
    %add3A_78 = arith.addf %sub3A_64, %sub3A_77 : vector<2048x8xf32>
    %reduce_sum3A_79 = vector.shape_cast %add3A_78 : vector<2048x8xf32> to vector<1x2048x8xf32>
    %reduce_sum3A_80 = arith.constant dense<0.000000e+00> : vector<1xf32>
    %reduce_sum3A_81 = vector.multi_reduction <add>, %reduce_sum3A_79, %reduce_sum3A_80 [1, 2] : vector<1x2048x8xf32> to vector<1xf32>
    %reduce_sum3A_82 = vector.shape_cast %reduce_sum3A_81 : vector<1xf32> to vector<1x1x1xf32>
    %reduce_sum3A_83 = vector.extract %reduce_sum3A_82[0, 0, 0] : f32 from vector<1x1x1xf32>
    %neg3A_84 = arith.constant 0.000000e+00 : f32
    %neg3A_85 = arith.subf %neg3A_84, %reduce_sum3A_83 : f32
    %div3A_86 = arith.constant 1.638400e+04 : f32
    %div3A_87 = arith.divf %neg3A_85, %div3A_86 : f32
    %broadcast_in_dim3A_88 = vector.broadcast %div3A_87 : f32 to vector<1x1xf32>
    %swap3A_89 = arith.constant 0 : index
    %swap3A_90 = arith.constant 0 : index
    %swap3A_91 = vector.load %arg5[%swap3A_89, %swap3A_90] : memref<1x1xf32, #tpu.memory_space<vmem>>, vector<1x1xf32>
    tpu.vector_store %arg5[%swap3A_89, %swap3A_90], %broadcast_in_dim3A_88 {strides = array<i32>} : memref<1x1xf32, #tpu.memory_space<vmem>>, vector<1x1xf32>,
    return
  }
}

</mosaic_0001>

<sc_bundles>
// kernel: kernel.6.cloned.1.call-start
scs
__scs_entry_jumppad:
0x0: {  	(pc) =	sbr.rel $0x88, $3  }
0x1: {  	(tag) =	ssettag $0x0;
	lr =	simm.s32 $0x1  }
0x2: {  	[smem:$0x3F99] =	sst lr;
	_ =	strace $0xD0000000  }
0x3: {  	_ = 	snop  }
0x4: {  	_ = 	snop  }
0x5: {  	_ = 	snop  }
0x6: {  	_ = 	snop  }
0x7: {  	_ = 	snop  }
__scs_overlays_trampoline_lowered:
0x8: {  	[smem:$0x3FA8] =	sst s0  }
0x9: {  	[smem:$0x3FA9] =	sst s1  }
0xa: {  	[smem:$0x3FAA] =	sst s2  }
0xb: {  	[smem:$0x3FAB] =	sst s3  }
0xc: {  	[smem:$0x3FAC] =	sst s4  }
0xd: {  	[smem:$0x3FAD] =	sst s5  }
0xe: {  	[smem:$0x3FAE] =	sst s6  }
0xf: {  	[smem:$0x3FAF] =	sst s7  }
0x10: {  	[smem:$0x3FB0] =	sst s8  }
0x11: {  	[smem:$0x3FB1] =	sst s9;
	s0 =	simm.s32 @!p0 $0x0  }
0x12: {  	s1 =	sld [smem:$0x3F97];
	s0 =	simm.s32 @p0 $0x1  }
0x13: {  	[smem:$0x3FB2] =	sst s0;
	s0 =	simm.s32 @!p1 $0x0  }
0x14: {  	s2 =	sld [smem:$0x3F96];
	s0 =	simm.s32 @p1 $0x1  }
0x15: {  	[smem:$0x3FB3] =	sst s0;
	s0 =	simm.s32 @!p2 $0x0  }
0x16: {  	s3 =	sld [smem:$0x3FDB];
	s0 =	simm.s32 @p2 $0x1  }
0x17: {  	s4 =	simm.s32 $0x1BF5;
	[smem:$0x3FB5] =	sst s0  }
0x18: {  	s0 =	sld [smem:$0x3F98];
	_ =	swait.ge [sflag:s4], $0x0  }
0x19: {  	s7 =	sld [smem:$0x3F99]  }
0x1a: {  	s8 =	sadd.s32 $0xFFFFE003, lr  }
0x1b: {  	s9 =	sadd.s32 $0xFFFFFEF7, lr;
	s5 =	simm.s32 $0xFFFFFFFF;
	p2 =	slt.u32 s8, $0xFFFFF086  }
0x1c: {  	p1 =	slt.u32 s9, $0xF7A;
	s5 =	simm.s32 @!p2 $0x0  }
0x1d: {  	s5 =	simm.s32 @p1 $0x1;
	p0 =	seq.s32 s7, s2  }
0x1e: {  	s7 =	smul.u32 @!p0 $0xF7A, s2;
	p2 =	seq.s32 @!p0 s5, $0x0  }
0x1f: {  	s9 =	smul.u32 $0xF7A, s1;
	s8 =	simm.s32 @!p0 $0x1BF5;
	p2 =	por !p2, p0  }
0x20: {  	[sflag:s8] =	ssyncset.s32 @!p0 $0xFFFFF086;
	s6 =	sadd.s32 @!p0 s3, s7;
	s7 =	simm.s32 @!p0 $0x108  }
0x21: {  	s3 =	sadd.s32 s3, s9;
	s6 =	sadd.s32 @!p0 $0x88, s6;
	s7 =	simm.s32 @p2 $0x1082  }
0x22: {  	[simem:s7], [sflag:s8] =	dma.local @!p0 [hbm:s6], $0xF7A  }
0x23: {  	s9 =	sor.u32 $0xD0000000, s2;
	s6 =	simm.s32 $0x108;
	_ =	swait.ge @!p0 [sflag:s8], $0x0  }
0x24: {  	s3 =	sadd.s32 $0x88, s3;
	s6 =	simm.s32 @!p1 $0x1082;
	[sflag:s4] =	ssyncset.s32 $0xFFFFF086  }
0x25: {  	[simem:s6], [sflag:s4] =	dma.local [hbm:s3], $0xF7A  }
0x26: {  	[smem:$0x3F99] =	sst s1;
	(tag) =	ssettag s2;
	_ =	strace s9  }
0x27: {  	s1 =	sld [smem:$0x3FA9]  }
0x28: {  	s2 =	sld [smem:$0x3FAA]  }
0x29: {  	s4 =	sld [smem:$0x3FAC]  }
0x2a: {  	p0 =	seq.s32 s5, $0x0;
	s5 =	sld [smem:$0x3FAD]  }
0x2b: {  	s6 =	sld [smem:$0x3FAE]  }
0x2c: {  	s7 =	sld [smem:$0x3FAF]  }
0x2d: {  	s3 =	simm.s32 $0x108;
	s8 =	sld [smem:$0x3FB0]  }
0x2e: {  	s3 =	simm.s32 @!p0 $0x1082;
	s9 =	sld [smem:$0x3FB1]  }
0x2f: {  	lr =	sadd.s32 s0, s3;
	s0 =	sld [smem:$0x3FA8]  }
0x30: {  	s3 =	sld [smem:$0x3FAB]  }
0x31: {  	[smem:$0x3FB4] =	sst s10  }
0x32: {  	s10 =	sld [smem:$0x3FB2];
	_ =	sdelay $0x3  }
0x33: {  	p0 =	seq.s32 s10, $0x1;
	s10 =	sld [smem:$0x3FB4];
	_ =	sdelay $0x3  }
0x34: {  	[smem:$0x3FB4] =	sst s10  }
0x35: {  	s10 =	sld [smem:$0x3FB3];
	_ =	sdelay $0x3  }
0x36: {  	p1 =	seq.s32 s10, $0x1;
	s10 =	sld [smem:$0x3FB4];
	_ =	sdelay $0x3  }
0x37: {  	[smem:$0x3FB4] =	sst s10  }
0x38: {  	s10 =	sld [smem:$0x3FB5]  }
0x39: {  	_ = 	snop;
	(pc) =	sbr.ind lr, $3  }
0x3a: {  	_ = 	snop  }
0x3b: {  	_ = 	snop  }
0x3c: {  	p2 =	seq.s32 s10, $0x1;
	s10 =	sld [smem:$0x3FB4]  }
0x3d: {  	_ =	shalt  }
0x3e: {  	_ =	shalt  }
0x3f: {  	_ =	shalt  }
0x40: {  	_ =	shalt  }
0x41: {  	_ =	shalt  }
0x42: {  	_ =	shalt  }
0x43: {  	_ =	shalt  }
0x44: {  	_ =	shalt  }
0x45: {  	_ =	shalt  }
0x46: {  	_ =	shalt  }
0x47: {  	_ =	shalt  }
0x48: {  	_ =	shalt  }
0x49: {  	_ =	shalt  }
0x4a: {  	_ =	shalt  }
0x4b: {  	_ =	shalt  }
0x4c: {  	_ =	shalt  }
0x4d: {  	_ =	shalt  }
0x4e: {  	_ =	shalt  }
0x4f: {  	_ =	shalt  }
0x50: {  	_ =	shalt  }
0x51: {  	_ =	shalt  }
0x52: {  	_ =	shalt  }
0x53: {  	_ =	shalt  }
0x54: {  	_ =	shalt  }
0x55: {  	_ =	shalt  }
0x56: {  	_ =	shalt  }
0x57: {  	_ =	shalt  }
0x58: {  	_ =	shalt  }
0x59: {  	_ =	shalt  }
0x5a: {  	_ =	shalt  }
0x5b: {  	_ =	shalt  }
0x5c: {  	_ =	shalt  }
0x5d: {  	_ =	shalt  }
0x5e: {  	_ =	shalt  }
0x5f: {  	_ =	shalt  }
0x60: {  	_ =	shalt  }
0x61: {  	_ =	shalt  }
0x62: {  	_ =	shalt  }
0x63: {  	_ =	shalt  }
0x64: {  	_ =	shalt  }
0x65: {  	_ =	shalt  }
0x66: {  	_ =	shalt  }
0x67: {  	_ =	shalt  }
0x68: {  	_ =	shalt  }
0x69: {  	_ =	shalt  }
0x6a: {  	_ =	shalt  }
0x6b: {  	_ =	shalt  }
0x6c: {  	_ =	shalt  }
0x6d: {  	_ =	shalt  }
0x6e: {  	_ =	shalt  }
0x6f: {  	_ =	shalt  }
0x70: {  	_ =	shalt  }
0x71: {  	_ =	shalt  }
0x72: {  	_ =	shalt  }
0x73: {  	_ =	shalt  }
0x74: {  	_ =	shalt  }
0x75: {  	_ =	shalt  }
0x76: {  	_ =	shalt  }
0x77: {  	_ =	shalt  }
0x78: {  	_ =	shalt  }
0x79: {  	_ =	shalt  }
0x7a: {  	_ =	shalt  }
0x7b: {  	_ =	shalt  }
0x7c: {  	_ =	shalt  }
0x7d: {  	_ =	shalt  }
0x7e: {  	_ =	shalt  }
0x7f: {  	_ =	shalt  }
0x80: {  	_ =	shalt  }
0x81: {  	_ =	shalt  }
0x82: {  	_ =	shalt  }
0x83: {  	_ =	shalt  }
0x84: {  	_ =	shalt  }
0x85: {  	_ =	shalt  }
0x86: {  	_ =	shalt  }
0x87: {  	_ =	shalt  }
.Lfunc_end0:
.L_simem_size_0:
called_computation_lowered:
.L_overlay_start_0:
0x88: {  	s2 =	sld [smem:$0x3FD9]  }
0x89: {  	s3 =	sld [smem:$0x3FFE];
	_ =	sdelay $0x1  }
0x8a: {  	s1 =	srdreg.scid  }
0x8b: {  	s0 =	sand.u32 $0x1, s1  }
0x8c: {  	s17 =	sshll.u32 s0, $0xA;
	s2 =	sadd.s32 s3, s2  }
0x8d: {  	s2 =	sadd.s32 s2, s17  }
0x8e: {  	[smem:$0x3FC0] =	sst s2  }
0x8f: {  	_ = 	snop  }
0x90: {  	s2 =	sld [smem:$0x3FC9]  }
0x91: {  	s18 =	sld [smem:$0x3FC8];
	(tm) =	ssettm $0x1  }
0x92: {  	s4 =	sld [smem:$0x3FFB];
	_ =	sdelay $0x3  }
0x93: {  	_ =	strace s4  }
0x94: {  	s4 =	sld [smem:$0x3FFC];
	_ =	sdelay $0x3  }
0x95: {  	_ =	strace s4  }
0x96: {  	s4 =	sld [smem:$0x3FFD];
	_ =	sdelay $0x3  }
0x97: {  	_ =	strace s4  }
0x98: {  	_ =	strace $0x8FFFFFFF  }
0x99: {  	s19 =	sld [smem:$0x3FDB];
	_ =	sdelay $0x1  }
0x9a: {  	s5 =	simm.s32 $_scs_section_size  }
0x9b: {  	s6 =	simm.s32 $_size__tile_overlayer_lowered;
	s7 =	simm.s32 $_tile_overlayer_lowered  }
0x9c: {  	s22 =	simm.s32 $0x1BFF;
	s21 =	sshll.u32 s7, $0x1;
	s4 =	sadd.s32 s5, s19  }
0x9d: {  	s8 =	simm.s32 $0x0;
	s20 =	sshll.u32 s6, $0x1;
	s6 =	sadd.s32 s21, s4  }
0x9e: {  	[timem:s8], [sflag:s22] =	dma.local [hbm:s6], s20  }
0x9f: {  	_ =	swait.ge [sflag:s22], s20  }
0xa0: {  	s5 =	ssub.s32 $0x0, s20;
	[sflag:s22] =	ssyncset.done $0x0  }
0xa1: {  	[sflag:s22] =	ssyncadd.s32 s5;
	_ =	sdelay $0x1  }
0xa2: {  	s23 =	simm.s32 $0x1B8B  }
0xa3: {  	_ =	swait.ge [sflag:s23], $0x1  }
0xa4: {  	[sflag:s23] =	ssyncset.done $0x0  }
0xa5: {  	s25 =	simm.s32 $0x1B8E;
	s24 =	sld [smem:$0x3FFE];
	[sflag:s23] =	ssyncadd.s32 $0xFFFFFFFF  }
0xa6: {  	s26 =	simm.s32 $execute0_lowered;
	[smem:$0x3FD2] =	sst s25  }
0xa7: {  	s6 =	sshll.u32 s26, $0x1;
	_ =	strace $0x80000046;
	[dreg:$0x1] =	wrdreg $0xFFFFFFFF  }
0xa8: {  	s28 =	simm.s32 $_size_execute0_lowered;
	s4 =	sadd.s32 s4, s6;
	[dreg:$0x0] =	wrdreg $0x0  }
0xa9: {  	s6 =	sshll.u32 s28, $0x1;
	[dreg:$0x2] =	wrdreg s4  }
0xaa: {  	[dreg:$0x3] =	wrdreg s6  }
0xab: {  	[dreg:$0x4] =	wrdreg $0xC0  }
0xac: {  	_ =	task [dreg:s8], $0x5FFFF  }
0xad: {  	[dreg:$0x1] =	wrdreg $0xFFFFFFFF  }
0xae: {  	[dreg:$0x0] =	wrdreg $0x60  }
0xaf: {  	[dreg:$0x2] =	wrdreg s2  }
0xb0: {  	[dreg:$0x3] =	wrdreg s18  }
0xb1: {  	[dreg:$0x4] =	wrdreg s24  }
0xb2: {  	[dreg:$0x5] =	wrdreg $0x9  }
0xb3: {  	_ =	task.clear_ibuf [dreg:s8], $0x6FFFF;
	_ =	strace $0x90000046  }
0xb4: {  	s29 =	simm.s32 $0x9;
	_ =	strace $0x80000048  }
0xb5: {  	_ =	swait.ge [sflag:s29], $0x1  }
0xb6: {  	[sflag:s29] =	ssyncadd.s32 $0xFFFFFFFF  }
0xb7: {  	_ =	strace $0x90000048  }
0xb8: {  	_ =	sfence  }
0xb9: {  	s30 =	sld [smem:$0x0];
	_ =	sdelay $0x2  }
0xba: {  	s31 =	sshll.u32 s1, $0xD;
	s1 =	sshrl.u32 s1, $0x2  }
0xbb: {  	s3 =	sand.u32 $0x4000, s31;
	s1 =	sadd.s32 s1, s30  }
0xbc: {  	s0 =	sor.u32 s3, s0;
	s1 =	sshll.u32 s1, $0x11  }
0xbd: {  	s0 =	sor.u32 s1, s0  }
0xbe: {  	s0 =	sadd.s32 $0x8F2B, s0  }
0xbf: {  	[sflag:s0] =	ssyncadd.remote.s32 $0x1  }
0xc0: {  	_ =	sfence.sel $0xFFFF  }
0xc1: {  	[dreg:$0x0] =	wrdreg $0xFFFFFFFF;
	(pc) =	sbr.abs _section_cstart, $3  }
0xc2: {  	[dreg:$0x1] =	wrdreg $0xFFFFFFFF  }
0xc3: {  	_ =	task.clear_ibuf [dreg:s8], $0x2FFFF;
	_ =	strace $0x9FFFFFFF  }
0xc4: {  	(tm) =	ssettm $0x7FFFFFFF  }
0xc5: {  	_ =	shalt  }
tec
execute0_lowered:
.L_overlay_start_1:
0x0: {  	(tag) =	ssettag $0x1  }
0x1: {  	s0 =	srdreg.scid;
	s1 =	stileid.u32;
	v4 =	vlaneseq.u32  }
0x2: {  	s4 =	simm.s32 $0x0;
	s18 =	simm.s32 $0x2840;
	s19 =	simm.s32 $0x28C0;
	v0 =	vmul.u32 $0x4, v4  }
0x3: {  	s20 =	simm.s32 $0x2960;
	s23 =	simm.s32 $0x50;
	v17 =	vimm.s32 $0x36147250;
	[smem:$0x7FF] =	sst s4  }
0x4: {  	s2 =	rddreg [dreg:$0x2];
	s15 =	simm.s32 $0x2;
	v18 =	vimm.s32 $0x47250361;
	_ =	strace $0x80000047;
	v1 =	vor.u32 $0x1, v0;
	[tilespmem:$0x1FFA0] =	vst v0  }
0x5: {  	s21 =	simm.s32 $0x80;
	v19 =	vimm.s32 $0x50361472;
	s14 =	simm.s32 $0xEFE0;
	s16 =	simm.s32 $0x3460;
	v55 =	vor.u32 $0x2, v0;
	[tilespmem:$0x1FF40] =	vst v1  }
0x6: {  	v20 =	vimm.s32 $0x61472503;
	s12 =	simm.s32 $0x34E0;
	s13 =	simm.s32 $0xFFE0;
	s17 =	simm.s32 $0x1;
	v56 =	vor.u32 $0x3, v0;
	[tilespmem:$0x1FF50] =	vst v55  }
0x7: {  	s22 =	simm.s32 $0x11430;
	s24 =	simm.s32 $0x11630;
	s25 =	simm.s32 $0x11830;
	v57 =	vor.u32 $0x40, v0;
	[tilespmem:$0x1FF60] =	vst v56  }
0x8: {  	s5 =	sadd.s32 $0xB200, s2;
	s6 =	sadd.s32 $0xB400, s2;
	s7 =	sadd.s32 $0xF4D800, s2;
	v4 =	vmul.u32 $0x5, v4;
	v21 =	vunpack.c.l.s4.s8 v17;
	v58 =	vor.u32 $0x41, v0;
	[tilespmem:$0x1FF70] =	vst v57  }
0x9: {  	s0 =	sand.u32 $0x1, s0;
	s1 =	sshll.u32 s1, $0x1;
	s8 =	sadd.s32 $0x1E8FC00, s2;
	v22 =	vunpack.c.l.s4.s8 v18;
	v17 =	vimm.s32 $0x72503614;
	v59 =	vor.u32 $0x42, v0;
	[tilespmem:$0x1FF80] =	vst v58  }
0xa: {  	s9 =	sadd.s32 $0x1E97C00, s2;
	v23 =	vunpack.c.l.s4.s8 v19;
	v24 =	vunpack.c.l.s4.s8 v20;
	s1 =	sor.u32 s0, s1;
	s0 =	ssub.s32 $0x2, s0;
	v0 =	vor.u32 $0x43, v0;
	[tilespmem:$0x1FF90] =	vst v59  }
0xb: {  	s10 =	sadd.s32 $0x1E9FC00, s2;
	v25 =	vunpack.c.l.s4.s8 v17;
	s3 =	smul.u32 $0x500, s1;
	s30 =	sshrl.u32 s0, $0x1;
	v9 =	vadd.s32 $0x1, v4;
	v60 =	vadd.s32 $0x50, v4;
	[tilespmem:$0x1FFB0] =	vst v0  }
0xc: {  	[dreg:$0x4] =	wrdreg s5;
	s5 =	simm.s32 $0xF7E0;
	v11 =	vadd.s32 $0x2, v4;
	v61 =	vadd.s32 $0x51, v4;
	v13 =	vadd.s32 $0x3, v4;
	s0 =	ssub.s32 s0, s30;
	[tilespmem:$0x1FFC0] =	vst v60  }
0xd: {  	s11 =	sshll.u32 s1, $0x9;
	v62 =	vadd.s32 $0x52, v4;
	v15 =	vadd.s32 $0x4, v4;
	v63 =	vadd.s32 $0x53, v4;
	[tilespmem:$0x1FFD0] =	vst v61;
	s3 =	sadd.s32 s3, s2;
	s0 =	smax.u32 s0, $0x1  }
0xe: {  	s1 =	simm.s32 $0x3560;
	v17 =	vadd.s32 $0x54, v4;
	v18 =	vunpack.c.0.s8.s32 v21;
	v19 =	vunpack.c.0.s8.s32 v22;
	[tilespmem:$0x1FFE0] =	vst v62;
	s31 =	sadd.s32 $0x1200, s3;
	[dreg:$0x6] =	wrdreg s0  }
0xf: {  	v20 =	vunpack.c.0.s8.s32 v23;
	v21 =	vunpack.c.0.s8.s32 v24;
	[tilespmem:$0x1FFF0] =	vst v63;
	v22 =	vunpack.c.0.s8.s32 v25;
	s2 =	simm.s32 $0x0;
	s3 =	simm.s32 $0x107E0;
	[dreg:$0x5] =	wrdreg s31  }
.LBB2_1:
0x10: {  	[dreg:$0x7] =	wrdreg s2  }
0x11: {  	s0 =	rddreg [dreg:$0x4];
	s29 =	simm.s32 $0x10FE0  }
0x12: {  	[tilespmem:s29], [sflag:$0x2] =	stream.linear.gather [hbm4b:s0+s4], $0x400, $0x38;
	[tilespmem:$0x11A30] =	vst v63  }
0x13: {  	_ =	swait.ge [sflag:s15], $0x400  }
0x14: {  	[sflag:s15] =	ssyncset.done $0x0  }
0x15: {  	s31 =	simm.s32 $0x40;
	s30 =	rddreg [dreg:$0x5];
	[sflag:s15] =	ssyncadd.s32 $0xFFFFFC00  }
0x16: {  	[tilespmem:s31], [sflag:$0x2] =	stream.linear.gather [hbm4b:s30+s4], $0x2800, $0x38;
	[tilespmem:$0x11A30] =	vst v63  }
0x17: {  	_ =	swait.ge [sflag:s15], $0x2800  }
0x18: {  	[sflag:s15] =	ssyncset.done $0x0  }
0x19: {  	s26 =	simm.s32 $0x0;
	[sflag:s15] =	ssyncadd.s32 $0xFFFFD800  }
.LBB2_2:
0x1a: {  	s0 =	sshll.u32 s26, $0x5  }
0x1b: {  	s28 =	sadd.s32 s11, s0  }
0x1c: {  	s2 =	rddreg [dreg:$0x0];
	s0 =	sshrl.u32 s28, $0x3  }
0x1d: {  	s29 =	simm.s32 $0x0;
	s2 =	sadd.s32 s2, s0  }
0x1e: {  	[tilespmem:s29], [sflag:$0x2] =	stream.linear.gather [hbm4b:s2+s29], $0x20, $0x38;
	[tilespmem:$0x11A30] =	vst v63  }
0x1f: {  	_ =	swait.ge [sflag:s15], $0x20  }
0x20: {  	[sflag:s15] =	ssyncset.done $0x0  }
0x21: {  	[sflag:s15] =	ssyncadd.s32 $0xFFFFFFE0  }
0x22: {  	s2 =	rddreg [dreg:$0x1]  }
0x23: {  	s0 =	sadd.s32 s2, s0;
	s2 =	simm.s32 $0x20  }
0x24: {  	[tilespmem:s2], [sflag:$0x2] =	stream.linear.gather [hbm4b:s0+s29], $0x20, $0x38;
	[tilespmem:$0x11A30] =	vst v63  }
0x25: {  	_ =	swait.ge [sflag:s15], $0x20  }
0x26: {  	v0 =	vld [tilespmem:$0x1FFA0]  }
0x27: {  	[sflag:s15] =	ssyncset.done $0x0;
	v53 =	vld [tilespmem:$0x1FF40]  }
0x28: {  	v54 =	vld [tilespmem:$0x1FF50];
	[sflag:s15] =	ssyncadd.s32 $0xFFFFFFE0  }
0x29: {  	v23 =	vld [tilespmem:$0x0]  }
0x2a: {  	v55 =	vld [tilespmem:$0x1FF60];
	_ =	sdelay $0x2  }
0x2b: {  	v24 =	vld [tilespmem:$0x20]  }
0x2c: {  	v23 =	vshll.u32 v23, $0x3  }
0x2d: {  	[tilespmem:v0+s18+$0x0] =	vst.idx.msk $0xffff, v23;
	v25 =	vor.u32 $0x1, v23  }
0x2e: {  	[tilespmem:v53+s18+$0x0] =	vst.idx.msk $0xffff, v25;
	v25 =	vor.u32 $0x2, v23  }
0x2f: {  	v23 =	vor.u32 $0x3, v23;
	[tilespmem:v54+s18+$0x0] =	vst.idx.msk $0xffff, v25  }
0x30: {  	v24 =	vshll.u32 v24, $0x3;
	[tilespmem:v55+s18+$0x0] =	vst.idx.msk $0xffff, v23  }
0x31: {  	v23 =	vor.u32 $0x1, v24;
	[tilespmem:v4+s19+$0x0] =	vst.idx.msk $0xffff, v24  }
0x32: {  	v56 =	vld [tilespmem:$0x1FF70];
	[tilespmem:v9+s19+$0x0] =	vst.idx.msk $0xffff, v23;
	v23 =	vor.u32 $0x2, v24  }
0x33: {  	v57 =	vld [tilespmem:$0x1FF80];
	[tilespmem:v11+s19+$0x0] =	vst.idx.msk $0xffff, v23;
	v23 =	vor.u32 $0x3, v24  }
0x34: {  	v58 =	vld [tilespmem:$0x1FF90];
	[tilespmem:v13+s19+$0x0] =	vst.idx.msk $0xffff, v23;
	v23 =	vor.u32 $0x4, v24  }
0x35: {  	v59 =	vld [tilespmem:$0x1FFB0];
	[tilespmem:v15+s19+$0x0] =	vst.idx.msk $0xffff, v23  }
0x36: {  	v23 =	vld [tilespmem:$0x10]  }
0x37: {  	v60 =	vld [tilespmem:$0x1FFC0]  }
0x38: {  	v61 =	vld [tilespmem:$0x1FFD0]  }
0x39: {  	v62 =	vld [tilespmem:$0x1FFE0]  }
0x3a: {  	v24 =	vld [tilespmem:$0x30]  }
0x3b: {  	v63 =	vld [tilespmem:$0x1FFF0];
	v23 =	vshll.u32 v23, $0x3  }
0x3c: {  	[tilespmem:v56+s18+$0x0] =	vst.idx.msk $0xffff, v23;
	v25 =	vor.u32 $0x1, v23  }
0x3d: {  	[tilespmem:v57+s18+$0x0] =	vst.idx.msk $0xffff, v25;
	v25 =	vor.u32 $0x2, v23  }
0x3e: {  	v23 =	vor.u32 $0x3, v23;
	[tilespmem:v58+s18+$0x0] =	vst.idx.msk $0xffff, v25  }
0x3f: {  	s0 =	smul.u32 $0x5, s26;
	v24 =	vshll.u32 v24, $0x3;
	[tilespmem:v59+s18+$0x0] =	vst.idx.msk $0xffff, v23;
	v23 =	vmov s29  }
0x40: {  	v25 =	vor.u32 $0x1, v24;
	[tilespmem:v60+s19+$0x0] =	vst.idx.msk $0xffff, v24;
	v23 =	vmul.u32 $0x5, v23  }
0x41: {  	s2 =	sadd.s32 $0x0, s0;
	[tilespmem:v61+s19+$0x0] =	vst.idx.msk $0xffff, v25;
	v25 =	vor.u32 $0x2, v24  }
0x42: {  	s2 =	sshll.u32 s2, $0x7;
	[tilespmem:v62+s19+$0x0] =	vst.idx.msk $0xffff, v25;
	v25 =	vor.u32 $0x3, v24;
	v23 =	vbroadcast v23, $0x0  }
0x43: {  	s2 =	sand.u32 $0x3FFFFF80, s2;
	s29 =	sand.u32 $0x70, s29;
	v24 =	vor.u32 $0x4, v24;
	[tilespmem:v63+s19+$0x0] =	vst.idx.msk $0xffff, v25  }
0x44: {  	s2 =	sor.u32 s29, s2;
	[tilespmem:v17+s19+$0x0] =	vst.idx.msk $0xffff, v24;
	v24 =	vadd.s32 v4, v23  }
0x45: {  	v26 =	vadd.s32 v9, v23;
	v25 =	vld [tilespmem:s2+$0x40];
	v24 =	vand.u32 $0xFFFFFFF8, v24  }
0x46: {  	v27 =	vadd.s32 v11, v23;
	v26 =	vand.u32 $0xFFFFFFF8, v26;
	v24 =	vor.u32 v18, v24  }
0x47: {  	v27 =	vand.u32 $0xFFFFFFF8, v27;
	v26 =	vor.u32 v19, v26  }
0x48: {  	v27 =	vor.u32 v20, v27  }
0x49: {  	v28 =	vadd.s32 v13, v23  }
0x4a: {  	v28 =	vand.u32 $0xFFFFFFF8, v28;
	v25 =	vshll.u32 v25, $0x3  }
0x4b: {  	v23 =	vadd.s32 v15, v23;
	v28 =	vor.u32 v21, v28;
	[tilespmem:v24+s20+$0x0] =	vst.idx.msk $0xffff, v25;
	v24 =	vor.u32 $0x1, v25  }
0x4c: {  	s2 =	simm.s32 $0x10;
	v23 =	vand.u32 $0xFFFFFFF8, v23;
	[tilespmem:v26+s20+$0x0] =	vst.idx.msk $0xffff, v24;
	v24 =	vor.u32 $0x2, v25  }
0x4d: {  	v29 =	vmov s2;
	[tilespmem:v27+s20+$0x0] =	vst.idx.msk $0xffff, v24;
	v24 =	vor.u32 v22, v23  }
0x4e: {  	s29 =	sadd.s32 $0x0, s0;
	v29 =	vmul.u32 $0x5, v29  }
0x4f: {  	s31 =	sshll.u32 s29, $0x7;
	v26 =	vor.u32 $0x3, v25  }
0x50: {  	s29 =	simm.s32 $0x2;
	s31 =	sand.u32 $0x3FFFFF80, s31;
	s30 =	sand.u32 $0x70, s2;
	v25 =	vor.u32 $0x4, v25;
	v23 =	vbroadcast v29, $0x0;
	[tilespmem:v28+s20+$0x0] =	vst.idx.msk $0xffff, v26  }
.LBB2_3:
0x51: {  	p0 =	sne.s32 s29, $0x27  }
0x52: {  	s30 =	sor.u32 s30, s31;
	v26 =	vadd.s32 v4, v23;
	[tilespmem:v24+s20+$0x0] =	vst.idx.msk $0xffff, v25;
	s31 =	smov.u32 s29;
	s29 =	sadd.s32 $0x1, s29  }
0x53: {  	v24 =	vld [tilespmem:s30+$0x40];
	v25 =	vand.u32 $0xFFFFFFF8, v26;
	v26 =	vadd.s32 v9, v23  }
0x54: {  	v27 =	vadd.s32 v11, v23;
	v25 =	vor.u32 v18, v25;
	v26 =	vand.u32 $0xFFFFFFF8, v26  }
0x55: {  	v28 =	vadd.s32 v13, v23;
	v27 =	vand.u32 $0xFFFFFFF8, v27;
	v26 =	vor.u32 v19, v26  }
0x56: {  	v28 =	vand.u32 $0xFFFFFFF8, v28;
	v23 =	vadd.s32 v15, v23;
	v27 =	vor.u32 v20, v27  }
0x57: {  	s2 =	sadd.s32 $0x10, s2;
	v28 =	vor.u32 v21, v28;
	v23 =	vand.u32 $0xFFFFFFF8, v23  }
.Ltmp0:
0x58: {  	v29 =	vmov s2;
	v30 =	vshll.u32 v24, $0x3;
	v24 =	vor.u32 v22, v23;
	(pc) =	sbr.rel @p0 .LBB2_3-.Ltmp0, $4  }
0x59: {  	s30 =	sshrl.u32 s31, $0x3;
	v23 =	vmul.u32 $0x5, v29;
	[tilespmem:v25+s20+$0x0] =	vst.idx.msk $0xffff, v30;
	v25 =	vor.u32 $0x1, v30  }
0x5a: {  	s30 =	sadd.s32 s0, s30;
	[tilespmem:v26+s20+$0x0] =	vst.idx.msk $0xffff, v25;
	v25 =	vor.u32 $0x2, v30  }
0x5b: {  	s31 =	sshll.u32 s30, $0x7;
	v23 =	vbroadcast v23, $0x0;
	[tilespmem:v27+s20+$0x0] =	vst.idx.msk $0xffff, v25;
	v25 =	vor.u32 $0x3, v30  }
0x5c: {  	s30 =	sand.u32 $0x70, s2;
	s31 =	sand.u32 $0x3FFFFF80, s31;
	[tilespmem:v28+s20+$0x0] =	vst.idx.msk $0xffff, v25;
	v25 =	vor.u32 $0x4, v30  }
0x5d: {  	_ =	sdelay $0x3  }
0x5e: {  	s0 =	sor.u32 s30, s31;
	v26 =	vadd.s32 v4, v23;
	[tilespmem:v24+s20+$0x0] =	vst.idx.msk $0xffff, v25  }
0x5f: {  	v60 =	vadd.s32 v9, v23;
	v24 =	vld [tilespmem:s0+$0x40];
	v59 =	vand.u32 $0xFFFFFFF8, v26  }
0x60: {  	v27 =	vadd.s32 v11, v23;
	v26 =	vand.u32 $0xFFFFFFF8, v60;
	v25 =	vor.u32 v18, v59  }
0x61: {  	v28 =	vadd.s32 v13, v23;
	v27 =	vand.u32 $0xFFFFFFF8, v27;
	v26 =	vor.u32 v19, v26  }
0x62: {  	v23 =	vadd.s32 v15, v23;
	v28 =	vand.u32 $0xFFFFFFF8, v28;
	v27 =	vor.u32 v20, v27  }
0x63: {  	v23 =	vand.u32 $0xFFFFFFF8, v23;
	v28 =	vor.u32 v21, v28  }
0x64: {  	v23 =	vor.u32 v22, v23;
	v24 =	vshll.u32 v24, $0x3  }
0x65: {  	[tilespmem:v25+s20+$0x0] =	vst.idx.msk $0xffff, v24;
	v61 =	vor.u32 $0x1, v24  }
0x66: {  	v62 =	vor.u32 $0x2, v24;
	[tilespmem:v26+s20+$0x0] =	vst.idx.msk $0xffff, v61  }
0x67: {  	v63 =	vor.u32 $0x3, v24;
	[tilespmem:v27+s20+$0x0] =	vst.idx.msk $0xffff, v62  }
0x68: {  	v24 =	vor.u32 $0x4, v24;
	[tilespmem:v28+s20+$0x0] =	vst.idx.msk $0xffff, v63  }
0x69: {  	s2 =	simm.s32 $0x35E0;
	[tilespmem:v23+s20+$0x0] =	vst.idx.msk $0xffff, v24  }
0x6a: {  	[tilespmem:s2], [sflag:$0x1] =	stream.indirect.gather [hbm4b:s6+s21], $0x10, s18, s21, $0xb8;
	[tilespmem:$0x11A30] =	vst v63  }
0x6b: {  	s2 =	simm.s32 $0x3DE0  }
0x6c: {  	[tilespmem:s2], [sflag:$0x1] =	stream.indirect.gather [hbm4b:s7+s23], $0x10, s19, s23, $0xb8;
	[tilespmem:$0x11A30] =	vst v63  }
0x6d: {  	s0 =	simm.s32 $0x2910;
	s2 =	simm.s32 $0x42E0  }
0x6e: {  	[tilespmem:s2], [sflag:$0x1] =	stream.indirect.gather [hbm4b:s7+s23], $0x10, s0, s23, $0xb8;
	[tilespmem:$0x11A30] =	vst v63  }
0x6f: {  	s2 =	simm.s32 $0x47E0  }
0x70: {  	[tilespmem:s2], [sflag:$0x1] =	stream.indirect.gather [hbm4b:s7+s21], $0x10, s20, s21, $0xb8;
	[tilespmem:$0x11A30] =	vst v63  }
0x71: {  	s0 =	simm.s32 $0x29E0;
	s2 =	simm.s32 $0x4FE0  }
0x72: {  	[tilespmem:s2], [sflag:$0x1] =	stream.indirect.gather [hbm4b:s7+s21], $0x10, s0, s21, $0xb8;
	[tilespmem:$0x11A30] =	vst v63  }
0x73: {  	s0 =	simm.s32 $0x2A60;
	s2 =	simm.s32 $0x57E0  }
0x74: {  	[tilespmem:s2], [sflag:$0x1] =	stream.indirect.gather [hbm4b:s7+s21], $0x10, s0, s21, $0xb8;
	[tilespmem:$0x11A30] =	vst v63  }
0x75: {  	s0 =	simm.s32 $0x2AE0;
	s2 =	simm.s32 $0x5FE0  }
0x76: {  	[tilespmem:s2], [sflag:$0x1] =	stream.indirect.gather [hbm4b:s7+s21], $0x10, s0, s21, $0xb8;
	[tilespmem:$0x11A30] =	vst v63  }
0x77: {  	s0 =	simm.s32 $0x2B60;
	s2 =	simm.s32 $0x67E0  }
0x78: {  	[tilespmem:s2], [sflag:$0x1] =	stream.indirect.gather [hbm4b:s7+s21], $0x10, s0, s21, $0xb8;
	[tilespmem:$0x11A30] =	vst v63  }
0x79: {  	s0 =	simm.s32 $0x2BE0;
	s2 =	simm.s32 $0x6FE0  }
0x7a: {  	[tilespmem:s2], [sflag:$0x1] =	stream.indirect.gather [hbm4b:s7+s21], $0x10, s0, s21, $0xb8;
	[tilespmem:$0x11A30] =	vst v63  }
0x7b: {  	s0 =	simm.s32 $0x2C60;
	s2 =	simm.s32 $0x77E0  }
0x7c: {  	[tilespmem:s2], [sflag:$0x1] =	stream.indirect.gather [hbm4b:s7+s21], $0x10, s0, s21, $0xb8;
	[tilespmem:$0x11A30] =	vst v63  }
0x7d: {  	s0 =	simm.s32 $0x2CE0;
	s2 =	simm.s32 $0x7FE0  }
0x7e: {  	[tilespmem:s2], [sflag:$0x1] =	stream.indirect.gather [hbm4b:s7+s21], $0x10, s0, s21, $0xb8;
	[tilespmem:$0x11A30] =	vst v63  }
0x7f: {  	s0 =	simm.s32 $0x2D60;
	s2 =	simm.s32 $0x87E0  }
0x80: {  	[tilespmem:s2], [sflag:$0x1] =	stream.indirect.gather [hbm4b:s7+s21], $0x10, s0, s21, $0xb8;
	[tilespmem:$0x11A30] =	vst v63  }
0x81: {  	s0 =	simm.s32 $0x2DE0;
	s2 =	simm.s32 $0x8FE0  }
0x82: {  	[tilespmem:s2], [sflag:$0x1] =	stream.indirect.gather [hbm4b:s7+s21], $0x10, s0, s21, $0xb8;
	[tilespmem:$0x11A30] =	vst v63  }
0x83: {  	s0 =	simm.s32 $0x2E60;
	s2 =	simm.s32 $0x97E0  }
0x84: {  	[tilespmem:s2], [sflag:$0x1] =	stream.indirect.gather [hbm4b:s7+s21], $0x10, s0, s21, $0xb8;
	[tilespmem:$0x11A30] =	vst v63  }
0x85: {  	s0 =	simm.s32 $0x2EE0;
	s2 =	simm.s32 $0x9FE0  }
0x86: {  	[tilespmem:s2], [sflag:$0x1] =	stream.indirect.gather [hbm4b:s7+s21], $0x10, s0, s21, $0xb8;
	[tilespmem:$0x11A30] =	vst v63  }
0x87: {  	s0 =	simm.s32 $0x2F60;
	s2 =	simm.s32 $0xA7E0  }
0x88: {  	[tilespmem:s2], [sflag:$0x1] =	stream.indirect.gather [hbm4b:s7+s21], $0x10, s0, s21, $0xb8;
	[tilespmem:$0x11A30] =	vst v63  }
0x89: {  	s0 =	simm.s32 $0x2FE0;
	s2 =	simm.s32 $0xAFE0  }
0x8a: {  	[tilespmem:s2], [sflag:$0x1] =	stream.indirect.gather [hbm4b:s7+s21], $0x10, s0, s21, $0xb8;
	[tilespmem:$0x11A30] =	vst v63  }
0x8b: {  	s0 =	simm.s32 $0x3060;
	s2 =	simm.s32 $0xB7E0  }
0x8c: {  	[tilespmem:s2], [sflag:$0x1] =	stream.indirect.gather [hbm4b:s7+s21], $0x10, s0, s21, $0xb8;
	[tilespmem:$0x11A30] =	vst v63  }
0x8d: {  	s0 =	simm.s32 $0x30E0;
	s2 =	simm.s32 $0xBFE0  }
0x8e: {  	[tilespmem:s2], [sflag:$0x1] =	stream.indirect.gather [hbm4b:s7+s21], $0x10, s0, s21, $0xb8;
	[tilespmem:$0x11A30] =	vst v63  }
0x8f: {  	s0 =	simm.s32 $0x3160;
	s2 =	simm.s32 $0xC7E0  }
0x90: {  	[tilespmem:s2], [sflag:$0x1] =	stream.indirect.gather [hbm4b:s7+s21], $0x10, s0, s21, $0xb8;
	[tilespmem:$0x11A30] =	vst v63  }
0x91: {  	s0 =	simm.s32 $0x31E0;
	s2 =	simm.s32 $0xCFE0  }
0x92: {  	[tilespmem:s2], [sflag:$0x1] =	stream.indirect.gather [hbm4b:s7+s21], $0x10, s0, s21, $0xb8;
	[tilespmem:$0x11A30] =	vst v63  }
0x93: {  	s0 =	simm.s32 $0x3260;
	s2 =	simm.s32 $0xD7E0  }
0x94: {  	[tilespmem:s2], [sflag:$0x1] =	stream.indirect.gather [hbm4b:s7+s21], $0x10, s0, s21, $0xb8;
	[tilespmem:$0x11A30] =	vst v63  }
0x95: {  	s0 =	simm.s32 $0x32E0;
	s2 =	simm.s32 $0xDFE0  }
0x96: {  	[tilespmem:s2], [sflag:$0x1] =	stream.indirect.gather [hbm4b:s7+s21], $0x10, s0, s21, $0xb8;
	[tilespmem:$0x11A30] =	vst v63  }
0x97: {  	s0 =	simm.s32 $0x3360;
	s2 =	simm.s32 $0xE7E0  }
0x98: {  	[tilespmem:s2], [sflag:$0x1] =	stream.indirect.gather [hbm4b:s7+s21], $0x10, s0, s21, $0xb8;
	[tilespmem:$0x11A30] =	vst v63  }
0x99: {  	s2 =	simm.s32 $0x33E0  }
0x9a: {  	[tilespmem:s14], [sflag:$0x1] =	stream.indirect.gather [hbm4b:s7+s21], $0x10, s2, s21, $0xb8;
	[tilespmem:$0x11A30] =	vst v63  }
0x9b: {  	_ = 	snop  }
0x9c: {  	[tilespmem:s5], [sflag:$0x1] =	stream.indirect.gather [hbm4b:s7+s21], $0x10, s16, s21, $0xb8;
	[tilespmem:$0x11A30] =	vst v63  }
0x9d: {  	_ = 	snop  }
0x9e: {  	[tilespmem:s13], [sflag:$0x1] =	stream.indirect.gather [hbm4b:s7+s21], $0x10, s12, s21, $0xb8;
	[tilespmem:$0x11A30] =	vst v63  }
0x9f: {  	_ = 	snop  }
0xa0: {  	[tilespmem:s3], [sflag:$0x1] =	stream.indirect.gather [hbm4b:s7+s21], $0x10, s1, s21, $0xb8;
	[tilespmem:$0x11A30] =	vst v63  }
0xa1: {  	_ =	swait.ge [sflag:s17], $0x800  }
0xa2: {  	[sflag:s17] =	ssyncset.done $0x0  }
0xa3: {  	[sflag:s17] =	ssyncadd.s32 $0xFFFFF800  }
0xa4: {  	_ =	swait.ge [sflag:s17], $0x500  }
0xa5: {  	[sflag:s17] =	ssyncset.done $0x0  }
0xa6: {  	[sflag:s17] =	ssyncadd.s32 $0xFFFFFB00  }
0xa7: {  	_ =	swait.ge [sflag:s17], $0x500  }
0xa8: {  	[sflag:s17] =	ssyncset.done $0x0  }
0xa9: {  	[sflag:s17] =	ssyncadd.s32 $0xFFFFFB00  }
0xaa: {  	_ =	swait.ge [sflag:s17], $0x800  }
0xab: {  	[sflag:s17] =	ssyncset.done $0x0  }
0xac: {  	[sflag:s17] =	ssyncadd.s32 $0xFFFFF800  }
0xad: {  	_ =	swait.ge [sflag:s17], $0x800  }
0xae: {  	[sflag:s17] =	ssyncset.done $0x0  }
0xaf: {  	[sflag:s17] =	ssyncadd.s32 $0xFFFFF800  }
0xb0: {  	_ =	swait.ge [sflag:s17], $0x800  }
0xb1: {  	[sflag:s17] =	ssyncset.done $0x0  }
0xb2: {  	[sflag:s17] =	ssyncadd.s32 $0xFFFFF800  }
0xb3: {  	_ =	swait.ge [sflag:s17], $0x800  }
0xb4: {  	[sflag:s17] =	ssyncset.done $0x0  }
0xb5: {  	[sflag:s17] =	ssyncadd.s32 $0xFFFFF800  }
0xb6: {  	_ =	swait.ge [sflag:s17], $0x800  }
0xb7: {  	[sflag:s17] =	ssyncset.done $0x0  }
0xb8: {  	[sflag:s17] =	ssyncadd.s32 $0xFFFFF800  }
0xb9: {  	_ =	swait.ge [sflag:s17], $0x800  }
0xba: {  	[sflag:s17] =	ssyncset.done $0x0  }
0xbb: {  	[sflag:s17] =	ssyncadd.s32 $0xFFFFF800  }
0xbc: {  	_ =	swait.ge [sflag:s17], $0x800  }
0xbd: {  	[sflag:s17] =	ssyncset.done $0x0  }
0xbe: {  	[sflag:s17] =	ssyncadd.s32 $0xFFFFF800  }
0xbf: {  	_ =	swait.ge [sflag:s17], $0x800  }
0xc0: {  	[sflag:s17] =	ssyncset.done $0x0  }
0xc1: {  	[sflag:s17] =	ssyncadd.s32 $0xFFFFF800  }
0xc2: {  	_ =	swait.ge [sflag:s17], $0x800  }
0xc3: {  	[sflag:s17] =	ssyncset.done $0x0  }
0xc4: {  	[sflag:s17] =	ssyncadd.s32 $0xFFFFF800  }
0xc5: {  	_ =	swait.ge [sflag:s17], $0x800  }
0xc6: {  	[sflag:s17] =	ssyncset.done $0x0  }
0xc7: {  	[sflag:s17] =	ssyncadd.s32 $0xFFFFF800  }
0xc8: {  	_ =	swait.ge [sflag:s17], $0x800  }
0xc9: {  	[sflag:s17] =	ssyncset.done $0x0  }
0xca: {  	[sflag:s17] =	ssyncadd.s32 $0xFFFFF800  }
0xcb: {  	_ =	swait.ge [sflag:s17], $0x800  }
0xcc: {  	[sflag:s17] =	ssyncset.done $0x0  }
0xcd: {  	[sflag:s17] =	ssyncadd.s32 $0xFFFFF800  }
0xce: {  	_ =	swait.ge [sflag:s17], $0x800  }
0xcf: {  	[sflag:s17] =	ssyncset.done $0x0  }
0xd0: {  	[sflag:s17] =	ssyncadd.s32 $0xFFFFF800  }
0xd1: {  	_ =	swait.ge [sflag:s17], $0x800  }
0xd2: {  	[sflag:s17] =	ssyncset.done $0x0  }
0xd3: {  	[sflag:s17] =	ssyncadd.s32 $0xFFFFF800  }
0xd4: {  	_ =	swait.ge [sflag:s17], $0x800  }
0xd5: {  	[sflag:s17] =	ssyncset.done $0x0  }
0xd6: {  	[sflag:s17] =	ssyncadd.s32 $0xFFFFF800  }
0xd7: {  	_ =	swait.ge [sflag:s17], $0x800  }
0xd8: {  	[sflag:s17] =	ssyncset.done $0x0  }
0xd9: {  	[sflag:s17] =	ssyncadd.s32 $0xFFFFF800  }
0xda: {  	_ =	swait.ge [sflag:s17], $0x800  }
0xdb: {  	[sflag:s17] =	ssyncset.done $0x0  }
0xdc: {  	[sflag:s17] =	ssyncadd.s32 $0xFFFFF800  }
0xdd: {  	_ =	swait.ge [sflag:s17], $0x800  }
0xde: {  	[sflag:s17] =	ssyncset.done $0x0  }
0xdf: {  	[sflag:s17] =	ssyncadd.s32 $0xFFFFF800  }
0xe0: {  	_ =	swait.ge [sflag:s17], $0x800  }
0xe1: {  	[sflag:s17] =	ssyncset.done $0x0  }
0xe2: {  	[sflag:s17] =	ssyncadd.s32 $0xFFFFF800  }
0xe3: {  	_ =	swait.ge [sflag:s17], $0x800  }
0xe4: {  	[sflag:s17] =	ssyncset.done $0x0  }
0xe5: {  	[sflag:s17] =	ssyncadd.s32 $0xFFFFF800  }
0xe6: {  	_ =	swait.ge [sflag:s17], $0x800  }
0xe7: {  	[sflag:s17] =	ssyncset.done $0x0  }
0xe8: {  	[sflag:s17] =	ssyncadd.s32 $0xFFFFF800  }
0xe9: {  	_ =	swait.ge [sflag:s17], $0x800  }
0xea: {  	[sflag:s17] =	ssyncset.done $0x0  }
0xeb: {  	[sflag:s17] =	ssyncadd.s32 $0xFFFFF800  }
0xec: {  	_ =	swait.ge [sflag:s17], $0x800  }
0xed: {  	[sflag:s17] =	ssyncset.done $0x0  }
0xee: {  	[sflag:s17] =	ssyncadd.s32 $0xFFFFF800  }
0xef: {  	_ =	swait.ge [sflag:s17], $0x800  }
0xf0: {  	[sflag:s17] =	ssyncset.done $0x0  }
0xf1: {  	[sflag:s17] =	ssyncadd.s32 $0xFFFFF800  }
0xf2: {  	_ =	swait.ge [sflag:s17], $0x800  }
0xf3: {  	s29 =	simm.s32 $0x0;
	s30 =	simm.s32 $0x3600;
	[sflag:s17] =	ssyncset.done $0x0  }
0xf4: {  	s31 =	simm.s32 $0x3E00;
	s2 =	simm.s32 $0x4B00;
	[sflag:s17] =	ssyncadd.s32 $0xFFFFF800  }
.LBB2_5:
0xf5: {  	v23 =	vld [tilespmem:s30+$0xFFFFFFE0];
	_ =	sdelay $0x1  }
0xf6: {  	v24 =	vld [tilespmem:$0x10FE0];
	_ =	sdelay $0x1  }
0xf7: {  	v25 =	vld [tilespmem:$0x10FF0]  }
0xf8: {  	v26 =	vbroadcast v23, $0x0  }
0xf9: {  	v27 =	vld [tilespmem:$0x11000]  }
0xfa: {  	v57 =	vbroadcast v23, $0x1;
	v24 =	vmul.f32 v24, v26  }
0xfb: {  	v28 =	vld [tilespmem:$0x11010]  }
0xfc: {  	v58 =	vbroadcast v23, $0x2;
	v25 =	vmul.f32 v25, v57;
	v24 =	vadd.f32 $0.0e+00, v24  }
0xfd: {  	v29 =	vld [tilespmem:$0x11020]  }
0xfe: {  	v60 =	vbroadcast v23, $0x3;
	v59 =	vmul.f32 v27, v58;
	v24 =	vadd.f32 v25, v24  }
0xff: {  	v61 =	vld [tilespmem:$0x11030]  }
0x100: {  	v63 =	vbroadcast v23, $0x4;
	v62 =	vmul.f32 v28, v60;
	v24 =	vadd.f32 v59, v24  }
0x101: {  	v0 =	vld [tilespmem:$0x11040]  }
0x102: {  	v2 =	vbroadcast v23, $0x5;
	v1 =	vmul.f32 v29, v63;
	v24 =	vadd.f32 v62, v24  }
0x103: {  	v32 =	vld [tilespmem:$0x11050]  }
0x104: {  	v34 =	vbroadcast v23, $0x6;
	v33 =	vmul.f32 v61, v2;
	v24 =	vadd.f32 v1, v24  }
0x105: {  	v35 =	vld [tilespmem:$0x11060]  }
0x106: {  	v37 =	vbroadcast v23, $0x7;
	v36 =	vmul.f32 v0, v34;
	v24 =	vadd.f32 v33, v24  }
0x107: {  	v38 =	vld [tilespmem:$0x11070]  }
0x108: {  	v40 =	vbroadcast v23, $0x8;
	v39 =	vmul.f32 v32, v37;
	v24 =	vadd.f32 v36, v24  }
0x109: {  	v41 =	vld [tilespmem:$0x11080]  }
0x10a: {  	v43 =	vbroadcast v23, $0x9;
	v42 =	vmul.f32 v35, v40;
	v24 =	vadd.f32 v39, v24  }
0x10b: {  	v44 =	vld [tilespmem:$0x11090]  }
0x10c: {  	v46 =	vbroadcast v23, $0xA;
	v45 =	vmul.f32 v38, v43;
	v24 =	vadd.f32 v42, v24  }
0x10d: {  	v47 =	vld [tilespmem:$0x110A0]  }
0x10e: {  	v49 =	vbroadcast v23, $0xB;
	v48 =	vmul.f32 v41, v46;
	v24 =	vadd.f32 v45, v24  }
0x10f: {  	v50 =	vld [tilespmem:$0x110B0]  }
0x110: {  	v52 =	vbroadcast v23, $0xC;
	v51 =	vmul.f32 v44, v49;
	v24 =	vadd.f32 v48, v24  }
0x111: {  	v53 =	vld [tilespmem:$0x110C0]  }
0x112: {  	v56 =	vld [tilespmem:$0x110D0];
	v55 =	vbroadcast v23, $0xD;
	v54 =	vmul.f32 v47, v52;
	v24 =	vadd.f32 v51, v24  }
0x113: {  	v30 =	vld [tilespmem:s30+$0xFFFFFFF0]  }
0x114: {  	v57 =	vmul.f32 v50, v55;
	v58 =	vbroadcast v23, $0xE;
	v24 =	vadd.f32 v54, v24  }
0x115: {  	v59 =	vld [tilespmem:$0x110E0]  }
0x116: {  	v23 =	vbroadcast v23, $0xF;
	v60 =	vmul.f32 v53, v58;
	v24 =	vadd.f32 v57, v24  }
0x117: {  	v61 =	vld [tilespmem:$0x110F0]  }
0x118: {  	v23 =	vmul.f32 v56, v23;
	v62 =	vbroadcast v30, $0x0;
	v24 =	vadd.f32 v60, v24  }
0x119: {  	v63 =	vld [tilespmem:$0x11100]  }
0x11a: {  	v1 =	vbroadcast v30, $0x1;
	v0 =	vmul.f32 v59, v62;
	v23 =	vadd.f32 v23, v24  }
0x11b: {  	v2 =	vld [tilespmem:$0x11110]  }
0x11c: {  	v32 =	vbroadcast v30, $0x2;
	v31 =	vmul.f32 v61, v1;
	v23 =	vadd.f32 v0, v23  }
0x11d: {  	v33 =	vld [tilespmem:$0x11120]  }
0x11e: {  	v35 =	vbroadcast v30, $0x3;
	v34 =	vmul.f32 v63, v32;
	v23 =	vadd.f32 v31, v23  }
0x11f: {  	v36 =	vld [tilespmem:$0x11130]  }
0x120: {  	v38 =	vbroadcast v30, $0x4;
	v37 =	vmul.f32 v2, v35;
	v23 =	vadd.f32 v34, v23  }
0x121: {  	v39 =	vld [tilespmem:$0x11140]  }
0x122: {  	v41 =	vbroadcast v30, $0x5;
	v40 =	vmul.f32 v33, v38;
	v23 =	vadd.f32 v37, v23  }
0x123: {  	v42 =	vld [tilespmem:$0x11150]  }
0x124: {  	v44 =	vbroadcast v30, $0x6;
	v43 =	vmul.f32 v36, v41;
	v23 =	vadd.f32 v40, v23  }
0x125: {  	v45 =	vld [tilespmem:$0x11160]  }
0x126: {  	v47 =	vbroadcast v30, $0x7;
	v46 =	vmul.f32 v39, v44;
	v23 =	vadd.f32 v43, v23  }
0x127: {  	v48 =	vld [tilespmem:$0x11170]  }
0x128: {  	v50 =	vbroadcast v30, $0x8;
	v49 =	vmul.f32 v42, v47;
	v23 =	vadd.f32 v46, v23  }
0x129: {  	v51 =	vld [tilespmem:$0x11180]  }
0x12a: {  	v53 =	vbroadcast v30, $0x9;
	v52 =	vmul.f32 v45, v50;
	v23 =	vadd.f32 v49, v23  }
0x12b: {  	v54 =	vld [tilespmem:$0x11190]  }
0x12c: {  	v56 =	vbroadcast v30, $0xA;
	v55 =	vmul.f32 v48, v53;
	v23 =	vadd.f32 v52, v23  }
0x12d: {  	v57 =	vld [tilespmem:$0x111A0]  }
0x12e: {  	v59 =	vbroadcast v30, $0xB;
	v58 =	vmul.f32 v51, v56;
	v23 =	vadd.f32 v55, v23  }
0x12f: {  	v60 =	vld [tilespmem:$0x111B0]  }
0x130: {  	v62 =	vbroadcast v30, $0xC;
	v61 =	vmul.f32 v54, v59;
	v23 =	vadd.f32 v58, v23  }
0x131: {  	v63 =	vld [tilespmem:$0x111C0]  }
0x132: {  	v29 =	vld [tilespmem:s30+$0x0];
	v1 =	vbroadcast v30, $0xD;
	v0 =	vmul.f32 v57, v62;
	v23 =	vadd.f32 v61, v23  }
0x133: {  	v2 =	vld [tilespmem:$0x111D0]  }
0x134: {  	v33 =	vbroadcast v30, $0xE;
	v32 =	vmul.f32 v60, v1;
	v23 =	vadd.f32 v0, v23  }
0x135: {  	v34 =	vld [tilespmem:$0x111E0]  }
0x136: {  	v35 =	vmul.f32 v63, v33;
	v36 =	vbroadcast v30, $0xF;
	v23 =	vadd.f32 v32, v23  }
0x137: {  	v37 =	vld [tilespmem:$0x111F0]  }
0x138: {  	v38 =	vmul.f32 v2, v36;
	v39 =	vbroadcast v29, $0x0;
	v23 =	vadd.f32 v35, v23  }
0x139: {  	v40 =	vld [tilespmem:$0x11200]  }
0x13a: {  	v42 =	vbroadcast v29, $0x1;
	v41 =	vmul.f32 v34, v39;
	v23 =	vadd.f32 v38, v23  }
0x13b: {  	v43 =	vld [tilespmem:$0x11210]  }
0x13c: {  	v45 =	vbroadcast v29, $0x2;
	v44 =	vmul.f32 v37, v42;
	v23 =	vadd.f32 v41, v23  }
0x13d: {  	v46 =	vld [tilespmem:$0x11220]  }
0x13e: {  	v48 =	vbroadcast v29, $0x3;
	v47 =	vmul.f32 v40, v45;
	v23 =	vadd.f32 v44, v23  }
0x13f: {  	v49 =	vld [tilespmem:$0x11230]  }
0x140: {  	v51 =	vbroadcast v29, $0x4;
	v50 =	vmul.f32 v43, v48;
	v23 =	vadd.f32 v47, v23  }
0x141: {  	v52 =	vld [tilespmem:$0x11240]  }
0x142: {  	v54 =	vbroadcast v29, $0x5;
	v53 =	vmul.f32 v46, v51;
	v23 =	vadd.f32 v50, v23  }
0x143: {  	v55 =	vld [tilespmem:$0x11250]  }
0x144: {  	v57 =	vbroadcast v29, $0x6;
	v56 =	vmul.f32 v49, v54;
	v23 =	vadd.f32 v53, v23  }
0x145: {  	v58 =	vld [tilespmem:$0x11260]  }
0x146: {  	v60 =	vbroadcast v29, $0x7;
	v59 =	vmul.f32 v52, v57;
	v23 =	vadd.f32 v56, v23  }
0x147: {  	v61 =	vld [tilespmem:$0x11270]  }
0x148: {  	v63 =	vbroadcast v29, $0x8;
	v62 =	vmul.f32 v55, v60;
	v23 =	vadd.f32 v59, v23  }
0x149: {  	v0 =	vld [tilespmem:$0x11280]  }
0x14a: {  	v2 =	vbroadcast v29, $0x9;
	v1 =	vmul.f32 v58, v63;
	v23 =	vadd.f32 v62, v23  }
0x14b: {  	v32 =	vld [tilespmem:$0x11290]  }
0x14c: {  	v34 =	vbroadcast v29, $0xA;
	v33 =	vmul.f32 v61, v2;
	v23 =	vadd.f32 v1, v23  }
0x14d: {  	v35 =	vld [tilespmem:$0x112A0]  }
0x14e: {  	v37 =	vbroadcast v29, $0xB;
	v36 =	vmul.f32 v0, v34;
	v23 =	vadd.f32 v33, v23  }
0x14f: {  	v38 =	vld [tilespmem:$0x112B0]  }
0x150: {  	v40 =	vbroadcast v29, $0xC;
	v39 =	vmul.f32 v32, v37;
	v23 =	vadd.f32 v36, v23  }
0x151: {  	v41 =	vld [tilespmem:$0x112C0]  }
0x152: {  	v30 =	vld [tilespmem:s30+$0x10];
	v43 =	vbroadcast v29, $0xD;
	v42 =	vmul.f32 v35, v40;
	v23 =	vadd.f32 v39, v23  }
0x153: {  	v44 =	vld [tilespmem:$0x112D0]  }
0x154: {  	v46 =	vbroadcast v29, $0xE;
	v45 =	vmul.f32 v38, v43;
	v23 =	vadd.f32 v42, v23  }
0x155: {  	v47 =	vld [tilespmem:$0x112E0]  }
0x156: {  	v49 =	vbroadcast v29, $0xF;
	v48 =	vmul.f32 v41, v46;
	v23 =	vadd.f32 v45, v23  }
0x157: {  	v50 =	vld [tilespmem:$0x112F0]  }
0x158: {  	v52 =	vbroadcast v30, $0x0;
	v51 =	vmul.f32 v44, v49;
	v23 =	vadd.f32 v48, v23  }
0x159: {  	v53 =	vld [tilespmem:$0x11300]  }
0x15a: {  	v55 =	vbroadcast v30, $0x1;
	v54 =	vmul.f32 v47, v52;
	v23 =	vadd.f32 v51, v23  }
0x15b: {  	v56 =	vld [tilespmem:$0x11310]  }
0x15c: {  	v58 =	vbroadcast v30, $0x2;
	v57 =	vmul.f32 v50, v55;
	v23 =	vadd.f32 v54, v23  }
0x15d: {  	v59 =	vld [tilespmem:$0x11320]  }
0x15e: {  	v61 =	vbroadcast v30, $0x3;
	v60 =	vmul.f32 v53, v58;
	v23 =	vadd.f32 v57, v23  }
0x15f: {  	v62 =	vld [tilespmem:$0x11330]  }
0x160: {  	v0 =	vbroadcast v30, $0x4;
	v63 =	vmul.f32 v56, v61;
	v23 =	vadd.f32 v60, v23  }
0x161: {  	v1 =	vld [tilespmem:$0x11340]  }
0x162: {  	v32 =	vbroadcast v30, $0x5;
	v2 =	vmul.f32 v59, v0;
	v23 =	vadd.f32 v63, v23  }
0x163: {  	v33 =	vld [tilespmem:$0x11350]  }
0x164: {  	v35 =	vbroadcast v30, $0x6;
	v34 =	vmul.f32 v62, v32;
	v23 =	vadd.f32 v2, v23  }
0x165: {  	v36 =	vld [tilespmem:$0x11360]  }
0x166: {  	v38 =	vbroadcast v30, $0x7;
	v37 =	vmul.f32 v1, v35;
	v23 =	vadd.f32 v34, v23  }
0x167: {  	v39 =	vld [tilespmem:$0x11370]  }
0x168: {  	v41 =	vbroadcast v30, $0x8;
	v40 =	vmul.f32 v33, v38;
	v23 =	vadd.f32 v37, v23  }
0x169: {  	v42 =	vld [tilespmem:$0x11380]  }
0x16a: {  	v44 =	vbroadcast v30, $0x9;
	v43 =	vmul.f32 v36, v41;
	v23 =	vadd.f32 v40, v23  }
0x16b: {  	v45 =	vld [tilespmem:$0x11390]  }
0x16c: {  	v47 =	vbroadcast v30, $0xA;
	v46 =	vmul.f32 v39, v44;
	v23 =	vadd.f32 v43, v23  }
0x16d: {  	v48 =	vld [tilespmem:$0x113A0]  }
0x16e: {  	v50 =	vbroadcast v30, $0xB;
	v49 =	vmul.f32 v42, v47;
	v23 =	vadd.f32 v46, v23  }
0x16f: {  	v51 =	vld [tilespmem:$0x113B0]  }
0x170: {  	v53 =	vbroadcast v30, $0xC;
	v52 =	vmul.f32 v45, v50;
	v23 =	vadd.f32 v49, v23  }
0x171: {  	v54 =	vld [tilespmem:$0x113C0]  }
0x172: {  	v56 =	vbroadcast v30, $0xD;
	v55 =	vmul.f32 v48, v53;
	v23 =	vadd.f32 v52, v23  }
0x173: {  	v57 =	vld [tilespmem:$0x113D0]  }
0x174: {  	v59 =	vbroadcast v30, $0xE;
	v58 =	vmul.f32 v51, v56;
	v23 =	vadd.f32 v55, v23;
	_ =	sdelay $0x1  }
0x175: {  	v61 =	vbroadcast v30, $0xF;
	v60 =	vmul.f32 v54, v59;
	v23 =	vadd.f32 v58, v23;
	_ =	sdelay $0x1  }
0x176: {  	v62 =	vmul.f32 v57, v61;
	v23 =	vadd.f32 v60, v23;
	_ =	sdelay $0x1  }
0x177: {  	v23 =	vadd.f32 v62, v23;
	_ =	sdelay $0x1  }
0x178: {  	v24 =	vand.u32 $0x7FFFFFFF, v23  }
0x179: {  	v24 =	vsub.f32 $0.0e+00, v24;
	_ =	sdelay $0x1  }
0x17a: {  	v24 =	vmul.f32 $1.442695020e+00, v24  }
0x17b: {  	s0 =	sshra.s32 s29, $0x2  }
0x17c: {  	[tilespmem:s0+$0x11830] =	vst v23;
	(erf) = vpow2.f32 v24  }
0x17d: {  	v27 =	vld [tilespmem:s30+$0xFFFFFFE0];
	_ =	sdelay $0x4  }
0x17e: {  	[tilespmem:$0x113E0] =	vst v27  }
0x17f: {  	v26 =	vld [tilespmem:s30+$0xFFFFFFF0];
	_ =	sdelay $0x1  }
0x180: {  	v63 =	vpop (erf)  }
0x181: {  	v0 =	vadd.f32 $1.000000000e+00, v63;
	_ =	sdelay $0x1  }
0x182: {  	[tilespmem:$0x113F0] =	vst v26;
	(erf) = vrcp.f32 v0  }
0x183: {  	v25 =	vld [tilespmem:s30+$0x0];
	_ =	sdelay $0x4  }
0x184: {  	[tilespmem:$0x11400] =	vst v25  }
0x185: {  	v24 =	vld [tilespmem:s30+$0x10];
	_ =	sdelay $0x1  }
0x186: {  	v1 =	vpop (erf)  }
0x187: {  	v28 =	vmul.f32 v1, v63  }
0x188: {  	vm0 =	vge.f32 v23, $0.0e+00  }
0x189: {  	[tilespmem:$0x11410] =	vst v24;
	v23 =	vsel vm0, v1, v28  }
0x18a: {  	[tilespmem:$0x11420] =	vst v23  }
0x18b: {  	v28 =	vld [tilespmem:s31+$0xFFFFFFE0]  }
0x18c: {  	v2 =	vld [tilespmem:s2+$0xFFFFFCE0]  }
0x18d: {  	v31 =	vld [tilespmem:s2+$0xFFFFFD30]  }
0x18e: {  	v32 =	vld [tilespmem:s2+$0xFFFFFD80]  }
0x18f: {  	v33 =	vld [tilespmem:s2+$0xFFFFFDD0]  }
0x190: {  	v34 =	vld [tilespmem:s2+$0xFFFFFE20]  }
0x191: {  	v35 =	vld [tilespmem:s2+$0xFFFFFE70]  }
0x192: {  	v36 =	vld [tilespmem:s2+$0xFFFFFEC0]  }
0x193: {  	v37 =	vld [tilespmem:s2+$0xFFFFFF10]  }
0x194: {  	v38 =	vld [tilespmem:s2+$0xFFFFFF60]  }
0x195: {  	v39 =	vld [tilespmem:s2+$0xFFFFFFB0]  }
0x196: {  	v40 =	vld [tilespmem:s2+$0x0]  }
0x197: {  	v41 =	vld [tilespmem:s2+$0x50]  }
0x198: {  	v42 =	vld [tilespmem:s2+$0xA0]  }
0x199: {  	v43 =	vld [tilespmem:s2+$0xF0]  }
0x19a: {  	v44 =	vld [tilespmem:s2+$0x140]  }
0x19b: {  	v45 =	vld [tilespmem:s2+$0x190]  }
0x19c: {  	v46 =	vld [tilespmem:s2+$0x1E0]  }
0x19d: {  	v47 =	vld [tilespmem:s2+$0x230]  }
0x19e: {  	v48 =	vld [tilespmem:s2+$0x280]  }
0x19f: {  	v49 =	vld [tilespmem:s2+$0x2D0]  }
0x1a0: {  	v29 =	vld [tilespmem:s31+$0xFFFFFFF0]  }
0x1a1: {  	v50 =	vld [tilespmem:s2+$0xFFFFFCF0]  }
0x1a2: {  	v51 =	vld [tilespmem:s2+$0xFFFFFD40]  }
0x1a3: {  	v52 =	vld [tilespmem:s2+$0xFFFFFD90]  }
0x1a4: {  	v53 =	vld [tilespmem:s2+$0xFFFFFDE0]  }
0x1a5: {  	v54 =	vld [tilespmem:s2+$0xFFFFFE30]  }
0x1a6: {  	v55 =	vld [tilespmem:s2+$0xFFFFFE80]  }
0x1a7: {  	v56 =	vld [tilespmem:s2+$0xFFFFFED0]  }
0x1a8: {  	v57 =	vld [tilespmem:s2+$0xFFFFFF20]  }
0x1a9: {  	v58 =	vld [tilespmem:s2+$0xFFFFFF70];
	v30 =	vadd.f32 $0.0e+00, v2  }
0x1aa: {  	v59 =	vld [tilespmem:s2+$0xFFFFFFC0]  }
0x1ab: {  	v60 =	vld [tilespmem:s2+$0x10];
	v30 =	vadd.f32 v31, v30  }
0x1ac: {  	v61 =	vld [tilespmem:s2+$0x60]  }
0x1ad: {  	v62 =	vld [tilespmem:s2+$0xB0];
	v30 =	vadd.f32 v32, v30  }
0x1ae: {  	v63 =	vld [tilespmem:s2+$0x100]  }
0x1af: {  	v0 =	vld [tilespmem:s2+$0x150];
	v30 =	vadd.f32 v33, v30  }
0x1b0: {  	v1 =	vld [tilespmem:s2+$0x1A0]  }
0x1b1: {  	v3 =	vld [tilespmem:s2+$0xFFFFFE40];
	v30 =	vadd.f32 v34, v30  }
0x1b2: {  	v5 =	vld [tilespmem:s2+$0xFFFFFEE0]  }
0x1b3: {  	v6 =	vld [tilespmem:s2+$0xFFFFFF80];
	v30 =	vadd.f32 v35, v30  }
0x1b4: {  	v7 =	vld [tilespmem:s2+$0x20]  }
0x1b5: {  	v8 =	vld [tilespmem:s2+$0xC0];
	v35 =	vadd.f32 v36, v30  }
0x1b6: {  	v10 =	vld [tilespmem:s2+$0x160]  }
0x1b7: {  	v12 =	vld [tilespmem:s2+$0x200];
	v35 =	vadd.f32 v37, v35  }
0x1b8: {  	v14 =	vld [tilespmem:s2+$0x2A0]  }
0x1b9: {  	v16 =	vld [tilespmem:s2+$0x2F0];
	v35 =	vadd.f32 v38, v35  }
0x1ba: {  	v2 =	vld [tilespmem:s2+$0xFFFFFDA0]  }
0x1bb: {  	v31 =	vld [tilespmem:s2+$0x2E0];
	v35 =	vadd.f32 v39, v35  }
0x1bc: {  	v36 =	vld [tilespmem:s2+$0xFFFFFD00]  }
0x1bd: {  	v32 =	vld [tilespmem:s2+$0x290];
	v35 =	vadd.f32 v40, v35  }
0x1be: {  	v37 =	vld [tilespmem:s2+$0xFFFFFD50]  }
0x1bf: {  	v33 =	vld [tilespmem:s2+$0x240];
	v35 =	vadd.f32 v41, v35  }
0x1c0: {  	v34 =	vld [tilespmem:s2+$0x1F0]  }
0x1c1: {  	v30 =	vld [tilespmem:s31+$0x0];
	v36 =	vadd.f32 $0.0e+00, v36;
	v35 =	vadd.f32 v42, v35  }
0x1c2: {  	v38 =	vld [tilespmem:s2+$0xFFFFFDF0]  }
0x1c3: {  	v39 =	vld [tilespmem:s2+$0xFFFFFE90];
	v36 =	vadd.f32 v37, v36;
	v35 =	vadd.f32 v43, v35  }
0x1c4: {  	v37 =	vld [tilespmem:s2+$0xFFFFFDC0]  }
0x1c5: {  	v40 =	vld [tilespmem:s2+$0xFFFFFF30];
	v2 =	vadd.f32 v2, v36;
	v35 =	vadd.f32 v44, v35  }
0x1c6: {  	v41 =	vld [tilespmem:s2+$0xFFFFFFD0]  }
0x1c7: {  	v2 =	vadd.f32 v38, v2;
	v38 =	vld [tilespmem:s2+$0xFFFFFE10];
	v35 =	vadd.f32 v45, v35  }
0x1c8: {  	v42 =	vld [tilespmem:s2+$0x70]  }
0x1c9: {  	v35 =	vadd.f32 v46, v35;
	v46 =	vadd.f32 $0.0e+00, v50;
	v50 =	vld [tilespmem:s2+$0xFFFFFD10]  }
0x1ca: {  	v43 =	vld [tilespmem:s2+$0x110]  }
0x1cb: {  	v35 =	vadd.f32 v47, v35;
	v47 =	vld [tilespmem:s2+$0xFFFFFD60]  }
0x1cc: {  	v46 =	vadd.f32 v51, v46;
	v51 =	vld [tilespmem:s2+$0xFFFFFD20]  }
0x1cd: {  	v2 =	vadd.f32 v3, v2;
	v35 =	vadd.f32 v48, v35;
	v48 =	vld [tilespmem:s2+$0xFFFFFDB0]  }
0x1ce: {  	v46 =	vadd.f32 v52, v46;
	v52 =	vadd.f32 $0.0e+00, v50;
	v50 =	vld [tilespmem:s2+$0xFFFFFD70]  }
0x1cf: {  	v2 =	vadd.f32 v39, v2;
	v35 =	vadd.f32 v49, v35;
	v49 =	vld [tilespmem:s2+$0xFFFFFE00]  }
0x1d0: {  	v44 =	vld [tilespmem:s2+$0x1B0];
	v46 =	vadd.f32 v53, v46;
	v36 =	vadd.f32 v47, v52  }
0x1d1: {  	v2 =	vadd.f32 v5, v2;
	v47 =	vld [tilespmem:s2+$0xFFFFFE50];
	v51 =	vadd.f32 $0.0e+00, v51  }
0x1d2: {  	v5 =	vld [tilespmem:s2+$0xFFFFFF00];
	v46 =	vadd.f32 v54, v46;
	v36 =	vadd.f32 v48, v36  }
0x1d3: {  	v53 =	vld [tilespmem:s2+$0xFFFFFEA0];
	v52 =	vadd.f32 v50, v51  }
0x1d4: {  	v54 =	vld [tilespmem:s2+$0xFFFFFE60];
	v46 =	vadd.f32 v55, v46;
	v3 =	vadd.f32 v49, v36  }
0x1d5: {  	v55 =	vld [tilespmem:s2+$0xFFFFFEF0];
	v37 =	vadd.f32 v37, v52  }
0x1d6: {  	v46 =	vadd.f32 v56, v46;
	v56 =	vld [tilespmem:s2+$0xFFFFFEB0];
	v3 =	vadd.f32 v47, v3  }
0x1d7: {  	v49 =	vld [tilespmem:s2+$0xFFFFFF40];
	v37 =	vadd.f32 v38, v37  }
0x1d8: {  	v45 =	vld [tilespmem:s2+$0x250];
	v46 =	vadd.f32 v57, v46;
	v3 =	vadd.f32 v53, v3  }
0x1d9: {  	v2 =	vadd.f32 v40, v2;
	v51 =	vld [tilespmem:s2+$0xFFFFFF90];
	v36 =	vadd.f32 v54, v37  }
0x1da: {  	v52 =	vld [tilespmem:s2+$0xFFFFFF50];
	v46 =	vadd.f32 v58, v46;
	v3 =	vadd.f32 v55, v3  }
0x1db: {  	v2 =	vadd.f32 v6, v2;
	v53 =	vld [tilespmem:s2+$0xFFFFFFE0];
	v36 =	vadd.f32 v56, v36  }
0x1dc: {  	v6 =	vld [tilespmem:s2+$0xFFFFFFA0];
	v46 =	vadd.f32 v59, v46;
	v3 =	vadd.f32 v49, v3  }
0x1dd: {  	v2 =	vadd.f32 v41, v2;
	v55 =	vld [tilespmem:s2+$0x30];
	v5 =	vadd.f32 v5, v36  }
0x1de: {  	v56 =	vld [tilespmem:s2+$0xFFFFFFF0];
	v54 =	vadd.f32 v60, v46;
	v3 =	vadd.f32 v51, v3  }
0x1df: {  	v2 =	vadd.f32 v7, v2;
	v57 =	vld [tilespmem:s2+$0x80];
	v5 =	vadd.f32 v52, v5  }
0x1e0: {  	v7 =	vld [tilespmem:s2+$0x40];
	v38 =	vadd.f32 v61, v54;
	v3 =	vadd.f32 v53, v3  }
0x1e1: {  	v2 =	vadd.f32 v42, v2;
	v5 =	vadd.f32 v6, v5;
	v6 =	vld [tilespmem:s2+$0xD0]  }
0x1e2: {  	v58 =	vld [tilespmem:s2+$0x90];
	v38 =	vadd.f32 v62, v38;
	v3 =	vadd.f32 v55, v3  }
0x1e3: {  	v2 =	vadd.f32 v8, v2;
	v59 =	vld [tilespmem:s2+$0x120];
	v5 =	vadd.f32 v56, v5  }
0x1e4: {  	v8 =	vld [tilespmem:s2+$0xE0];
	v38 =	vadd.f32 v63, v38;
	v3 =	vadd.f32 v57, v3  }
0x1e5: {  	v2 =	vadd.f32 v43, v2;
	v5 =	vadd.f32 v7, v5;
	v7 =	vld [tilespmem:s2+$0x170]  }
0x1e6: {  	v0 =	vadd.f32 v0, v38;
	v3 =	vadd.f32 v6, v3;
	v6 =	vld [tilespmem:s2+$0x130]  }
0x1e7: {  	v2 =	vadd.f32 v10, v2;
	v60 =	vadd.f32 v58, v5;
	v5 =	vld [tilespmem:s2+$0x1C0]  }
0x1e8: {  	v10 =	vld [tilespmem:s2+$0x180];
	v0 =	vadd.f32 v1, v0;
	v3 =	vadd.f32 v59, v3  }
0x1e9: {  	v2 =	vadd.f32 v44, v2;
	v1 =	vadd.f32 v8, v60;
	v8 =	vld [tilespmem:s2+$0x210]  }
0x1ea: {  	v0 =	vadd.f32 v34, v0;
	v3 =	vadd.f32 v7, v3;
	v7 =	vld [tilespmem:s2+$0x1D0]  }
0x1eb: {  	v2 =	vadd.f32 v12, v2;
	v1 =	vadd.f32 v6, v1;
	v6 =	vld [tilespmem:s2+$0x260]  }
0x1ec: {  	v0 =	vadd.f32 v33, v0;
	v3 =	vadd.f32 v5, v3;
	v5 =	vld [tilespmem:s2+$0x220]  }
0x1ed: {  	v2 =	vadd.f32 v45, v2;
	v1 =	vadd.f32 v10, v1;
	v10 =	vld [tilespmem:s2+$0x2B0]  }
0x1ee: {  	v0 =	vadd.f32 v32, v0;
	v3 =	vadd.f32 v8, v3;
	v8 =	vld [tilespmem:s2+$0x270]  }
0x1ef: {  	v12 =	vmul.f32 v28, v27;
	v2 =	vadd.f32 v14, v2;
	v1 =	vadd.f32 v7, v1;
	v7 =	vld [tilespmem:s2+$0x300]  }
0x1f0: {  	v27 =	vmul.f32 v35, v27;
	v0 =	vadd.f32 v31, v0;
	v3 =	vadd.f32 v6, v3;
	v6 =	vld [tilespmem:s2+$0x2C0]  }
0x1f1: {  	v12 =	vadd.f32 $0.0e+00, v12;
	v14 =	vmul.f32 v29, v26;
	v1 =	vadd.f32 v5, v1;
	v5 =	vld [tilespmem:s31+$0x10]  }
0x1f2: {  	v61 =	vadd.f32 $0.0e+00, v27;
	v2 =	vadd.f32 v16, v2;
	v16 =	vld [tilespmem:s2+$0x310];
	v0 =	vmul.f32 v0, v26  }
0x1f3: {  	v3 =	vadd.f32 v10, v3;
	v1 =	vadd.f32 v8, v1;
	v8 =	vld [tilespmem:s31+$0x20]  }
0x1f4: {  	v10 =	vadd.f32 v14, v12;
	v12 =	vmul.f32 v30, v25;
	v0 =	vadd.f32 v0, v61  }
0x1f5: {  	v2 =	vmul.f32 v2, v25;
	v3 =	vadd.f32 v7, v3;
	v1 =	vadd.f32 v6, v1  }
0x1f6: {  	v6 =	vadd.f32 v12, v10;
	v5 =	vmul.f32 v5, v24  }
0x1f7: {  	v0 =	vadd.f32 v2, v0;
	v62 =	vmul.f32 v3, v24;
	v1 =	vadd.f32 v16, v1  }
0x1f8: {  	p0 =	sne.s32 s29, $0x7C0;
	v3 =	vadd.f32 v5, v6;
	v5 =	vmul.f32 v8, v23  }
.Ltmp1:
0x1f9: {  	v0 =	vadd.f32 v62, v0;
	v1 =	vmul.f32 v1, v23;
	(pc) =	sbr.rel @p0 .LBB2_5-.Ltmp1, $4  }
0x1fa: {  	v63 =	vadd.f32 v5, v3  }
0x1fb: {  	v0 =	vadd.f32 v1, v0  }
0x1fc: {  	s29 =	sadd.s32 $0x40, s29;
	[tilespmem:s0+$0x11430] =	vst v63  }
0x1fd: {  	s30 =	sadd.s32 $0x40, s30;
	s2 =	sadd.s32 $0x640, s2;
	s31 =	sadd.s32 $0x50, s31;
	[tilespmem:s0+$0x11630] =	vst v0  }
0x1fe: {  	s0 =	sshll.u32 s28, $0x1  }
0x1ff: {  	s2 =	sadd.s32 s8, s0  }
0x200: {  	[hbm4b:s2+s4] =	stream.linear.scatter [tilespmem:s22], [sflag:$0x2], $0x200, $0x38;
	[tilespmem:$0x11A30] =	vst v63  }
0x201: {  	_ =	swait.ge [sflag:s15], $0x200  }
0x202: {  	[sflag:s15] =	ssyncset.done $0x0  }
0x203: {  	s31 =	sadd.s32 s9, s0;
	[sflag:s15] =	ssyncadd.s32 $0xFFFFFE00  }
0x204: {  	[hbm4b:s31+s4] =	stream.linear.scatter [tilespmem:s24], [sflag:$0x2], $0x200, $0x38;
	[tilespmem:$0x11A30] =	vst v63  }
0x205: {  	s26 =	sadd.s32 $0x1, s26;
	_ =	swait.ge [sflag:s15], $0x200  }
0x206: {  	p0 =	sne.s32 s26, $0x10;
	[sflag:s15] =	ssyncset.done $0x0  }
.Ltmp2:
0x207: {  	s0 =	sadd.s32 s10, s0;
	[sflag:s15] =	ssyncadd.s32 $0xFFFFFE00;
	(pc) =	sbr.rel @p0 .LBB2_2-.Ltmp2, $4  }
0x208: {  	[hbm4b:s0+s4] =	stream.linear.scatter [tilespmem:s25], [sflag:$0x2], $0x200, $0x38;
	[tilespmem:$0x11A30] =	vst v63  }
0x209: {  	_ =	swait.ge [sflag:s15], $0x200  }
0x20a: {  	[sflag:s15] =	ssyncset.done $0x0  }
0x20b: {  	[sflag:s15] =	ssyncadd.s32 $0xFFFFFE00  }
0x20c: {  	s2 =	rddreg [dreg:$0x7]  }
0x20d: {  	s0 =	rddreg [dreg:$0x6];
	s2 =	sadd.s32 $0x1, s2  }
0x20e: {  	p0 =	sne.s32 s2, s0  }
.Ltmp3:
0x20f: {  	_ = 	snop;
	(pc) =	sbr.rel @p0 .LBB2_1-.Ltmp3, $1  }
0x210: {  	_ =	sdelay $0x3  }
0x211: {  	_ =	sfence.sel $0x180000  }
0x212: {  	[bflag:$0x0] =	sbarrier.arrive $0xFFFF  }
0x213: {  	_ =	strace $0x90000047  }
0x214: {  	s0 =	stileid.u32;
	[bflag:$0x2] =	sbarrier.arrive $0xFFFF  }
0x215: {  	p0 =	sne.s32 s0, $0x0;
	s0 =	rddreg [dreg:$0x3]  }
0x216: {  	s0 =	sadd.s32 @!p0 $0x100000, s0  }
0x217: {  	[sflag:s0] =	ssyncadd.tile.s32 @!p0 $0x1;
	_ =	shalt  }
.Lfunc_end2:
_tile_overlayer_lowered:
.L_overlay_start_2:
0x218: {  	(tag) =	ssettag $0x2  }
0x219: {  	s0 =	rddreg [dreg:$0x0];
	s2 =	stileid.u32  }
0x21a: {  	s1 =	rddreg [dreg:$0x1];
	p0 =	sne.s32 s2, $0x0  }
0x21b: {  	s3 =	rddreg [dreg:$0x2];
	[bflag:$0x3] =	sbarrier.arrive $0xFFFF;
	s2 =	simm.s32 @!p0 $0x1C02  }
0x21c: {  	[timem:s3], [sflag:s2] =	dma.local @!p0 [hbm:s0], s1  }
0x21d: {  	s0 =	simm.s32 @!p0 $0x2  }
0x21e: {  	_ =	swait.ge @!p0 [sflag:s0], s1  }
0x21f: {  	s1 =	ssub.s32 @!p0 $0x0, s1;
	[sflag:s0] =	ssyncset.done @!p0 $0x0  }
0x220: {  	[sflag:s0] =	ssyncadd.s32 @!p0 s1  }
0x221: {  	[bflag:$0x3] =	sbarrier.arrive $0xFFFF  }
0x222: {  	_ =	shalt  }

</sc_bundles>
